<compile_context>
chip_gen: v7x
topology: tpu7x:2x2x1
jax: 0.10.2.dev20260603
libtpu: 0.0.44.dev20260713+nightly
codegen_flags: <defaults>
</compile_context>

<pallas_src>
import functools

import jax
import jax.numpy as jnp
from jax import lax
from jax.experimental import pallas as pl
from jax.experimental.pallas import tpu as pltpu
from jax.experimental.pallas import tpu_sc as plsc

N = 10000
NP = 10240
E = 320000
D = 128
NC = 2
NS = 16
NW = NC * NS
EPW = E // NW
BLK = 80
NBLK = EPW // BLK
RPT = NP // NS
ZR = 128
DEGW = 8


def _sc_body(with_deg, *refs):
    if with_deg:
        (h, src, dst, zrows, zdeg, ones16,
         aggp, degp, agg_sh, deg_sh, zbuf, dzbuf, ones,
         rows0, rows1, sidx0, sidx1, didx0, didx1, sem0, sem1) = refs
    else:
        (h, src, dst, zrows,
         aggp, agg_sh, zbuf,
         rows0, rows1, sidx0, sidx1, didx0, didx1, sem0, sem1) = refs
    rows_b = (rows0, rows1)
    sidx_b = (sidx0, sidx1)
    didx_b = (didx0, didx1)
    sem_b = (sem0, sem1)

    c = lax.axis_index("c")
    s = lax.axis_index("s")
    w = s * NC + c
    ebase = w * EPW

    pltpu.sync_copy(zrows, zbuf)
    for k in range(RPT // ZR):
        pltpu.sync_copy(zbuf, agg_sh.at[pl.ds(s * RPT + k * ZR, ZR)])
    if with_deg:
        pltpu.sync_copy(zdeg, dzbuf)
        pltpu.sync_copy(ones16, ones)
        pltpu.sync_copy(dzbuf, deg_sh.at[pl.ds(s * RPT, RPT)])
    plsc.subcore_barrier()

    def start_gather(i, b):
        base = ebase + i * BLK
        pltpu.sync_copy(src.at[pl.ds(base, BLK)], sidx_b[b])
        pltpu.sync_copy(dst.at[pl.ds(base, BLK)], didx_b[b])
        pltpu.async_copy(h.at[sidx_b[b]], rows_b[b], sem_b[b])

    def finish_block(b):
        pltpu.make_async_copy(h.at[sidx_b[b]], rows_b[b], sem_b[b]).wait()
        pltpu.sync_copy(rows_b[b], agg_sh.at[didx_b[b]], add=True)
        if with_deg:
            pltpu.sync_copy(ones, deg_sh.at[didx_b[b]], add=True)

    start_gather(0, 0)

    def pair(j, carry):
        for b in range(2):
            i = 2 * j + b

            @pl.when(i < NBLK)
            def _():
                @pl.when(i + 1 < NBLK)
                def _():
                    start_gather(i + 1, 1 - b)

                finish_block(b)
        return carry

    lax.fori_loop(0, (NBLK + 1) // 2, pair, 0)
    plsc.subcore_barrier()

    for k in range(RPT // ZR):
        row = s * RPT + k * ZR
        pltpu.sync_copy(agg_sh.at[pl.ds(row, ZR)], zbuf)
        pltpu.sync_copy(zbuf, aggp.at[c, pl.ds(row, ZR)])
    if with_deg:
        pltpu.sync_copy(deg_sh.at[pl.ds(s * RPT, RPT)], dzbuf)
        pltpu.sync_copy(dzbuf, degp.at[c, pl.ds(s * RPT, RPT)])


@functools.cache
def _make_sc_agg(with_deg):
    mesh = plsc.VectorSubcoreMesh(core_axis_name="c", subcore_axis_name="s",
                                  num_cores=NC, num_subcores=NS)
    out_type = [jax.ShapeDtypeStruct((NC, NP, D), jnp.float32)]
    scratch = [
        pltpu.VMEM_SHARED((NP, D), jnp.float32),
    ]
    if with_deg:
        out_type.append(jax.ShapeDtypeStruct((NC, NP, DEGW), jnp.float32))
        scratch.append(pltpu.VMEM_SHARED((NP, DEGW), jnp.float32))
    scratch += [pltpu.VMEM((ZR, D), jnp.float32)]
    if with_deg:
        scratch += [
            pltpu.VMEM((RPT, DEGW), jnp.float32),
            pltpu.VMEM((BLK, DEGW), jnp.float32),
        ]
    scratch += [
        pltpu.VMEM((BLK, D), jnp.float32),
        pltpu.VMEM((BLK, D), jnp.float32),
        pltpu.VMEM((BLK,), jnp.int32),
        pltpu.VMEM((BLK,), jnp.int32),
        pltpu.VMEM((BLK,), jnp.int32),
        pltpu.VMEM((BLK,), jnp.int32),
        pltpu.SemaphoreType.DMA,
        pltpu.SemaphoreType.DMA,
    ]
    return pl.kernel(
        functools.partial(_sc_body, with_deg),
        out_type=out_type,
        mesh=mesh,
        scratch_types=scratch,
        compiler_params=pltpu.CompilerParams(use_tc_tiling_on_sc=False),
    )


def _tc_body(relu, aggp_ref, degp_ref, h_ref, wl_ref, wr_ref, b_ref, out_ref):
    agg = aggp_ref[0] + aggp_ref[1]
    deg = degp_ref[0, :, 0:1] + degp_ref[1, :, 0:1]
    dn = (((1,), (1,)), ((), ()))
    acc = lax.dot_general(agg / jnp.maximum(deg, 1.0), wl_ref[...], dn,
                          preferred_element_type=jnp.float32,
                          precision=lax.Precision.HIGHEST)
    acc = acc + lax.dot_general(h_ref[...], wr_ref[...], dn,
                                preferred_element_type=jnp.float32,
                                precision=lax.Precision.HIGHEST)
    acc = acc + b_ref[...]
    if relu:
        acc = jnp.maximum(acc, 0.0)
    out_ref[...] = acc


@functools.cache
def _make_tc_layer(relu):
    BM = 1024
    return pl.pallas_call(
        functools.partial(_tc_body, relu),
        grid=(NP // BM,),
        in_specs=[
            pl.BlockSpec((NC, BM, D), lambda i: (0, i, 0)),
            pl.BlockSpec((NC, BM, DEGW), lambda i: (0, i, 0)),
            pl.BlockSpec((BM, D), lambda i: (i, 0)),
            pl.BlockSpec((D, D), lambda i: (0, 0)),
            pl.BlockSpec((D, D), lambda i: (0, 0)),
            pl.BlockSpec((1, D), lambda i: (0, 0)),
        ],
        out_specs=pl.BlockSpec((BM, D), lambda i: (i, 0)),
        out_shape=jax.ShapeDtypeStruct((NP, D), jnp.float32),
    )


def kernel(x, edge_index, W1l, W1r, W2l, W2r, W3l, W3r, b1, b2, b3):
    src = edge_index[0]
    dst = edge_index[1]
    x = jnp.concatenate([x, jnp.zeros((NP - N, D), jnp.float32)], axis=0)
    zrows = jnp.zeros((ZR, D), jnp.float32)
    zdeg = jnp.zeros((RPT, DEGW), jnp.float32)
    ones16 = jnp.ones((BLK, DEGW), jnp.float32)

    aggp1, degp = _make_sc_agg(True)(x, src, dst, zrows, zdeg, ones16)
    h1 = _make_tc_layer(True)(aggp1, degp, x, W1l, W1r, b1.reshape(1, D))
    aggp2, = _make_sc_agg(False)(h1, src, dst, zrows)
    h2 = _make_tc_layer(True)(aggp2, degp, h1, W2l, W2r, b2.reshape(1, D))
    aggp3, = _make_sc_agg(False)(h2, src, dst, zrows)
    h3 = _make_tc_layer(False)(aggp3, degp, h2, W3l, W3r, b3.reshape(1, D))
    return h3[:N]

# --- scband reference (transcript-rebuilt; emitter-appended) ---
"""Pipeline reference for scband-gnn-63058709840617 (READ-ONLY COPY).

The authoritative reference and input builder live on the scoring server;
editing this copy changes nothing except your own understanding.
"""

import jax, jax.numpy as jnp
import numpy as np

N_NODES = 10000
N_EDGES = 320000
D = 128


def _sage_conv(x, src, dst, Wl, bl, Wr):
    # PyG SAGEConv with mean aggregation:
    # out = lin_l(mean_{j in N(i)} x_j) + lin_r(x_i)
    n = x.shape[0]
    msgs = x[src]
    agg = jax.ops.segment_sum(msgs, dst, num_segments=n)
    deg = jax.ops.segment_sum(jnp.ones((src.shape[0],), x.dtype), dst, num_segments=n)
    agg = agg / jnp.clip(deg, 1.0)[:, None]
    return agg @ Wl.T + bl + x @ Wr.T


def setup_inputs(seed: int = 0) -> dict:
    key = jax.random.key(seed)
    ks = jax.random.split(key, 12)
    x = jax.random.normal(ks[0], (N_NODES, D), dtype=jnp.float32)
    edge_index = jax.random.randint(ks[1], (2, N_EDGES), 0, N_NODES, dtype=jnp.int32)
    s = 1.0 / np.sqrt(D)
    params = {}
    names = ['W1l', 'W1r', 'W2l', 'W2r', 'W3l', 'W3r']
    for i, nm in enumerate(names):
        params[nm] = jax.random.normal(ks[2 + i], (D, D), dtype=jnp.float32) * s
    params['b1'] = jnp.zeros((D,), dtype=jnp.float32)
    params['b2'] = jnp.zeros((D,), dtype=jnp.float32)
    params['b3'] = jnp.zeros((D,), dtype=jnp.float32)
    return {'x': x, 'edge_index': edge_index, **params}


def reference(x, edge_index, W1l, W1r, W2l, W2r, W3l, W3r, b1, b2, b3):
    src = edge_index[0]
    dst = edge_index[1]
    # dropout layers are identity in eval mode
    h = jax.nn.relu(_sage_conv(x, src, dst, W1l, b1, W1r))
    h = jax.nn.relu(_sage_conv(h, src, dst, W2l, b2, W2r))
    h = _sage_conv(h, src, dst, W3l, b3, W3r)
    return h

if __name__ == "__main__":
    import jax
    _d = setup_inputs()
    print(jax.jit(kernel)(*tuple(_d.values())))

</pallas_src>

<mosaic_0001>
#map = affine_map<(d0, d1) -> (0, 0)>
#map1 = affine_map<(d0, d1) -> (0)>
#map2 = affine_map<(d0, d1) -> (0, 0, 0)>
module attributes {stable_mosaic.version = 14 : i64} {
  func.func @_sc_body(%arg0: i32, %arg1: i32, %arg2: memref<10240x128xf32, #tpu.memory_space<hbm>>, %arg3: memref<320000xi32, #tpu.memory_space<hbm>>, %arg4: memref<320000xi32, #tpu.memory_space<hbm>>, %arg5: memref<128x128xf32, #tpu.memory_space<hbm>>, %arg6: memref<2x10240x128xf32, #tpu.memory_space<hbm>>, %arg7: memref<10240x128xf32, #tpu.memory_space<vmem_shared>>, %arg8: memref<128x128xf32, #tpu.memory_space<vmem>>, %arg9: memref<80x128xf32, #tpu.memory_space<vmem>>, %arg10: memref<80x128xf32, #tpu.memory_space<vmem>>, %arg11: memref<80xi32, #tpu.memory_space<vmem>>, %arg12: memref<80xi32, #tpu.memory_space<vmem>>, %arg13: memref<80xi32, #tpu.memory_space<vmem>>, %arg14: memref<80xi32, #tpu.memory_space<vmem>>, %arg15: memref<!tpu.dma_semaphore, #tpu.memory_space<semaphore_mem>>, %arg16: memref<!tpu.dma_semaphore, #tpu.memory_space<semaphore_mem>>) attributes {dimension_semantics = [#tpu.dimension_semantics<core_parallel>, #tpu.dimension_semantics<subcore_parallel>], iteration_bounds = array<i64: 2, 16>, scalar_prefetch = 0 : i64, scratch_operands = 10 : i64, tpu.core_type = #tpu.core_type<sc_vector_subcore>, window_params = [{transform_indices = #map}, {transform_indices = #map1}, {transform_indices = #map1}, {transform_indices = #map}, {transform_indices = #map2}]} {
    %mul3A = arith.constant 2 : i32
    %mul3A_0 = arith.muli %arg1, %mul3A : i32
    %add3A = arith.addi %mul3A_0, %arg0 : i32
    %mul3A_1 = arith.constant 10000 : i32
    %mul3A_2 = arith.muli %add3A, %mul3A_1 : i32
    "tpu.region"() ({
      %run_scoped3A = tpu.sem_alloc : memref<!tpu.dma_semaphore, #tpu.memory_space<semaphore_mem>>
      tpu.enqueue_dma source(%arg5 : memref<128x128xf32, #tpu.memory_space<hbm>>) target(%arg8 : memref<128x128xf32, #tpu.memory_space<vmem>>) target_semaphore(%run_scoped3A : memref<!tpu.dma_semaphore, #tpu.memory_space<semaphore_mem>>)
      tpu.wait_dma2 semaphore(%run_scoped3A : memref<!tpu.dma_semaphore, #tpu.memory_space<semaphore_mem>>) src(%arg5 : memref<128x128xf32, #tpu.memory_space<hbm>>) dst(%arg8 : memref<128x128xf32, #tpu.memory_space<vmem>>)
      tpu.yield
    }) : () -> ()
    %mul3A_3 = arith.constant 640 : i32
    %mul3A_4 = arith.muli %arg1, %mul3A_3 : i32
    %add3A_5 = arith.constant 0 : i32
    %add3A_6 = arith.addi %mul3A_4, %add3A_5 : i32
    "tpu.region"() ({
      %run_scoped3A = tpu.sem_alloc : memref<!tpu.dma_semaphore, #tpu.memory_space<semaphore_mem>>
      %dma_start3A_53 = arith.constant 0 : i32
      %dma_start3A_54 = tpu.memref_slice %arg7[%add3A_6, %dma_start3A_53] : memref<10240x128xf32, #tpu.memory_space<vmem_shared>> -> memref<128x128xf32, #tpu.memory_space<vmem_shared>>
      %dma_start3A_55 = arith.constant 0 : i32
      %dma_start3A_56 = tpu.memref_slice %arg7[%add3A_6, %dma_start3A_55] : memref<10240x128xf32, #tpu.memory_space<vmem_shared>> -> memref<128x128xf32, #tpu.memory_space<vmem_shared>>
      tpu.enqueue_dma source(%arg8 : memref<128x128xf32, #tpu.memory_space<vmem>>) target(%dma_start3A_56 : memref<128x128xf32, #tpu.memory_space<vmem_shared>>) target_semaphore(%run_scoped3A : memref<!tpu.dma_semaphore, #tpu.memory_space<semaphore_mem>>)
      %dma_wait3A = arith.constant 0 : i32
      %dma_wait3A_57 = tpu.memref_slice %arg7[%add3A_6, %dma_wait3A] : memref<10240x128xf32, #tpu.memory_space<vmem_shared>> -> memref<128x128xf32, #tpu.memory_space<vmem_shared>>
      %dma_wait3A_58 = arith.constant 0 : i32
      %dma_wait3A_59 = tpu.memref_slice %arg7[%add3A_6, %dma_wait3A_58] : memref<10240x128xf32, #tpu.memory_space<vmem_shared>> -> memref<128x128xf32, #tpu.memory_space<vmem_shared>>
      tpu.wait_dma2 semaphore(%run_scoped3A : memref<!tpu.dma_semaphore, #tpu.memory_space<semaphore_mem>>) src(%arg8 : memref<128x128xf32, #tpu.memory_space<vmem>>) dst(%dma_wait3A_59 : memref<128x128xf32, #tpu.memory_space<vmem_shared>>)
      tpu.yield
    }) : () -> ()
    %mul3A_7 = arith.constant 640 : i32
    %mul3A_8 = arith.muli %arg1, %mul3A_7 : i32
    %add3A_9 = arith.constant 128 : i32
    %add3A_10 = arith.addi %mul3A_8, %add3A_9 : i32
    "tpu.region"() ({
      %run_scoped3A = tpu.sem_alloc : memref<!tpu.dma_semaphore, #tpu.memory_space<semaphore_mem>>
      %dma_start3A_53 = arith.constant 0 : i32
      %dma_start3A_54 = tpu.memref_slice %arg7[%add3A_10, %dma_start3A_53] : memref<10240x128xf32, #tpu.memory_space<vmem_shared>> -> memref<128x128xf32, #tpu.memory_space<vmem_shared>>
      %dma_start3A_55 = arith.constant 0 : i32
      %dma_start3A_56 = tpu.memref_slice %arg7[%add3A_10, %dma_start3A_55] : memref<10240x128xf32, #tpu.memory_space<vmem_shared>> -> memref<128x128xf32, #tpu.memory_space<vmem_shared>>
      tpu.enqueue_dma source(%arg8 : memref<128x128xf32, #tpu.memory_space<vmem>>) target(%dma_start3A_56 : memref<128x128xf32, #tpu.memory_space<vmem_shared>>) target_semaphore(%run_scoped3A : memref<!tpu.dma_semaphore, #tpu.memory_space<semaphore_mem>>)
      %dma_wait3A = arith.constant 0 : i32
      %dma_wait3A_57 = tpu.memref_slice %arg7[%add3A_10, %dma_wait3A] : memref<10240x128xf32, #tpu.memory_space<vmem_shared>> -> memref<128x128xf32, #tpu.memory_space<vmem_shared>>
      %dma_wait3A_58 = arith.constant 0 : i32
      %dma_wait3A_59 = tpu.memref_slice %arg7[%add3A_10, %dma_wait3A_58] : memref<10240x128xf32, #tpu.memory_space<vmem_shared>> -> memref<128x128xf32, #tpu.memory_space<vmem_shared>>
      tpu.wait_dma2 semaphore(%run_scoped3A : memref<!tpu.dma_semaphore, #tpu.memory_space<semaphore_mem>>) src(%arg8 : memref<128x128xf32, #tpu.memory_space<vmem>>) dst(%dma_wait3A_59 : memref<128x128xf32, #tpu.memory_space<vmem_shared>>)
      tpu.yield
    }) : () -> ()
    %mul3A_11 = arith.constant 640 : i32
    %mul3A_12 = arith.muli %arg1, %mul3A_11 : i32
    %add3A_13 = arith.constant 256 : i32
    %add3A_14 = arith.addi %mul3A_12, %add3A_13 : i32
    "tpu.region"() ({
      %run_scoped3A = tpu.sem_alloc : memref<!tpu.dma_semaphore, #tpu.memory_space<semaphore_mem>>
      %dma_start3A_53 = arith.constant 0 : i32
      %dma_start3A_54 = tpu.memref_slice %arg7[%add3A_14, %dma_start3A_53] : memref<10240x128xf32, #tpu.memory_space<vmem_shared>> -> memref<128x128xf32, #tpu.memory_space<vmem_shared>>
      %dma_start3A_55 = arith.constant 0 : i32
      %dma_start3A_56 = tpu.memref_slice %arg7[%add3A_14, %dma_start3A_55] : memref<10240x128xf32, #tpu.memory_space<vmem_shared>> -> memref<128x128xf32, #tpu.memory_space<vmem_shared>>
      tpu.enqueue_dma source(%arg8 : memref<128x128xf32, #tpu.memory_space<vmem>>) target(%dma_start3A_56 : memref<128x128xf32, #tpu.memory_space<vmem_shared>>) target_semaphore(%run_scoped3A : memref<!tpu.dma_semaphore, #tpu.memory_space<semaphore_mem>>)
      %dma_wait3A = arith.constant 0 : i32
      %dma_wait3A_57 = tpu.memref_slice %arg7[%add3A_14, %dma_wait3A] : memref<10240x128xf32, #tpu.memory_space<vmem_shared>> -> memref<128x128xf32, #tpu.memory_space<vmem_shared>>
      %dma_wait3A_58 = arith.constant 0 : i32
      %dma_wait3A_59 = tpu.memref_slice %arg7[%add3A_14, %dma_wait3A_58] : memref<10240x128xf32, #tpu.memory_space<vmem_shared>> -> memref<128x128xf32, #tpu.memory_space<vmem_shared>>
      tpu.wait_dma2 semaphore(%run_scoped3A : memref<!tpu.dma_semaphore, #tpu.memory_space<semaphore_mem>>) src(%arg8 : memref<128x128xf32, #tpu.memory_space<vmem>>) dst(%dma_wait3A_59 : memref<128x128xf32, #tpu.memory_space<vmem_shared>>)
      tpu.yield
    }) : () -> ()
    %mul3A_15 = arith.constant 640 : i32
    %mul3A_16 = arith.muli %arg1, %mul3A_15 : i32
    %add3A_17 = arith.constant 384 : i32
    %add3A_18 = arith.addi %mul3A_16, %add3A_17 : i32
    "tpu.region"() ({
      %run_scoped3A = tpu.sem_alloc : memref<!tpu.dma_semaphore, #tpu.memory_space<semaphore_mem>>
      %dma_start3A_53 = arith.constant 0 : i32
      %dma_start3A_54 = tpu.memref_slice %arg7[%add3A_18, %dma_start3A_53] : memref<10240x128xf32, #tpu.memory_space<vmem_shared>> -> memref<128x128xf32, #tpu.memory_space<vmem_shared>>
      %dma_start3A_55 = arith.constant 0 : i32
      %dma_start3A_56 = tpu.memref_slice %arg7[%add3A_18, %dma_start3A_55] : memref<10240x128xf32, #tpu.memory_space<vmem_shared>> -> memref<128x128xf32, #tpu.memory_space<vmem_shared>>
      tpu.enqueue_dma source(%arg8 : memref<128x128xf32, #tpu.memory_space<vmem>>) target(%dma_start3A_56 : memref<128x128xf32, #tpu.memory_space<vmem_shared>>) target_semaphore(%run_scoped3A : memref<!tpu.dma_semaphore, #tpu.memory_space<semaphore_mem>>)
      %dma_wait3A = arith.constant 0 : i32
      %dma_wait3A_57 = tpu.memref_slice %arg7[%add3A_18, %dma_wait3A] : memref<10240x128xf32, #tpu.memory_space<vmem_shared>> -> memref<128x128xf32, #tpu.memory_space<vmem_shared>>
      %dma_wait3A_58 = arith.constant 0 : i32
      %dma_wait3A_59 = tpu.memref_slice %arg7[%add3A_18, %dma_wait3A_58] : memref<10240x128xf32, #tpu.memory_space<vmem_shared>> -> memref<128x128xf32, #tpu.memory_space<vmem_shared>>
      tpu.wait_dma2 semaphore(%run_scoped3A : memref<!tpu.dma_semaphore, #tpu.memory_space<semaphore_mem>>) src(%arg8 : memref<128x128xf32, #tpu.memory_space<vmem>>) dst(%dma_wait3A_59 : memref<128x128xf32, #tpu.memory_space<vmem_shared>>)
      tpu.yield
    }) : () -> ()
    %mul3A_19 = arith.constant 640 : i32
    %mul3A_20 = arith.muli %arg1, %mul3A_19 : i32
    %add3A_21 = arith.constant 512 : i32
    %add3A_22 = arith.addi %mul3A_20, %add3A_21 : i32
    "tpu.region"() ({
      %run_scoped3A = tpu.sem_alloc : memref<!tpu.dma_semaphore, #tpu.memory_space<semaphore_mem>>
      %dma_start3A_53 = arith.constant 0 : i32
      %dma_start3A_54 = tpu.memref_slice %arg7[%add3A_22, %dma_start3A_53] : memref<10240x128xf32, #tpu.memory_space<vmem_shared>> -> memref<128x128xf32, #tpu.memory_space<vmem_shared>>
      %dma_start3A_55 = arith.constant 0 : i32
      %dma_start3A_56 = tpu.memref_slice %arg7[%add3A_22, %dma_start3A_55] : memref<10240x128xf32, #tpu.memory_space<vmem_shared>> -> memref<128x128xf32, #tpu.memory_space<vmem_shared>>
      tpu.enqueue_dma source(%arg8 : memref<128x128xf32, #tpu.memory_space<vmem>>) target(%dma_start3A_56 : memref<128x128xf32, #tpu.memory_space<vmem_shared>>) target_semaphore(%run_scoped3A : memref<!tpu.dma_semaphore, #tpu.memory_space<semaphore_mem>>)
      %dma_wait3A = arith.constant 0 : i32
      %dma_wait3A_57 = tpu.memref_slice %arg7[%add3A_22, %dma_wait3A] : memref<10240x128xf32, #tpu.memory_space<vmem_shared>> -> memref<128x128xf32, #tpu.memory_space<vmem_shared>>
      %dma_wait3A_58 = arith.constant 0 : i32
      %dma_wait3A_59 = tpu.memref_slice %arg7[%add3A_22, %dma_wait3A_58] : memref<10240x128xf32, #tpu.memory_space<vmem_shared>> -> memref<128x128xf32, #tpu.memory_space<vmem_shared>>
      tpu.wait_dma2 semaphore(%run_scoped3A : memref<!tpu.dma_semaphore, #tpu.memory_space<semaphore_mem>>) src(%arg8 : memref<128x128xf32, #tpu.memory_space<vmem>>) dst(%dma_wait3A_59 : memref<128x128xf32, #tpu.memory_space<vmem_shared>>)
      tpu.yield
    }) : () -> ()
    %barrier3A = arith.constant 0 : index
    tpu.barrier barrier_id(%barrier3A)
    %add3A_23 = arith.constant 0 : i32
    %add3A_24 = arith.addi %mul3A_2, %add3A_23 : i32
    "tpu.region"() ({
      %run_scoped3A = tpu.sem_alloc : memref<!tpu.dma_semaphore, #tpu.memory_space<semaphore_mem>>
      %dma_start3A_53 = tpu.memref_slice %arg3[%add3A_24] : memref<320000xi32, #tpu.memory_space<hbm>> -> memref<80xi32, #tpu.memory_space<hbm>>
      %dma_start3A_54 = tpu.memref_slice %arg3[%add3A_24] : memref<320000xi32, #tpu.memory_space<hbm>> -> memref<80xi32, #tpu.memory_space<hbm>>
      tpu.enqueue_dma source(%dma_start3A_54 : memref<80xi32, #tpu.memory_space<hbm>>) target(%arg11 : memref<80xi32, #tpu.memory_space<vmem>>) target_semaphore(%run_scoped3A : memref<!tpu.dma_semaphore, #tpu.memory_space<semaphore_mem>>)
      %dma_wait3A = tpu.memref_slice %arg3[%add3A_24] : memref<320000xi32, #tpu.memory_space<hbm>> -> memref<80xi32, #tpu.memory_space<hbm>>
      %dma_wait3A_55 = tpu.memref_slice %arg3[%add3A_24] : memref<320000xi32, #tpu.memory_space<hbm>> -> memref<80xi32, #tpu.memory_space<hbm>>
      tpu.wait_dma2 semaphore(%run_scoped3A : memref<!tpu.dma_semaphore, #tpu.memory_space<semaphore_mem>>) src(%dma_wait3A_55 : memref<80xi32, #tpu.memory_space<hbm>>) dst(%arg11 : memref<80xi32, #tpu.memory_space<vmem>>)
      tpu.yield
    }) : () -> ()
    "tpu.region"() ({
      %run_scoped3A = tpu.sem_alloc : memref<!tpu.dma_semaphore, #tpu.memory_space<semaphore_mem>>
      %dma_start3A_53 = tpu.memref_slice %arg4[%add3A_24] : memref<320000xi32, #tpu.memory_space<hbm>> -> memref<80xi32, #tpu.memory_space<hbm>>
      %dma_start3A_54 = tpu.memref_slice %arg4[%add3A_24] : memref<320000xi32, #tpu.memory_space<hbm>> -> memref<80xi32, #tpu.memory_space<hbm>>
      tpu.enqueue_dma source(%dma_start3A_54 : memref<80xi32, #tpu.memory_space<hbm>>) target(%arg13 : memref<80xi32, #tpu.memory_space<vmem>>) target_semaphore(%run_scoped3A : memref<!tpu.dma_semaphore, #tpu.memory_space<semaphore_mem>>)
      %dma_wait3A = tpu.memref_slice %arg4[%add3A_24] : memref<320000xi32, #tpu.memory_space<hbm>> -> memref<80xi32, #tpu.memory_space<hbm>>
      %dma_wait3A_55 = tpu.memref_slice %arg4[%add3A_24] : memref<320000xi32, #tpu.memory_space<hbm>> -> memref<80xi32, #tpu.memory_space<hbm>>
      tpu.wait_dma2 semaphore(%run_scoped3A : memref<!tpu.dma_semaphore, #tpu.memory_space<semaphore_mem>>) src(%dma_wait3A_55 : memref<80xi32, #tpu.memory_space<hbm>>) dst(%arg13 : memref<80xi32, #tpu.memory_space<vmem>>)
      tpu.yield
    }) : () -> ()
    %dma_start3A = arith.constant 0 : i32
    %dma_start3A_25 = arith.constant 0 : i32
    %dma_start3A_26 = tpu.memref_slice %arg2[%dma_start3A, %dma_start3A_25] : memref<10240x128xf32, #tpu.memory_space<hbm>> -> memref<10240x128xf32, #tpu.memory_space<hbm>>
    tpu.enqueue_indirect_dma source(%dma_start3A_26 : memref<10240x128xf32, #tpu.memory_space<hbm>>) target(%arg9 : memref<80x128xf32, #tpu.memory_space<vmem>>) offsets(%arg11 : memref<80xi32, #tpu.memory_space<vmem>>) semaphore(%arg15 : memref<!tpu.dma_semaphore, #tpu.memory_space<semaphore_mem>>)
    %scan3A = arith.constant 0 : i32
    %scan3A_27 = arith.constant 0 : i32
    %scan3A_28 = arith.constant 63 : i32
    %scan3A_29 = arith.addi %scan3A_27, %scan3A_28 : i32
    %scan3A_30 = arith.constant 1 : i32
    scf.for %scan3A_53 = %scan3A_27 to %scan3A_29 step %scan3A_30  : i32 {
      %mul3A_54 = arith.constant 2 : i32
      %mul3A_55 = arith.muli %mul3A_54, %scan3A_53 : i32
      %add3A_56 = arith.constant 0 : i32
      %add3A_57 = arith.addi %mul3A_55, %add3A_56 : i32
      %lt3A = arith.constant 125 : i32
      %lt3A_58 = arith.cmpi slt, %add3A_57, %lt3A : i32
      %convert_element_type3A = arith.extui %lt3A_58 : i1 to i32
      %cond3A = arith.constant 0 : i32
      %cond3A_59 = arith.cmpi ne, %convert_element_type3A, %cond3A : i32
      scf.if %cond3A_59 {
        %add3A_69 = arith.constant 1 : i32
        %add3A_70 = arith.addi %add3A_57, %add3A_69 : i32
        %lt3A_71 = arith.constant 125 : i32
        %lt3A_72 = arith.cmpi slt, %add3A_70, %lt3A_71 : i32
        %convert_element_type3A_73 = arith.extui %lt3A_72 : i1 to i32
        %cond3A_74 = arith.constant 0 : i32
        %cond3A_75 = arith.cmpi ne, %convert_element_type3A_73, %cond3A_74 : i32
        scf.if %cond3A_75 {
          %add3A_78 = arith.constant 1 : i32
          %add3A_79 = arith.addi %add3A_57, %add3A_78 : i32
          %mul3A_80 = arith.constant 80 : i32
          %mul3A_81 = arith.muli %add3A_79, %mul3A_80 : i32
          %add3A_82 = arith.addi %mul3A_2, %mul3A_81 : i32
          "tpu.region"() ({
            %run_scoped3A = tpu.sem_alloc : memref<!tpu.dma_semaphore, #tpu.memory_space<semaphore_mem>>
            %dma_start3A_86 = tpu.memref_slice %arg3[%add3A_82] : memref<320000xi32, #tpu.memory_space<hbm>> -> memref<80xi32, #tpu.memory_space<hbm>>
            %dma_start3A_87 = tpu.memref_slice %arg3[%add3A_82] : memref<320000xi32, #tpu.memory_space<hbm>> -> memref<80xi32, #tpu.memory_space<hbm>>
            tpu.enqueue_dma source(%dma_start3A_87 : memref<80xi32, #tpu.memory_space<hbm>>) target(%arg12 : memref<80xi32, #tpu.memory_space<vmem>>) target_semaphore(%run_scoped3A : memref<!tpu.dma_semaphore, #tpu.memory_space<semaphore_mem>>)
            %dma_wait3A_88 = tpu.memref_slice %arg3[%add3A_82] : memref<320000xi32, #tpu.memory_space<hbm>> -> memref<80xi32, #tpu.memory_space<hbm>>
            %dma_wait3A_89 = tpu.memref_slice %arg3[%add3A_82] : memref<320000xi32, #tpu.memory_space<hbm>> -> memref<80xi32, #tpu.memory_space<hbm>>
            tpu.wait_dma2 semaphore(%run_scoped3A : memref<!tpu.dma_semaphore, #tpu.memory_space<semaphore_mem>>) src(%dma_wait3A_89 : memref<80xi32, #tpu.memory_space<hbm>>) dst(%arg12 : memref<80xi32, #tpu.memory_space<vmem>>)
            tpu.yield
          }) : () -> ()
          "tpu.region"() ({
            %run_scoped3A = tpu.sem_alloc : memref<!tpu.dma_semaphore, #tpu.memory_space<semaphore_mem>>
            %dma_start3A_86 = tpu.memref_slice %arg4[%add3A_82] : memref<320000xi32, #tpu.memory_space<hbm>> -> memref<80xi32, #tpu.memory_space<hbm>>
            %dma_start3A_87 = tpu.memref_slice %arg4[%add3A_82] : memref<320000xi32, #tpu.memory_space<hbm>> -> memref<80xi32, #tpu.memory_space<hbm>>
            tpu.enqueue_dma source(%dma_start3A_87 : memref<80xi32, #tpu.memory_space<hbm>>) target(%arg14 : memref<80xi32, #tpu.memory_space<vmem>>) target_semaphore(%run_scoped3A : memref<!tpu.dma_semaphore, #tpu.memory_space<semaphore_mem>>)
            %dma_wait3A_88 = tpu.memref_slice %arg4[%add3A_82] : memref<320000xi32, #tpu.memory_space<hbm>> -> memref<80xi32, #tpu.memory_space<hbm>>
            %dma_wait3A_89 = tpu.memref_slice %arg4[%add3A_82] : memref<320000xi32, #tpu.memory_space<hbm>> -> memref<80xi32, #tpu.memory_space<hbm>>
            tpu.wait_dma2 semaphore(%run_scoped3A : memref<!tpu.dma_semaphore, #tpu.memory_space<semaphore_mem>>) src(%dma_wait3A_89 : memref<80xi32, #tpu.memory_space<hbm>>) dst(%arg14 : memref<80xi32, #tpu.memory_space<vmem>>)
            tpu.yield
          }) : () -> ()
          %dma_start3A_83 = arith.constant 0 : i32
          %dma_start3A_84 = arith.constant 0 : i32
          %dma_start3A_85 = tpu.memref_slice %arg2[%dma_start3A_83, %dma_start3A_84] : memref<10240x128xf32, #tpu.memory_space<hbm>> -> memref<10240x128xf32, #tpu.memory_space<hbm>>
          tpu.enqueue_indirect_dma source(%dma_start3A_85 : memref<10240x128xf32, #tpu.memory_space<hbm>>) target(%arg10 : memref<80x128xf32, #tpu.memory_space<vmem>>) offsets(%arg12 : memref<80xi32, #tpu.memory_space<vmem>>) semaphore(%arg16 : memref<!tpu.dma_semaphore, #tpu.memory_space<semaphore_mem>>)
        } else {
        }
        %dma_wait3A = arith.constant 0 : i32
        %dma_wait3A_76 = arith.constant 0 : i32
        %dma_wait3A_77 = tpu.memref_slice %arg2[%dma_wait3A, %dma_wait3A_76] : memref<10240x128xf32, #tpu.memory_space<hbm>> -> memref<10240x128xf32, #tpu.memory_space<hbm>>
        tpu.wait_indirect_dma semaphore(%arg15 : memref<!tpu.dma_semaphore, #tpu.memory_space<semaphore_mem>>) src(%dma_wait3A_77 : memref<10240x128xf32, #tpu.memory_space<hbm>>) dst(%arg9 : memref<80x128xf32, #tpu.memory_space<vmem>>)
        "tpu.region"() ({
          %run_scoped3A = tpu.sem_alloc : memref<!tpu.dma_semaphore, #tpu.memory_space<semaphore_mem>>
          %dma_start3A_78 = arith.constant 0 : i32
          %dma_start3A_79 = arith.constant 0 : i32
          %dma_start3A_80 = tpu.memref_slice %arg7[%dma_start3A_78, %dma_start3A_79] : memref<10240x128xf32, #tpu.memory_space<vmem_shared>> -> memref<10240x128xf32, #tpu.memory_space<vmem_shared>>
          tpu.enqueue_indirect_dma source(%arg9 : memref<80x128xf32, #tpu.memory_space<vmem>>) target(%dma_start3A_80 : memref<10240x128xf32, #tpu.memory_space<vmem_shared>>) offsets(%arg13 : memref<80xi32, #tpu.memory_space<vmem>>) semaphore(%run_scoped3A : memref<!tpu.dma_semaphore, #tpu.memory_space<semaphore_mem>>) {add = true}
          %dma_wait3A_81 = arith.constant 0 : i32
          %dma_wait3A_82 = arith.constant 0 : i32
          %dma_wait3A_83 = tpu.memref_slice %arg7[%dma_wait3A_81, %dma_wait3A_82] : memref<10240x128xf32, #tpu.memory_space<vmem_shared>> -> memref<10240x128xf32, #tpu.memory_space<vmem_shared>>
          tpu.wait_indirect_dma semaphore(%run_scoped3A : memref<!tpu.dma_semaphore, #tpu.memory_space<semaphore_mem>>) src(%arg9 : memref<80x128xf32, #tpu.memory_space<vmem>>) dst(%dma_wait3A_83 : memref<10240x128xf32, #tpu.memory_space<vmem_shared>>)
          tpu.yield
        }) : () -> ()
      } else {
      }
      %mul3A_60 = arith.constant 2 : i32
      %mul3A_61 = arith.muli %mul3A_60, %scan3A_53 : i32
      %add3A_62 = arith.constant 1 : i32
      %add3A_63 = arith.addi %mul3A_61, %add3A_62 : i32
      %lt3A_64 = arith.constant 125 : i32
      %lt3A_65 = arith.cmpi slt, %add3A_63, %lt3A_64 : i32
      %convert_element_type3A_66 = arith.extui %lt3A_65 : i1 to i32
      %cond3A_67 = arith.constant 0 : i32
      %cond3A_68 = arith.cmpi ne, %convert_element_type3A_66, %cond3A_67 : i32
      scf.if %cond3A_68 {
        %add3A_69 = arith.constant 1 : i32
        %add3A_70 = arith.addi %add3A_63, %add3A_69 : i32
        %lt3A_71 = arith.constant 125 : i32
        %lt3A_72 = arith.cmpi slt, %add3A_70, %lt3A_71 : i32
        %convert_element_type3A_73 = arith.extui %lt3A_72 : i1 to i32
        %cond3A_74 = arith.constant 0 : i32
        %cond3A_75 = arith.cmpi ne, %convert_element_type3A_73, %cond3A_74 : i32
        scf.if %cond3A_75 {
          %add3A_78 = arith.constant 1 : i32
          %add3A_79 = arith.addi %add3A_63, %add3A_78 : i32
          %mul3A_80 = arith.constant 80 : i32
          %mul3A_81 = arith.muli %add3A_79, %mul3A_80 : i32
          %add3A_82 = arith.addi %mul3A_2, %mul3A_81 : i32
          "tpu.region"() ({
            %run_scoped3A = tpu.sem_alloc : memref<!tpu.dma_semaphore, #tpu.memory_space<semaphore_mem>>
            %dma_start3A_86 = tpu.memref_slice %arg3[%add3A_82] : memref<320000xi32, #tpu.memory_space<hbm>> -> memref<80xi32, #tpu.memory_space<hbm>>
            %dma_start3A_87 = tpu.memref_slice %arg3[%add3A_82] : memref<320000xi32, #tpu.memory_space<hbm>> -> memref<80xi32, #tpu.memory_space<hbm>>
            tpu.enqueue_dma source(%dma_start3A_87 : memref<80xi32, #tpu.memory_space<hbm>>) target(%arg11 : memref<80xi32, #tpu.memory_space<vmem>>) target_semaphore(%run_scoped3A : memref<!tpu.dma_semaphore, #tpu.memory_space<semaphore_mem>>)
            %dma_wait3A_88 = tpu.memref_slice %arg3[%add3A_82] : memref<320000xi32, #tpu.memory_space<hbm>> -> memref<80xi32, #tpu.memory_space<hbm>>
            %dma_wait3A_89 = tpu.memref_slice %arg3[%add3A_82] : memref<320000xi32, #tpu.memory_space<hbm>> -> memref<80xi32, #tpu.memory_space<hbm>>
            tpu.wait_dma2 semaphore(%run_scoped3A : memref<!tpu.dma_semaphore, #tpu.memory_space<semaphore_mem>>) src(%dma_wait3A_89 : memref<80xi32, #tpu.memory_space<hbm>>) dst(%arg11 : memref<80xi32, #tpu.memory_space<vmem>>)
            tpu.yield
          }) : () -> ()
          "tpu.region"() ({
            %run_scoped3A = tpu.sem_alloc : memref<!tpu.dma_semaphore, #tpu.memory_space<semaphore_mem>>
            %dma_start3A_86 = tpu.memref_slice %arg4[%add3A_82] : memref<320000xi32, #tpu.memory_space<hbm>> -> memref<80xi32, #tpu.memory_space<hbm>>
            %dma_start3A_87 = tpu.memref_slice %arg4[%add3A_82] : memref<320000xi32, #tpu.memory_space<hbm>> -> memref<80xi32, #tpu.memory_space<hbm>>
            tpu.enqueue_dma source(%dma_start3A_87 : memref<80xi32, #tpu.memory_space<hbm>>) target(%arg13 : memref<80xi32, #tpu.memory_space<vmem>>) target_semaphore(%run_scoped3A : memref<!tpu.dma_semaphore, #tpu.memory_space<semaphore_mem>>)
            %dma_wait3A_88 = tpu.memref_slice %arg4[%add3A_82] : memref<320000xi32, #tpu.memory_space<hbm>> -> memref<80xi32, #tpu.memory_space<hbm>>
            %dma_wait3A_89 = tpu.memref_slice %arg4[%add3A_82] : memref<320000xi32, #tpu.memory_space<hbm>> -> memref<80xi32, #tpu.memory_space<hbm>>
            tpu.wait_dma2 semaphore(%run_scoped3A : memref<!tpu.dma_semaphore, #tpu.memory_space<semaphore_mem>>) src(%dma_wait3A_89 : memref<80xi32, #tpu.memory_space<hbm>>) dst(%arg13 : memref<80xi32, #tpu.memory_space<vmem>>)
            tpu.yield
          }) : () -> ()
          %dma_start3A_83 = arith.constant 0 : i32
          %dma_start3A_84 = arith.constant 0 : i32
          %dma_start3A_85 = tpu.memref_slice %arg2[%dma_start3A_83, %dma_start3A_84] : memref<10240x128xf32, #tpu.memory_space<hbm>> -> memref<10240x128xf32, #tpu.memory_space<hbm>>
          tpu.enqueue_indirect_dma source(%dma_start3A_85 : memref<10240x128xf32, #tpu.memory_space<hbm>>) target(%arg9 : memref<80x128xf32, #tpu.memory_space<vmem>>) offsets(%arg11 : memref<80xi32, #tpu.memory_space<vmem>>) semaphore(%arg15 : memref<!tpu.dma_semaphore, #tpu.memory_space<semaphore_mem>>)
        } else {
        }
        %dma_wait3A = arith.constant 0 : i32
        %dma_wait3A_76 = arith.constant 0 : i32
        %dma_wait3A_77 = tpu.memref_slice %arg2[%dma_wait3A, %dma_wait3A_76] : memref<10240x128xf32, #tpu.memory_space<hbm>> -> memref<10240x128xf32, #tpu.memory_space<hbm>>
        tpu.wait_indirect_dma semaphore(%arg16 : memref<!tpu.dma_semaphore, #tpu.memory_space<semaphore_mem>>) src(%dma_wait3A_77 : memref<10240x128xf32, #tpu.memory_space<hbm>>) dst(%arg10 : memref<80x128xf32, #tpu.memory_space<vmem>>)
        "tpu.region"() ({
          %run_scoped3A = tpu.sem_alloc : memref<!tpu.dma_semaphore, #tpu.memory_space<semaphore_mem>>
          %dma_start3A_78 = arith.constant 0 : i32
          %dma_start3A_79 = arith.constant 0 : i32
          %dma_start3A_80 = tpu.memref_slice %arg7[%dma_start3A_78, %dma_start3A_79] : memref<10240x128xf32, #tpu.memory_space<vmem_shared>> -> memref<10240x128xf32, #tpu.memory_space<vmem_shared>>
          tpu.enqueue_indirect_dma source(%arg10 : memref<80x128xf32, #tpu.memory_space<vmem>>) target(%dma_start3A_80 : memref<10240x128xf32, #tpu.memory_space<vmem_shared>>) offsets(%arg14 : memref<80xi32, #tpu.memory_space<vmem>>) semaphore(%run_scoped3A : memref<!tpu.dma_semaphore, #tpu.memory_space<semaphore_mem>>) {add = true}
          %dma_wait3A_81 = arith.constant 0 : i32
          %dma_wait3A_82 = arith.constant 0 : i32
          %dma_wait3A_83 = tpu.memref_slice %arg7[%dma_wait3A_81, %dma_wait3A_82] : memref<10240x128xf32, #tpu.memory_space<vmem_shared>> -> memref<10240x128xf32, #tpu.memory_space<vmem_shared>>
          tpu.wait_indirect_dma semaphore(%run_scoped3A : memref<!tpu.dma_semaphore, #tpu.memory_space<semaphore_mem>>) src(%arg10 : memref<80x128xf32, #tpu.memory_space<vmem>>) dst(%dma_wait3A_83 : memref<10240x128xf32, #tpu.memory_space<vmem_shared>>)
          tpu.yield
        }) : () -> ()
      } else {
      }
    }
    %scan3A_31 = arith.constant 63 : i32
    %barrier3A_32 = arith.constant 0 : index
    tpu.barrier barrier_id(%barrier3A_32)
    %mul3A_33 = arith.constant 640 : i32
    %mul3A_34 = arith.muli %arg1, %mul3A_33 : i32
    %add3A_35 = arith.constant 0 : i32
    %add3A_36 = arith.addi %mul3A_34, %add3A_35 : i32
    "tpu.region"() ({
      %run_scoped3A = tpu.sem_alloc : memref<!tpu.dma_semaphore, #tpu.memory_space<semaphore_mem>>
      %dma_start3A_53 = arith.constant 0 : i32
      %dma_start3A_54 = tpu.memref_slice %arg7[%add3A_36, %dma_start3A_53] : memref<10240x128xf32, #tpu.memory_space<vmem_shared>> -> memref<128x128xf32, #tpu.memory_space<vmem_shared>>
      %dma_start3A_55 = arith.constant 0 : i32
      %dma_start3A_56 = tpu.memref_slice %arg7[%add3A_36, %dma_start3A_55] : memref<10240x128xf32, #tpu.memory_space<vmem_shared>> -> memref<128x128xf32, #tpu.memory_space<vmem_shared>>
      tpu.enqueue_dma source(%dma_start3A_56 : memref<128x128xf32, #tpu.memory_space<vmem_shared>>) target(%arg8 : memref<128x128xf32, #tpu.memory_space<vmem>>) target_semaphore(%run_scoped3A : memref<!tpu.dma_semaphore, #tpu.memory_space<semaphore_mem>>)
      %dma_wait3A = arith.constant 0 : i32
      %dma_wait3A_57 = tpu.memref_slice %arg7[%add3A_36, %dma_wait3A] : memref<10240x128xf32, #tpu.memory_space<vmem_shared>> -> memref<128x128xf32, #tpu.memory_space<vmem_shared>>
      %dma_wait3A_58 = arith.constant 0 : i32
      %dma_wait3A_59 = tpu.memref_slice %arg7[%add3A_36, %dma_wait3A_58] : memref<10240x128xf32, #tpu.memory_space<vmem_shared>> -> memref<128x128xf32, #tpu.memory_space<vmem_shared>>
      tpu.wait_dma2 semaphore(%run_scoped3A : memref<!tpu.dma_semaphore, #tpu.memory_space<semaphore_mem>>) src(%dma_wait3A_59 : memref<128x128xf32, #tpu.memory_space<vmem_shared>>) dst(%arg8 : memref<128x128xf32, #tpu.memory_space<vmem>>)
      tpu.yield
    }) : () -> ()
    "tpu.region"() ({
      %run_scoped3A = tpu.sem_alloc : memref<!tpu.dma_semaphore, #tpu.memory_space<semaphore_mem>>
      %dma_start3A_53 = arith.constant 0 : i32
      %dma_start3A_54 = tpu.memref_slice %arg6[%arg0, %add3A_36, %dma_start3A_53] : memref<2x10240x128xf32, #tpu.memory_space<hbm>> -> memref<1x128x128xf32, #tpu.memory_space<hbm>>
      %dma_start3A_55 = tpu.memref_squeeze %dma_start3A_54 : memref<1x128x128xf32, #tpu.memory_space<hbm>> -> memref<128x128xf32, #tpu.memory_space<hbm>>
      %dma_start3A_56 = arith.constant 0 : i32
      %dma_start3A_57 = tpu.memref_slice %arg6[%arg0, %add3A_36, %dma_start3A_56] : memref<2x10240x128xf32, #tpu.memory_space<hbm>> -> memref<1x128x128xf32, #tpu.memory_space<hbm>>
      %dma_start3A_58 = tpu.memref_squeeze %dma_start3A_57 : memref<1x128x128xf32, #tpu.memory_space<hbm>> -> memref<128x128xf32, #tpu.memory_space<hbm>>
      tpu.enqueue_dma source(%arg8 : memref<128x128xf32, #tpu.memory_space<vmem>>) target(%dma_start3A_58 : memref<128x128xf32, #tpu.memory_space<hbm>>) target_semaphore(%run_scoped3A : memref<!tpu.dma_semaphore, #tpu.memory_space<semaphore_mem>>)
      %dma_wait3A = arith.constant 0 : i32
      %dma_wait3A_59 = tpu.memref_slice %arg6[%arg0, %add3A_36, %dma_wait3A] : memref<2x10240x128xf32, #tpu.memory_space<hbm>> -> memref<1x128x128xf32, #tpu.memory_space<hbm>>
      %dma_wait3A_60 = tpu.memref_squeeze %dma_wait3A_59 : memref<1x128x128xf32, #tpu.memory_space<hbm>> -> memref<128x128xf32, #tpu.memory_space<hbm>>
      %dma_wait3A_61 = arith.constant 0 : i32
      %dma_wait3A_62 = tpu.memref_slice %arg6[%arg0, %add3A_36, %dma_wait3A_61] : memref<2x10240x128xf32, #tpu.memory_space<hbm>> -> memref<1x128x128xf32, #tpu.memory_space<hbm>>
      %dma_wait3A_63 = tpu.memref_squeeze %dma_wait3A_62 : memref<1x128x128xf32, #tpu.memory_space<hbm>> -> memref<128x128xf32, #tpu.memory_space<hbm>>
      tpu.wait_dma2 semaphore(%run_scoped3A : memref<!tpu.dma_semaphore, #tpu.memory_space<semaphore_mem>>) src(%arg8 : memref<128x128xf32, #tpu.memory_space<vmem>>) dst(%dma_wait3A_63 : memref<128x128xf32, #tpu.memory_space<hbm>>)
      tpu.yield
    }) : () -> ()
    %mul3A_37 = arith.constant 640 : i32
    %mul3A_38 = arith.muli %arg1, %mul3A_37 : i32
    %add3A_39 = arith.constant 128 : i32
    %add3A_40 = arith.addi %mul3A_38, %add3A_39 : i32
    "tpu.region"() ({
      %run_scoped3A = tpu.sem_alloc : memref<!tpu.dma_semaphore, #tpu.memory_space<semaphore_mem>>
      %dma_start3A_53 = arith.constant 0 : i32
      %dma_start3A_54 = tpu.memref_slice %arg7[%add3A_40, %dma_start3A_53] : memref<10240x128xf32, #tpu.memory_space<vmem_shared>> -> memref<128x128xf32, #tpu.memory_space<vmem_shared>>
      %dma_start3A_55 = arith.constant 0 : i32
      %dma_start3A_56 = tpu.memref_slice %arg7[%add3A_40, %dma_start3A_55] : memref<10240x128xf32, #tpu.memory_space<vmem_shared>> -> memref<128x128xf32, #tpu.memory_space<vmem_shared>>
      tpu.enqueue_dma source(%dma_start3A_56 : memref<128x128xf32, #tpu.memory_space<vmem_shared>>) target(%arg8 : memref<128x128xf32, #tpu.memory_space<vmem>>) target_semaphore(%run_scoped3A : memref<!tpu.dma_semaphore, #tpu.memory_space<semaphore_mem>>)
      %dma_wait3A = arith.constant 0 : i32
      %dma_wait3A_57 = tpu.memref_slice %arg7[%add3A_40, %dma_wait3A] : memref<10240x128xf32, #tpu.memory_space<vmem_shared>> -> memref<128x128xf32, #tpu.memory_space<vmem_shared>>
      %dma_wait3A_58 = arith.constant 0 : i32
      %dma_wait3A_59 = tpu.memref_slice %arg7[%add3A_40, %dma_wait3A_58] : memref<10240x128xf32, #tpu.memory_space<vmem_shared>> -> memref<128x128xf32, #tpu.memory_space<vmem_shared>>
      tpu.wait_dma2 semaphore(%run_scoped3A : memref<!tpu.dma_semaphore, #tpu.memory_space<semaphore_mem>>) src(%dma_wait3A_59 : memref<128x128xf32, #tpu.memory_space<vmem_shared>>) dst(%arg8 : memref<128x128xf32, #tpu.memory_space<vmem>>)
      tpu.yield
    }) : () -> ()
    "tpu.region"() ({
      %run_scoped3A = tpu.sem_alloc : memref<!tpu.dma_semaphore, #tpu.memory_space<semaphore_mem>>
      %dma_start3A_53 = arith.constant 0 : i32
      %dma_start3A_54 = tpu.memref_slice %arg6[%arg0, %add3A_40, %dma_start3A_53] : memref<2x10240x128xf32, #tpu.memory_space<hbm>> -> memref<1x128x128xf32, #tpu.memory_space<hbm>>
      %dma_start3A_55 = tpu.memref_squeeze %dma_start3A_54 : memref<1x128x128xf32, #tpu.memory_space<hbm>> -> memref<128x128xf32, #tpu.memory_space<hbm>>
      %dma_start3A_56 = arith.constant 0 : i32
      %dma_start3A_57 = tpu.memref_slice %arg6[%arg0, %add3A_40, %dma_start3A_56] : memref<2x10240x128xf32, #tpu.memory_space<hbm>> -> memref<1x128x128xf32, #tpu.memory_space<hbm>>
      %dma_start3A_58 = tpu.memref_squeeze %dma_start3A_57 : memref<1x128x128xf32, #tpu.memory_space<hbm>> -> memref<128x128xf32, #tpu.memory_space<hbm>>
      tpu.enqueue_dma source(%arg8 : memref<128x128xf32, #tpu.memory_space<vmem>>) target(%dma_start3A_58 : memref<128x128xf32, #tpu.memory_space<hbm>>) target_semaphore(%run_scoped3A : memref<!tpu.dma_semaphore, #tpu.memory_space<semaphore_mem>>)
      %dma_wait3A = arith.constant 0 : i32
      %dma_wait3A_59 = tpu.memref_slice %arg6[%arg0, %add3A_40, %dma_wait3A] : memref<2x10240x128xf32, #tpu.memory_space<hbm>> -> memref<1x128x128xf32, #tpu.memory_space<hbm>>
      %dma_wait3A_60 = tpu.memref_squeeze %dma_wait3A_59 : memref<1x128x128xf32, #tpu.memory_space<hbm>> -> memref<128x128xf32, #tpu.memory_space<hbm>>
      %dma_wait3A_61 = arith.constant 0 : i32
      %dma_wait3A_62 = tpu.memref_slice %arg6[%arg0, %add3A_40, %dma_wait3A_61] : memref<2x10240x128xf32, #tpu.memory_space<hbm>> -> memref<1x128x128xf32, #tpu.memory_space<hbm>>
      %dma_wait3A_63 = tpu.memref_squeeze %dma_wait3A_62 : memref<1x128x128xf32, #tpu.memory_space<hbm>> -> memref<128x128xf32, #tpu.memory_space<hbm>>
      tpu.wait_dma2 semaphore(%run_scoped3A : memref<!tpu.dma_semaphore, #tpu.memory_space<semaphore_mem>>) src(%arg8 : memref<128x128xf32, #tpu.memory_space<vmem>>) dst(%dma_wait3A_63 : memref<128x128xf32, #tpu.memory_space<hbm>>)
      tpu.yield
    }) : () -> ()
    %mul3A_41 = arith.constant 640 : i32
    %mul3A_42 = arith.muli %arg1, %mul3A_41 : i32
    %add3A_43 = arith.constant 256 : i32
    %add3A_44 = arith.addi %mul3A_42, %add3A_43 : i32
    "tpu.region"() ({
      %run_scoped3A = tpu.sem_alloc : memref<!tpu.dma_semaphore, #tpu.memory_space<semaphore_mem>>
      %dma_start3A_53 = arith.constant 0 : i32
      %dma_start3A_54 = tpu.memref_slice %arg7[%add3A_44, %dma_start3A_53] : memref<10240x128xf32, #tpu.memory_space<vmem_shared>> -> memref<128x128xf32, #tpu.memory_space<vmem_shared>>
      %dma_start3A_55 = arith.constant 0 : i32
      %dma_start3A_56 = tpu.memref_slice %arg7[%add3A_44, %dma_start3A_55] : memref<10240x128xf32, #tpu.memory_space<vmem_shared>> -> memref<128x128xf32, #tpu.memory_space<vmem_shared>>
      tpu.enqueue_dma source(%dma_start3A_56 : memref<128x128xf32, #tpu.memory_space<vmem_shared>>) target(%arg8 : memref<128x128xf32, #tpu.memory_space<vmem>>) target_semaphore(%run_scoped3A : memref<!tpu.dma_semaphore, #tpu.memory_space<semaphore_mem>>)
      %dma_wait3A = arith.constant 0 : i32
      %dma_wait3A_57 = tpu.memref_slice %arg7[%add3A_44, %dma_wait3A] : memref<10240x128xf32, #tpu.memory_space<vmem_shared>> -> memref<128x128xf32, #tpu.memory_space<vmem_shared>>
      %dma_wait3A_58 = arith.constant 0 : i32
      %dma_wait3A_59 = tpu.memref_slice %arg7[%add3A_44, %dma_wait3A_58] : memref<10240x128xf32, #tpu.memory_space<vmem_shared>> -> memref<128x128xf32, #tpu.memory_space<vmem_shared>>
      tpu.wait_dma2 semaphore(%run_scoped3A : memref<!tpu.dma_semaphore, #tpu.memory_space<semaphore_mem>>) src(%dma_wait3A_59 : memref<128x128xf32, #tpu.memory_space<vmem_shared>>) dst(%arg8 : memref<128x128xf32, #tpu.memory_space<vmem>>)
      tpu.yield
    }) : () -> ()
    "tpu.region"() ({
      %run_scoped3A = tpu.sem_alloc : memref<!tpu.dma_semaphore, #tpu.memory_space<semaphore_mem>>
      %dma_start3A_53 = arith.constant 0 : i32
      %dma_start3A_54 = tpu.memref_slice %arg6[%arg0, %add3A_44, %dma_start3A_53] : memref<2x10240x128xf32, #tpu.memory_space<hbm>> -> memref<1x128x128xf32, #tpu.memory_space<hbm>>
      %dma_start3A_55 = tpu.memref_squeeze %dma_start3A_54 : memref<1x128x128xf32, #tpu.memory_space<hbm>> -> memref<128x128xf32, #tpu.memory_space<hbm>>
      %dma_start3A_56 = arith.constant 0 : i32
      %dma_start3A_57 = tpu.memref_slice %arg6[%arg0, %add3A_44, %dma_start3A_56] : memref<2x10240x128xf32, #tpu.memory_space<hbm>> -> memref<1x128x128xf32, #tpu.memory_space<hbm>>
      %dma_start3A_58 = tpu.memref_squeeze %dma_start3A_57 : memref<1x128x128xf32, #tpu.memory_space<hbm>> -> memref<128x128xf32, #tpu.memory_space<hbm>>
      tpu.enqueue_dma source(%arg8 : memref<128x128xf32, #tpu.memory_space<vmem>>) target(%dma_start3A_58 : memref<128x128xf32, #tpu.memory_space<hbm>>) target_semaphore(%run_scoped3A : memref<!tpu.dma_semaphore, #tpu.memory_space<semaphore_mem>>)
      %dma_wait3A = arith.constant 0 : i32
      %dma_wait3A_59 = tpu.memref_slice %arg6[%arg0, %add3A_44, %dma_wait3A] : memref<2x10240x128xf32, #tpu.memory_space<hbm>> -> memref<1x128x128xf32, #tpu.memory_space<hbm>>
      %dma_wait3A_60 = tpu.memref_squeeze %dma_wait3A_59 : memref<1x128x128xf32, #tpu.memory_space<hbm>> -> memref<128x128xf32, #tpu.memory_space<hbm>>
      %dma_wait3A_61 = arith.constant 0 : i32
      %dma_wait3A_62 = tpu.memref_slice %arg6[%arg0, %add3A_44, %dma_wait3A_61] : memref<2x10240x128xf32, #tpu.memory_space<hbm>> -> memref<1x128x128xf32, #tpu.memory_space<hbm>>
      %dma_wait3A_63 = tpu.memref_squeeze %dma_wait3A_62 : memref<1x128x128xf32, #tpu.memory_space<hbm>> -> memref<128x128xf32, #tpu.memory_space<hbm>>
      tpu.wait_dma2 semaphore(%run_scoped3A : memref<!tpu.dma_semaphore, #tpu.memory_space<semaphore_mem>>) src(%arg8 : memref<128x128xf32, #tpu.memory_space<vmem>>) dst(%dma_wait3A_63 : memref<128x128xf32, #tpu.memory_space<hbm>>)
      tpu.yield
    }) : () -> ()
    %mul3A_45 = arith.constant 640 : i32
    %mul3A_46 = arith.muli %arg1, %mul3A_45 : i32
    %add3A_47 = arith.constant 384 : i32
    %add3A_48 = arith.addi %mul3A_46, %add3A_47 : i32
    "tpu.region"() ({
      %run_scoped3A = tpu.sem_alloc : memref<!tpu.dma_semaphore, #tpu.memory_space<semaphore_mem>>
      %dma_start3A_53 = arith.constant 0 : i32
      %dma_start3A_54 = tpu.memref_slice %arg7[%add3A_48, %dma_start3A_53] : memref<10240x128xf32, #tpu.memory_space<vmem_shared>> -> memref<128x128xf32, #tpu.memory_space<vmem_shared>>
      %dma_start3A_55 = arith.constant 0 : i32
      %dma_start3A_56 = tpu.memref_slice %arg7[%add3A_48, %dma_start3A_55] : memref<10240x128xf32, #tpu.memory_space<vmem_shared>> -> memref<128x128xf32, #tpu.memory_space<vmem_shared>>
      tpu.enqueue_dma source(%dma_start3A_56 : memref<128x128xf32, #tpu.memory_space<vmem_shared>>) target(%arg8 : memref<128x128xf32, #tpu.memory_space<vmem>>) target_semaphore(%run_scoped3A : memref<!tpu.dma_semaphore, #tpu.memory_space<semaphore_mem>>)
      %dma_wait3A = arith.constant 0 : i32
      %dma_wait3A_57 = tpu.memref_slice %arg7[%add3A_48, %dma_wait3A] : memref<10240x128xf32, #tpu.memory_space<vmem_shared>> -> memref<128x128xf32, #tpu.memory_space<vmem_shared>>
      %dma_wait3A_58 = arith.constant 0 : i32
      %dma_wait3A_59 = tpu.memref_slice %arg7[%add3A_48, %dma_wait3A_58] : memref<10240x128xf32, #tpu.memory_space<vmem_shared>> -> memref<128x128xf32, #tpu.memory_space<vmem_shared>>
      tpu.wait_dma2 semaphore(%run_scoped3A : memref<!tpu.dma_semaphore, #tpu.memory_space<semaphore_mem>>) src(%dma_wait3A_59 : memref<128x128xf32, #tpu.memory_space<vmem_shared>>) dst(%arg8 : memref<128x128xf32, #tpu.memory_space<vmem>>)
      tpu.yield
    }) : () -> ()
    "tpu.region"() ({
      %run_scoped3A = tpu.sem_alloc : memref<!tpu.dma_semaphore, #tpu.memory_space<semaphore_mem>>
      %dma_start3A_53 = arith.constant 0 : i32
      %dma_start3A_54 = tpu.memref_slice %arg6[%arg0, %add3A_48, %dma_start3A_53] : memref<2x10240x128xf32, #tpu.memory_space<hbm>> -> memref<1x128x128xf32, #tpu.memory_space<hbm>>
      %dma_start3A_55 = tpu.memref_squeeze %dma_start3A_54 : memref<1x128x128xf32, #tpu.memory_space<hbm>> -> memref<128x128xf32, #tpu.memory_space<hbm>>
      %dma_start3A_56 = arith.constant 0 : i32
      %dma_start3A_57 = tpu.memref_slice %arg6[%arg0, %add3A_48, %dma_start3A_56] : memref<2x10240x128xf32, #tpu.memory_space<hbm>> -> memref<1x128x128xf32, #tpu.memory_space<hbm>>
      %dma_start3A_58 = tpu.memref_squeeze %dma_start3A_57 : memref<1x128x128xf32, #tpu.memory_space<hbm>> -> memref<128x128xf32, #tpu.memory_space<hbm>>
      tpu.enqueue_dma source(%arg8 : memref<128x128xf32, #tpu.memory_space<vmem>>) target(%dma_start3A_58 : memref<128x128xf32, #tpu.memory_space<hbm>>) target_semaphore(%run_scoped3A : memref<!tpu.dma_semaphore, #tpu.memory_space<semaphore_mem>>)
      %dma_wait3A = arith.constant 0 : i32
      %dma_wait3A_59 = tpu.memref_slice %arg6[%arg0, %add3A_48, %dma_wait3A] : memref<2x10240x128xf32, #tpu.memory_space<hbm>> -> memref<1x128x128xf32, #tpu.memory_space<hbm>>
      %dma_wait3A_60 = tpu.memref_squeeze %dma_wait3A_59 : memref<1x128x128xf32, #tpu.memory_space<hbm>> -> memref<128x128xf32, #tpu.memory_space<hbm>>
      %dma_wait3A_61 = arith.constant 0 : i32
      %dma_wait3A_62 = tpu.memref_slice %arg6[%arg0, %add3A_48, %dma_wait3A_61] : memref<2x10240x128xf32, #tpu.memory_space<hbm>> -> memref<1x128x128xf32, #tpu.memory_space<hbm>>
      %dma_wait3A_63 = tpu.memref_squeeze %dma_wait3A_62 : memref<1x128x128xf32, #tpu.memory_space<hbm>> -> memref<128x128xf32, #tpu.memory_space<hbm>>
      tpu.wait_dma2 semaphore(%run_scoped3A : memref<!tpu.dma_semaphore, #tpu.memory_space<semaphore_mem>>) src(%arg8 : memref<128x128xf32, #tpu.memory_space<vmem>>) dst(%dma_wait3A_63 : memref<128x128xf32, #tpu.memory_space<hbm>>)
      tpu.yield
    }) : () -> ()
    %mul3A_49 = arith.constant 640 : i32
    %mul3A_50 = arith.muli %arg1, %mul3A_49 : i32
    %add3A_51 = arith.constant 512 : i32
    %add3A_52 = arith.addi %mul3A_50, %add3A_51 : i32
    "tpu.region"() ({
      %run_scoped3A = tpu.sem_alloc : memref<!tpu.dma_semaphore, #tpu.memory_space<semaphore_mem>>
      %dma_start3A_53 = arith.constant 0 : i32
      %dma_start3A_54 = tpu.memref_slice %arg7[%add3A_52, %dma_start3A_53] : memref<10240x128xf32, #tpu.memory_space<vmem_shared>> -> memref<128x128xf32, #tpu.memory_space<vmem_shared>>
      %dma_start3A_55 = arith.constant 0 : i32
      %dma_start3A_56 = tpu.memref_slice %arg7[%add3A_52, %dma_start3A_55] : memref<10240x128xf32, #tpu.memory_space<vmem_shared>> -> memref<128x128xf32, #tpu.memory_space<vmem_shared>>
      tpu.enqueue_dma source(%dma_start3A_56 : memref<128x128xf32, #tpu.memory_space<vmem_shared>>) target(%arg8 : memref<128x128xf32, #tpu.memory_space<vmem>>) target_semaphore(%run_scoped3A : memref<!tpu.dma_semaphore, #tpu.memory_space<semaphore_mem>>)
      %dma_wait3A = arith.constant 0 : i32
      %dma_wait3A_57 = tpu.memref_slice %arg7[%add3A_52, %dma_wait3A] : memref<10240x128xf32, #tpu.memory_space<vmem_shared>> -> memref<128x128xf32, #tpu.memory_space<vmem_shared>>
      %dma_wait3A_58 = arith.constant 0 : i32
      %dma_wait3A_59 = tpu.memref_slice %arg7[%add3A_52, %dma_wait3A_58] : memref<10240x128xf32, #tpu.memory_space<vmem_shared>> -> memref<128x128xf32, #tpu.memory_space<vmem_shared>>
      tpu.wait_dma2 semaphore(%run_scoped3A : memref<!tpu.dma_semaphore, #tpu.memory_space<semaphore_mem>>) src(%dma_wait3A_59 : memref<128x128xf32, #tpu.memory_space<vmem_shared>>) dst(%arg8 : memref<128x128xf32, #tpu.memory_space<vmem>>)
      tpu.yield
    }) : () -> ()
    "tpu.region"() ({
      %run_scoped3A = tpu.sem_alloc : memref<!tpu.dma_semaphore, #tpu.memory_space<semaphore_mem>>
      %dma_start3A_53 = arith.constant 0 : i32
      %dma_start3A_54 = tpu.memref_slice %arg6[%arg0, %add3A_52, %dma_start3A_53] : memref<2x10240x128xf32, #tpu.memory_space<hbm>> -> memref<1x128x128xf32, #tpu.memory_space<hbm>>
      %dma_start3A_55 = tpu.memref_squeeze %dma_start3A_54 : memref<1x128x128xf32, #tpu.memory_space<hbm>> -> memref<128x128xf32, #tpu.memory_space<hbm>>
      %dma_start3A_56 = arith.constant 0 : i32
      %dma_start3A_57 = tpu.memref_slice %arg6[%arg0, %add3A_52, %dma_start3A_56] : memref<2x10240x128xf32, #tpu.memory_space<hbm>> -> memref<1x128x128xf32, #tpu.memory_space<hbm>>
      %dma_start3A_58 = tpu.memref_squeeze %dma_start3A_57 : memref<1x128x128xf32, #tpu.memory_space<hbm>> -> memref<128x128xf32, #tpu.memory_space<hbm>>
      tpu.enqueue_dma source(%arg8 : memref<128x128xf32, #tpu.memory_space<vmem>>) target(%dma_start3A_58 : memref<128x128xf32, #tpu.memory_space<hbm>>) target_semaphore(%run_scoped3A : memref<!tpu.dma_semaphore, #tpu.memory_space<semaphore_mem>>)
      %dma_wait3A = arith.constant 0 : i32
      %dma_wait3A_59 = tpu.memref_slice %arg6[%arg0, %add3A_52, %dma_wait3A] : memref<2x10240x128xf32, #tpu.memory_space<hbm>> -> memref<1x128x128xf32, #tpu.memory_space<hbm>>
      %dma_wait3A_60 = tpu.memref_squeeze %dma_wait3A_59 : memref<1x128x128xf32, #tpu.memory_space<hbm>> -> memref<128x128xf32, #tpu.memory_space<hbm>>
      %dma_wait3A_61 = arith.constant 0 : i32
      %dma_wait3A_62 = tpu.memref_slice %arg6[%arg0, %add3A_52, %dma_wait3A_61] : memref<2x10240x128xf32, #tpu.memory_space<hbm>> -> memref<1x128x128xf32, #tpu.memory_space<hbm>>
      %dma_wait3A_63 = tpu.memref_squeeze %dma_wait3A_62 : memref<1x128x128xf32, #tpu.memory_space<hbm>> -> memref<128x128xf32, #tpu.memory_space<hbm>>
      tpu.wait_dma2 semaphore(%run_scoped3A : memref<!tpu.dma_semaphore, #tpu.memory_space<semaphore_mem>>) src(%arg8 : memref<128x128xf32, #tpu.memory_space<vmem>>) dst(%dma_wait3A_63 : memref<128x128xf32, #tpu.memory_space<hbm>>)
      tpu.yield
    }) : () -> ()
    return
  }
}

#map = affine_map<(d0, d1) -> (0, 0)>
#map1 = affine_map<(d0, d1) -> (0)>
#map2 = affine_map<(d0, d1) -> (0, 0, 0)>
module attributes {stable_mosaic.version = 14 : i64} {
  func.func @_sc_body(%arg0: i32, %arg1: i32, %arg2: memref<10240x128xf32, #tpu.memory_space<hbm>>, %arg3: memref<320000xi32, #tpu.memory_space<hbm>>, %arg4: memref<320000xi32, #tpu.memory_space<hbm>>, %arg5: memref<128x128xf32, #tpu.memory_space<hbm>>, %arg6: memref<2x10240x128xf32, #tpu.memory_space<hbm>>, %arg7: memref<10240x128xf32, #tpu.memory_space<vmem_shared>>, %arg8: memref<128x128xf32, #tpu.memory_space<vmem>>, %arg9: memref<80x128xf32, #tpu.memory_space<vmem>>, %arg10: memref<80x128xf32, #tpu.memory_space<vmem>>, %arg11: memref<80xi32, #tpu.memory_space<vmem>>, %arg12: memref<80xi32, #tpu.memory_space<vmem>>, %arg13: memref<80xi32, #tpu.memory_space<vmem>>, %arg14: memref<80xi32, #tpu.memory_space<vmem>>, %arg15: memref<!tpu.dma_semaphore, #tpu.memory_space<semaphore_mem>>, %arg16: memref<!tpu.dma_semaphore, #tpu.memory_space<semaphore_mem>>) attributes {dimension_semantics = [#tpu.dimension_semantics<core_parallel>, #tpu.dimension_semantics<subcore_parallel>], iteration_bounds = array<i64: 2, 16>, scalar_prefetch = 0 : i64, scratch_operands = 10 : i64, tpu.core_type = #tpu.core_type<sc_vector_subcore>, window_params = [{transform_indices = #map}, {transform_indices = #map1}, {transform_indices = #map1}, {transform_indices = #map}, {transform_indices = #map2}]} {
    %mul3A = arith.constant 2 : i32
    %mul3A_0 = arith.muli %arg1, %mul3A : i32
    %add3A = arith.addi %mul3A_0, %arg0 : i32
    %mul3A_1 = arith.constant 10000 : i32
    %mul3A_2 = arith.muli %add3A, %mul3A_1 : i32
    "tpu.region"() ({
      %run_scoped3A = tpu.sem_alloc : memref<!tpu.dma_semaphore, #tpu.memory_space<semaphore_mem>>
      tpu.enqueue_dma source(%arg5 : memref<128x128xf32, #tpu.memory_space<hbm>>) target(%arg8 : memref<128x128xf32, #tpu.memory_space<vmem>>) target_semaphore(%run_scoped3A : memref<!tpu.dma_semaphore, #tpu.memory_space<semaphore_mem>>)
      tpu.wait_dma2 semaphore(%run_scoped3A : memref<!tpu.dma_semaphore, #tpu.memory_space<semaphore_mem>>) src(%arg5 : memref<128x128xf32, #tpu.memory_space<hbm>>) dst(%arg8 : memref<128x128xf32, #tpu.memory_space<vmem>>)
      tpu.yield
    }) : () -> ()
    %mul3A_3 = arith.constant 640 : i32
    %mul3A_4 = arith.muli %arg1, %mul3A_3 : i32
    %add3A_5 = arith.constant 0 : i32
    %add3A_6 = arith.addi %mul3A_4, %add3A_5 : i32
    "tpu.region"() ({
      %run_scoped3A = tpu.sem_alloc : memref<!tpu.dma_semaphore, #tpu.memory_space<semaphore_mem>>
      %dma_start3A_53 = arith.constant 0 : i32
      %dma_start3A_54 = tpu.memref_slice %arg7[%add3A_6, %dma_start3A_53] : memref<10240x128xf32, #tpu.memory_space<vmem_shared>> -> memref<128x128xf32, #tpu.memory_space<vmem_shared>>
      %dma_start3A_55 = arith.constant 0 : i32
      %dma_start3A_56 = tpu.memref_slice %arg7[%add3A_6, %dma_start3A_55] : memref<10240x128xf32, #tpu.memory_space<vmem_shared>> -> memref<128x128xf32, #tpu.memory_space<vmem_shared>>
      tpu.enqueue_dma source(%arg8 : memref<128x128xf32, #tpu.memory_space<vmem>>) target(%dma_start3A_56 : memref<128x128xf32, #tpu.memory_space<vmem_shared>>) target_semaphore(%run_scoped3A : memref<!tpu.dma_semaphore, #tpu.memory_space<semaphore_mem>>)
      %dma_wait3A = arith.constant 0 : i32
      %dma_wait3A_57 = tpu.memref_slice %arg7[%add3A_6, %dma_wait3A] : memref<10240x128xf32, #tpu.memory_space<vmem_shared>> -> memref<128x128xf32, #tpu.memory_space<vmem_shared>>
      %dma_wait3A_58 = arith.constant 0 : i32
      %dma_wait3A_59 = tpu.memref_slice %arg7[%add3A_6, %dma_wait3A_58] : memref<10240x128xf32, #tpu.memory_space<vmem_shared>> -> memref<128x128xf32, #tpu.memory_space<vmem_shared>>
      tpu.wait_dma2 semaphore(%run_scoped3A : memref<!tpu.dma_semaphore, #tpu.memory_space<semaphore_mem>>) src(%arg8 : memref<128x128xf32, #tpu.memory_space<vmem>>) dst(%dma_wait3A_59 : memref<128x128xf32, #tpu.memory_space<vmem_shared>>)
      tpu.yield
    }) : () -> ()
    %mul3A_7 = arith.constant 640 : i32
    %mul3A_8 = arith.muli %arg1, %mul3A_7 : i32
    %add3A_9 = arith.constant 128 : i32
    %add3A_10 = arith.addi %mul3A_8, %add3A_9 : i32
    "tpu.region"() ({
      %run_scoped3A = tpu.sem_alloc : memref<!tpu.dma_semaphore, #tpu.memory_space<semaphore_mem>>
      %dma_start3A_53 = arith.constant 0 : i32
      %dma_start3A_54 = tpu.memref_slice %arg7[%add3A_10, %dma_start3A_53] : memref<10240x128xf32, #tpu.memory_space<vmem_shared>> -> memref<128x128xf32, #tpu.memory_space<vmem_shared>>
      %dma_start3A_55 = arith.constant 0 : i32
      %dma_start3A_56 = tpu.memref_slice %arg7[%add3A_10, %dma_start3A_55] : memref<10240x128xf32, #tpu.memory_space<vmem_shared>> -> memref<128x128xf32, #tpu.memory_space<vmem_shared>>
      tpu.enqueue_dma source(%arg8 : memref<128x128xf32, #tpu.memory_space<vmem>>) target(%dma_start3A_56 : memref<128x128xf32, #tpu.memory_space<vmem_shared>>) target_semaphore(%run_scoped3A : memref<!tpu.dma_semaphore, #tpu.memory_space<semaphore_mem>>)
      %dma_wait3A = arith.constant 0 : i32
      %dma_wait3A_57 = tpu.memref_slice %arg7[%add3A_10, %dma_wait3A] : memref<10240x128xf32, #tpu.memory_space<vmem_shared>> -> memref<128x128xf32, #tpu.memory_space<vmem_shared>>
      %dma_wait3A_58 = arith.constant 0 : i32
      %dma_wait3A_59 = tpu.memref_slice %arg7[%add3A_10, %dma_wait3A_58] : memref<10240x128xf32, #tpu.memory_space<vmem_shared>> -> memref<128x128xf32, #tpu.memory_space<vmem_shared>>
      tpu.wait_dma2 semaphore(%run_scoped3A : memref<!tpu.dma_semaphore, #tpu.memory_space<semaphore_mem>>) src(%arg8 : memref<128x128xf32, #tpu.memory_space<vmem>>) dst(%dma_wait3A_59 : memref<128x128xf32, #tpu.memory_space<vmem_shared>>)
      tpu.yield
    }) : () -> ()
    %mul3A_11 = arith.constant 640 : i32
    %mul3A_12 = arith.muli %arg1, %mul3A_11 : i32
    %add3A_13 = arith.constant 256 : i32
    %add3A_14 = arith.addi %mul3A_12, %add3A_13 : i32
    "tpu.region"() ({
      %run_scoped3A = tpu.sem_alloc : memref<!tpu.dma_semaphore, #tpu.memory_space<semaphore_mem>>
      %dma_start3A_53 = arith.constant 0 : i32
      %dma_start3A_54 = tpu.memref_slice %arg7[%add3A_14, %dma_start3A_53] : memref<10240x128xf32, #tpu.memory_space<vmem_shared>> -> memref<128x128xf32, #tpu.memory_space<vmem_shared>>
      %dma_start3A_55 = arith.constant 0 : i32
      %dma_start3A_56 = tpu.memref_slice %arg7[%add3A_14, %dma_start3A_55] : memref<10240x128xf32, #tpu.memory_space<vmem_shared>> -> memref<128x128xf32, #tpu.memory_space<vmem_shared>>
      tpu.enqueue_dma source(%arg8 : memref<128x128xf32, #tpu.memory_space<vmem>>) target(%dma_start3A_56 : memref<128x128xf32, #tpu.memory_space<vmem_shared>>) target_semaphore(%run_scoped3A : memref<!tpu.dma_semaphore, #tpu.memory_space<semaphore_mem>>)
      %dma_wait3A = arith.constant 0 : i32
      %dma_wait3A_57 = tpu.memref_slice %arg7[%add3A_14, %dma_wait3A] : memref<10240x128xf32, #tpu.memory_space<vmem_shared>> -> memref<128x128xf32, #tpu.memory_space<vmem_shared>>
      %dma_wait3A_58 = arith.constant 0 : i32
      %dma_wait3A_59 = tpu.memref_slice %arg7[%add3A_14, %dma_wait3A_58] : memref<10240x128xf32, #tpu.memory_space<vmem_shared>> -> memref<128x128xf32, #tpu.memory_space<vmem_shared>>
      tpu.wait_dma2 semaphore(%run_scoped3A : memref<!tpu.dma_semaphore, #tpu.memory_space<semaphore_mem>>) src(%arg8 : memref<128x128xf32, #tpu.memory_space<vmem>>) dst(%dma_wait3A_59 : memref<128x128xf32, #tpu.memory_space<vmem_shared>>)
      tpu.yield
    }) : () -> ()
    %mul3A_15 = arith.constant 640 : i32
    %mul3A_16 = arith.muli %arg1, %mul3A_15 : i32
    %add3A_17 = arith.constant 384 : i32
    %add3A_18 = arith.addi %mul3A_16, %add3A_17 : i32
    "tpu.region"() ({
      %run_scoped3A = tpu.sem_alloc : memref<!tpu.dma_semaphore, #tpu.memory_space<semaphore_mem>>
      %dma_start3A_53 = arith.constant 0 : i32
      %dma_start3A_54 = tpu.memref_slice %arg7[%add3A_18, %dma_start3A_53] : memref<10240x128xf32, #tpu.memory_space<vmem_shared>> -> memref<128x128xf32, #tpu.memory_space<vmem_shared>>
      %dma_start3A_55 = arith.constant 0 : i32
      %dma_start3A_56 = tpu.memref_slice %arg7[%add3A_18, %dma_start3A_55] : memref<10240x128xf32, #tpu.memory_space<vmem_shared>> -> memref<128x128xf32, #tpu.memory_space<vmem_shared>>
      tpu.enqueue_dma source(%arg8 : memref<128x128xf32, #tpu.memory_space<vmem>>) target(%dma_start3A_56 : memref<128x128xf32, #tpu.memory_space<vmem_shared>>) target_semaphore(%run_scoped3A : memref<!tpu.dma_semaphore, #tpu.memory_space<semaphore_mem>>)
      %dma_wait3A = arith.constant 0 : i32
      %dma_wait3A_57 = tpu.memref_slice %arg7[%add3A_18, %dma_wait3A] : memref<10240x128xf32, #tpu.memory_space<vmem_shared>> -> memref<128x128xf32, #tpu.memory_space<vmem_shared>>
      %dma_wait3A_58 = arith.constant 0 : i32
      %dma_wait3A_59 = tpu.memref_slice %arg7[%add3A_18, %dma_wait3A_58] : memref<10240x128xf32, #tpu.memory_space<vmem_shared>> -> memref<128x128xf32, #tpu.memory_space<vmem_shared>>
      tpu.wait_dma2 semaphore(%run_scoped3A : memref<!tpu.dma_semaphore, #tpu.memory_space<semaphore_mem>>) src(%arg8 : memref<128x128xf32, #tpu.memory_space<vmem>>) dst(%dma_wait3A_59 : memref<128x128xf32, #tpu.memory_space<vmem_shared>>)
      tpu.yield
    }) : () -> ()
    %mul3A_19 = arith.constant 640 : i32
    %mul3A_20 = arith.muli %arg1, %mul3A_19 : i32
    %add3A_21 = arith.constant 512 : i32
    %add3A_22 = arith.addi %mul3A_20, %add3A_21 : i32
    "tpu.region"() ({
      %run_scoped3A = tpu.sem_alloc : memref<!tpu.dma_semaphore, #tpu.memory_space<semaphore_mem>>
      %dma_start3A_53 = arith.constant 0 : i32
      %dma_start3A_54 = tpu.memref_slice %arg7[%add3A_22, %dma_start3A_53] : memref<10240x128xf32, #tpu.memory_space<vmem_shared>> -> memref<128x128xf32, #tpu.memory_space<vmem_shared>>
      %dma_start3A_55 = arith.constant 0 : i32
      %dma_start3A_56 = tpu.memref_slice %arg7[%add3A_22, %dma_start3A_55] : memref<10240x128xf32, #tpu.memory_space<vmem_shared>> -> memref<128x128xf32, #tpu.memory_space<vmem_shared>>
      tpu.enqueue_dma source(%arg8 : memref<128x128xf32, #tpu.memory_space<vmem>>) target(%dma_start3A_56 : memref<128x128xf32, #tpu.memory_space<vmem_shared>>) target_semaphore(%run_scoped3A : memref<!tpu.dma_semaphore, #tpu.memory_space<semaphore_mem>>)
      %dma_wait3A = arith.constant 0 : i32
      %dma_wait3A_57 = tpu.memref_slice %arg7[%add3A_22, %dma_wait3A] : memref<10240x128xf32, #tpu.memory_space<vmem_shared>> -> memref<128x128xf32, #tpu.memory_space<vmem_shared>>
      %dma_wait3A_58 = arith.constant 0 : i32
      %dma_wait3A_59 = tpu.memref_slice %arg7[%add3A_22, %dma_wait3A_58] : memref<10240x128xf32, #tpu.memory_space<vmem_shared>> -> memref<128x128xf32, #tpu.memory_space<vmem_shared>>
      tpu.wait_dma2 semaphore(%run_scoped3A : memref<!tpu.dma_semaphore, #tpu.memory_space<semaphore_mem>>) src(%arg8 : memref<128x128xf32, #tpu.memory_space<vmem>>) dst(%dma_wait3A_59 : memref<128x128xf32, #tpu.memory_space<vmem_shared>>)
      tpu.yield
    }) : () -> ()
    %barrier3A = arith.constant 0 : index
    tpu.barrier barrier_id(%barrier3A)
    %add3A_23 = arith.constant 0 : i32
    %add3A_24 = arith.addi %mul3A_2, %add3A_23 : i32
    "tpu.region"() ({
      %run_scoped3A = tpu.sem_alloc : memref<!tpu.dma_semaphore, #tpu.memory_space<semaphore_mem>>
      %dma_start3A_53 = tpu.memref_slice %arg3[%add3A_24] : memref<320000xi32, #tpu.memory_space<hbm>> -> memref<80xi32, #tpu.memory_space<hbm>>
      %dma_start3A_54 = tpu.memref_slice %arg3[%add3A_24] : memref<320000xi32, #tpu.memory_space<hbm>> -> memref<80xi32, #tpu.memory_space<hbm>>
      tpu.enqueue_dma source(%dma_start3A_54 : memref<80xi32, #tpu.memory_space<hbm>>) target(%arg11 : memref<80xi32, #tpu.memory_space<vmem>>) target_semaphore(%run_scoped3A : memref<!tpu.dma_semaphore, #tpu.memory_space<semaphore_mem>>)
      %dma_wait3A = tpu.memref_slice %arg3[%add3A_24] : memref<320000xi32, #tpu.memory_space<hbm>> -> memref<80xi32, #tpu.memory_space<hbm>>
      %dma_wait3A_55 = tpu.memref_slice %arg3[%add3A_24] : memref<320000xi32, #tpu.memory_space<hbm>> -> memref<80xi32, #tpu.memory_space<hbm>>
      tpu.wait_dma2 semaphore(%run_scoped3A : memref<!tpu.dma_semaphore, #tpu.memory_space<semaphore_mem>>) src(%dma_wait3A_55 : memref<80xi32, #tpu.memory_space<hbm>>) dst(%arg11 : memref<80xi32, #tpu.memory_space<vmem>>)
      tpu.yield
    }) : () -> ()
    "tpu.region"() ({
      %run_scoped3A = tpu.sem_alloc : memref<!tpu.dma_semaphore, #tpu.memory_space<semaphore_mem>>
      %dma_start3A_53 = tpu.memref_slice %arg4[%add3A_24] : memref<320000xi32, #tpu.memory_space<hbm>> -> memref<80xi32, #tpu.memory_space<hbm>>
      %dma_start3A_54 = tpu.memref_slice %arg4[%add3A_24] : memref<320000xi32, #tpu.memory_space<hbm>> -> memref<80xi32, #tpu.memory_space<hbm>>
      tpu.enqueue_dma source(%dma_start3A_54 : memref<80xi32, #tpu.memory_space<hbm>>) target(%arg13 : memref<80xi32, #tpu.memory_space<vmem>>) target_semaphore(%run_scoped3A : memref<!tpu.dma_semaphore, #tpu.memory_space<semaphore_mem>>)
      %dma_wait3A = tpu.memref_slice %arg4[%add3A_24] : memref<320000xi32, #tpu.memory_space<hbm>> -> memref<80xi32, #tpu.memory_space<hbm>>
      %dma_wait3A_55 = tpu.memref_slice %arg4[%add3A_24] : memref<320000xi32, #tpu.memory_space<hbm>> -> memref<80xi32, #tpu.memory_space<hbm>>
      tpu.wait_dma2 semaphore(%run_scoped3A : memref<!tpu.dma_semaphore, #tpu.memory_space<semaphore_mem>>) src(%dma_wait3A_55 : memref<80xi32, #tpu.memory_space<hbm>>) dst(%arg13 : memref<80xi32, #tpu.memory_space<vmem>>)
      tpu.yield
    }) : () -> ()
    %dma_start3A = arith.constant 0 : i32
    %dma_start3A_25 = arith.constant 0 : i32
    %dma_start3A_26 = tpu.memref_slice %arg2[%dma_start3A, %dma_start3A_25] : memref<10240x128xf32, #tpu.memory_space<hbm>> -> memref<10240x128xf32, #tpu.memory_space<hbm>>
    tpu.enqueue_indirect_dma source(%dma_start3A_26 : memref<10240x128xf32, #tpu.memory_space<hbm>>) target(%arg9 : memref<80x128xf32, #tpu.memory_space<vmem>>) offsets(%arg11 : memref<80xi32, #tpu.memory_space<vmem>>) semaphore(%arg15 : memref<!tpu.dma_semaphore, #tpu.memory_space<semaphore_mem>>)
    %scan3A = arith.constant 0 : i32
    %scan3A_27 = arith.constant 0 : i32
    %scan3A_28 = arith.constant 63 : i32
    %scan3A_29 = arith.addi %scan3A_27, %scan3A_28 : i32
    %scan3A_30 = arith.constant 1 : i32
    scf.for %scan3A_53 = %scan3A_27 to %scan3A_29 step %scan3A_30  : i32 {
      %mul3A_54 = arith.constant 2 : i32
      %mul3A_55 = arith.muli %mul3A_54, %scan3A_53 : i32
      %add3A_56 = arith.constant 0 : i32
      %add3A_57 = arith.addi %mul3A_55, %add3A_56 : i32
      %lt3A = arith.constant 125 : i32
      %lt3A_58 = arith.cmpi slt, %add3A_57, %lt3A : i32
      %convert_element_type3A = arith.extui %lt3A_58 : i1 to i32
      %cond3A = arith.constant 0 : i32
      %cond3A_59 = arith.cmpi ne, %convert_element_type3A, %cond3A : i32
      scf.if %cond3A_59 {
        %add3A_69 = arith.constant 1 : i32
        %add3A_70 = arith.addi %add3A_57, %add3A_69 : i32
        %lt3A_71 = arith.constant 125 : i32
        %lt3A_72 = arith.cmpi slt, %add3A_70, %lt3A_71 : i32
        %convert_element_type3A_73 = arith.extui %lt3A_72 : i1 to i32
        %cond3A_74 = arith.constant 0 : i32
        %cond3A_75 = arith.cmpi ne, %convert_element_type3A_73, %cond3A_74 : i32
        scf.if %cond3A_75 {
          %add3A_78 = arith.constant 1 : i32
          %add3A_79 = arith.addi %add3A_57, %add3A_78 : i32
          %mul3A_80 = arith.constant 80 : i32
          %mul3A_81 = arith.muli %add3A_79, %mul3A_80 : i32
          %add3A_82 = arith.addi %mul3A_2, %mul3A_81 : i32
          "tpu.region"() ({
            %run_scoped3A = tpu.sem_alloc : memref<!tpu.dma_semaphore, #tpu.memory_space<semaphore_mem>>
            %dma_start3A_86 = tpu.memref_slice %arg3[%add3A_82] : memref<320000xi32, #tpu.memory_space<hbm>> -> memref<80xi32, #tpu.memory_space<hbm>>
            %dma_start3A_87 = tpu.memref_slice %arg3[%add3A_82] : memref<320000xi32, #tpu.memory_space<hbm>> -> memref<80xi32, #tpu.memory_space<hbm>>
            tpu.enqueue_dma source(%dma_start3A_87 : memref<80xi32, #tpu.memory_space<hbm>>) target(%arg12 : memref<80xi32, #tpu.memory_space<vmem>>) target_semaphore(%run_scoped3A : memref<!tpu.dma_semaphore, #tpu.memory_space<semaphore_mem>>)
            %dma_wait3A_88 = tpu.memref_slice %arg3[%add3A_82] : memref<320000xi32, #tpu.memory_space<hbm>> -> memref<80xi32, #tpu.memory_space<hbm>>
            %dma_wait3A_89 = tpu.memref_slice %arg3[%add3A_82] : memref<320000xi32, #tpu.memory_space<hbm>> -> memref<80xi32, #tpu.memory_space<hbm>>
            tpu.wait_dma2 semaphore(%run_scoped3A : memref<!tpu.dma_semaphore, #tpu.memory_space<semaphore_mem>>) src(%dma_wait3A_89 : memref<80xi32, #tpu.memory_space<hbm>>) dst(%arg12 : memref<80xi32, #tpu.memory_space<vmem>>)
            tpu.yield
          }) : () -> ()
          "tpu.region"() ({
            %run_scoped3A = tpu.sem_alloc : memref<!tpu.dma_semaphore, #tpu.memory_space<semaphore_mem>>
            %dma_start3A_86 = tpu.memref_slice %arg4[%add3A_82] : memref<320000xi32, #tpu.memory_space<hbm>> -> memref<80xi32, #tpu.memory_space<hbm>>
            %dma_start3A_87 = tpu.memref_slice %arg4[%add3A_82] : memref<320000xi32, #tpu.memory_space<hbm>> -> memref<80xi32, #tpu.memory_space<hbm>>
            tpu.enqueue_dma source(%dma_start3A_87 : memref<80xi32, #tpu.memory_space<hbm>>) target(%arg14 : memref<80xi32, #tpu.memory_space<vmem>>) target_semaphore(%run_scoped3A : memref<!tpu.dma_semaphore, #tpu.memory_space<semaphore_mem>>)
            %dma_wait3A_88 = tpu.memref_slice %arg4[%add3A_82] : memref<320000xi32, #tpu.memory_space<hbm>> -> memref<80xi32, #tpu.memory_space<hbm>>
            %dma_wait3A_89 = tpu.memref_slice %arg4[%add3A_82] : memref<320000xi32, #tpu.memory_space<hbm>> -> memref<80xi32, #tpu.memory_space<hbm>>
            tpu.wait_dma2 semaphore(%run_scoped3A : memref<!tpu.dma_semaphore, #tpu.memory_space<semaphore_mem>>) src(%dma_wait3A_89 : memref<80xi32, #tpu.memory_space<hbm>>) dst(%arg14 : memref<80xi32, #tpu.memory_space<vmem>>)
            tpu.yield
          }) : () -> ()
          %dma_start3A_83 = arith.constant 0 : i32
          %dma_start3A_84 = arith.constant 0 : i32
          %dma_start3A_85 = tpu.memref_slice %arg2[%dma_start3A_83, %dma_start3A_84] : memref<10240x128xf32, #tpu.memory_space<hbm>> -> memref<10240x128xf32, #tpu.memory_space<hbm>>
          tpu.enqueue_indirect_dma source(%dma_start3A_85 : memref<10240x128xf32, #tpu.memory_space<hbm>>) target(%arg10 : memref<80x128xf32, #tpu.memory_space<vmem>>) offsets(%arg12 : memref<80xi32, #tpu.memory_space<vmem>>) semaphore(%arg16 : memref<!tpu.dma_semaphore, #tpu.memory_space<semaphore_mem>>)
        } else {
        }
        %dma_wait3A = arith.constant 0 : i32
        %dma_wait3A_76 = arith.constant 0 : i32
        %dma_wait3A_77 = tpu.memref_slice %arg2[%dma_wait3A, %dma_wait3A_76] : memref<10240x128xf32, #tpu.memory_space<hbm>> -> memref<10240x128xf32, #tpu.memory_space<hbm>>
        tpu.wait_indirect_dma semaphore(%arg15 : memref<!tpu.dma_semaphore, #tpu.memory_space<semaphore_mem>>) src(%dma_wait3A_77 : memref<10240x128xf32, #tpu.memory_space<hbm>>) dst(%arg9 : memref<80x128xf32, #tpu.memory_space<vmem>>)
        "tpu.region"() ({
          %run_scoped3A = tpu.sem_alloc : memref<!tpu.dma_semaphore, #tpu.memory_space<semaphore_mem>>
          %dma_start3A_78 = arith.constant 0 : i32
          %dma_start3A_79 = arith.constant 0 : i32
          %dma_start3A_80 = tpu.memref_slice %arg7[%dma_start3A_78, %dma_start3A_79] : memref<10240x128xf32, #tpu.memory_space<vmem_shared>> -> memref<10240x128xf32, #tpu.memory_space<vmem_shared>>
          tpu.enqueue_indirect_dma source(%arg9 : memref<80x128xf32, #tpu.memory_space<vmem>>) target(%dma_start3A_80 : memref<10240x128xf32, #tpu.memory_space<vmem_shared>>) offsets(%arg13 : memref<80xi32, #tpu.memory_space<vmem>>) semaphore(%run_scoped3A : memref<!tpu.dma_semaphore, #tpu.memory_space<semaphore_mem>>) {add = true}
          %dma_wait3A_81 = arith.constant 0 : i32
          %dma_wait3A_82 = arith.constant 0 : i32
          %dma_wait3A_83 = tpu.memref_slice %arg7[%dma_wait3A_81, %dma_wait3A_82] : memref<10240x128xf32, #tpu.memory_space<vmem_shared>> -> memref<10240x128xf32, #tpu.memory_space<vmem_shared>>
          tpu.wait_indirect_dma semaphore(%run_scoped3A : memref<!tpu.dma_semaphore, #tpu.memory_space<semaphore_mem>>) src(%arg9 : memref<80x128xf32, #tpu.memory_space<vmem>>) dst(%dma_wait3A_83 : memref<10240x128xf32, #tpu.memory_space<vmem_shared>>)
          tpu.yield
        }) : () -> ()
      } else {
      }
      %mul3A_60 = arith.constant 2 : i32
      %mul3A_61 = arith.muli %mul3A_60, %scan3A_53 : i32
      %add3A_62 = arith.constant 1 : i32
      %add3A_63 = arith.addi %mul3A_61, %add3A_62 : i32
      %lt3A_64 = arith.constant 125 : i32
      %lt3A_65 = arith.cmpi slt, %add3A_63, %lt3A_64 : i32
      %convert_element_type3A_66 = arith.extui %lt3A_65 : i1 to i32
      %cond3A_67 = arith.constant 0 : i32
      %cond3A_68 = arith.cmpi ne, %convert_element_type3A_66, %cond3A_67 : i32
      scf.if %cond3A_68 {
        %add3A_69 = arith.constant 1 : i32
        %add3A_70 = arith.addi %add3A_63, %add3A_69 : i32
        %lt3A_71 = arith.constant 125 : i32
        %lt3A_72 = arith.cmpi slt, %add3A_70, %lt3A_71 : i32
        %convert_element_type3A_73 = arith.extui %lt3A_72 : i1 to i32
        %cond3A_74 = arith.constant 0 : i32
        %cond3A_75 = arith.cmpi ne, %convert_element_type3A_73, %cond3A_74 : i32
        scf.if %cond3A_75 {
          %add3A_78 = arith.constant 1 : i32
          %add3A_79 = arith.addi %add3A_63, %add3A_78 : i32
          %mul3A_80 = arith.constant 80 : i32
          %mul3A_81 = arith.muli %add3A_79, %mul3A_80 : i32
          %add3A_82 = arith.addi %mul3A_2, %mul3A_81 : i32
          "tpu.region"() ({
            %run_scoped3A = tpu.sem_alloc : memref<!tpu.dma_semaphore, #tpu.memory_space<semaphore_mem>>
            %dma_start3A_86 = tpu.memref_slice %arg3[%add3A_82] : memref<320000xi32, #tpu.memory_space<hbm>> -> memref<80xi32, #tpu.memory_space<hbm>>
            %dma_start3A_87 = tpu.memref_slice %arg3[%add3A_82] : memref<320000xi32, #tpu.memory_space<hbm>> -> memref<80xi32, #tpu.memory_space<hbm>>
            tpu.enqueue_dma source(%dma_start3A_87 : memref<80xi32, #tpu.memory_space<hbm>>) target(%arg11 : memref<80xi32, #tpu.memory_space<vmem>>) target_semaphore(%run_scoped3A : memref<!tpu.dma_semaphore, #tpu.memory_space<semaphore_mem>>)
            %dma_wait3A_88 = tpu.memref_slice %arg3[%add3A_82] : memref<320000xi32, #tpu.memory_space<hbm>> -> memref<80xi32, #tpu.memory_space<hbm>>
            %dma_wait3A_89 = tpu.memref_slice %arg3[%add3A_82] : memref<320000xi32, #tpu.memory_space<hbm>> -> memref<80xi32, #tpu.memory_space<hbm>>
            tpu.wait_dma2 semaphore(%run_scoped3A : memref<!tpu.dma_semaphore, #tpu.memory_space<semaphore_mem>>) src(%dma_wait3A_89 : memref<80xi32, #tpu.memory_space<hbm>>) dst(%arg11 : memref<80xi32, #tpu.memory_space<vmem>>)
            tpu.yield
          }) : () -> ()
          "tpu.region"() ({
            %run_scoped3A = tpu.sem_alloc : memref<!tpu.dma_semaphore, #tpu.memory_space<semaphore_mem>>
            %dma_start3A_86 = tpu.memref_slice %arg4[%add3A_82] : memref<320000xi32, #tpu.memory_space<hbm>> -> memref<80xi32, #tpu.memory_space<hbm>>
            %dma_start3A_87 = tpu.memref_slice %arg4[%add3A_82] : memref<320000xi32, #tpu.memory_space<hbm>> -> memref<80xi32, #tpu.memory_space<hbm>>
            tpu.enqueue_dma source(%dma_start3A_87 : memref<80xi32, #tpu.memory_space<hbm>>) target(%arg13 : memref<80xi32, #tpu.memory_space<vmem>>) target_semaphore(%run_scoped3A : memref<!tpu.dma_semaphore, #tpu.memory_space<semaphore_mem>>)
            %dma_wait3A_88 = tpu.memref_slice %arg4[%add3A_82] : memref<320000xi32, #tpu.memory_space<hbm>> -> memref<80xi32, #tpu.memory_space<hbm>>
            %dma_wait3A_89 = tpu.memref_slice %arg4[%add3A_82] : memref<320000xi32, #tpu.memory_space<hbm>> -> memref<80xi32, #tpu.memory_space<hbm>>
            tpu.wait_dma2 semaphore(%run_scoped3A : memref<!tpu.dma_semaphore, #tpu.memory_space<semaphore_mem>>) src(%dma_wait3A_89 : memref<80xi32, #tpu.memory_space<hbm>>) dst(%arg13 : memref<80xi32, #tpu.memory_space<vmem>>)
            tpu.yield
          }) : () -> ()
          %dma_start3A_83 = arith.constant 0 : i32
          %dma_start3A_84 = arith.constant 0 : i32
          %dma_start3A_85 = tpu.memref_slice %arg2[%dma_start3A_83, %dma_start3A_84] : memref<10240x128xf32, #tpu.memory_space<hbm>> -> memref<10240x128xf32, #tpu.memory_space<hbm>>
          tpu.enqueue_indirect_dma source(%dma_start3A_85 : memref<10240x128xf32, #tpu.memory_space<hbm>>) target(%arg9 : memref<80x128xf32, #tpu.memory_space<vmem>>) offsets(%arg11 : memref<80xi32, #tpu.memory_space<vmem>>) semaphore(%arg15 : memref<!tpu.dma_semaphore, #tpu.memory_space<semaphore_mem>>)
        } else {
        }
        %dma_wait3A = arith.constant 0 : i32
        %dma_wait3A_76 = arith.constant 0 : i32
        %dma_wait3A_77 = tpu.memref_slice %arg2[%dma_wait3A, %dma_wait3A_76] : memref<10240x128xf32, #tpu.memory_space<hbm>> -> memref<10240x128xf32, #tpu.memory_space<hbm>>
        tpu.wait_indirect_dma semaphore(%arg16 : memref<!tpu.dma_semaphore, #tpu.memory_space<semaphore_mem>>) src(%dma_wait3A_77 : memref<10240x128xf32, #tpu.memory_space<hbm>>) dst(%arg10 : memref<80x128xf32, #tpu.memory_space<vmem>>)
        "tpu.region"() ({
          %run_scoped3A = tpu.sem_alloc : memref<!tpu.dma_semaphore, #tpu.memory_space<semaphore_mem>>
          %dma_start3A_78 = arith.constant 0 : i32
          %dma_start3A_79 = arith.constant 0 : i32
          %dma_start3A_80 = tpu.memref_slice %arg7[%dma_start3A_78, %dma_start3A_79] : memref<10240x128xf32, #tpu.memory_space<vmem_shared>> -> memref<10240x128xf32, #tpu.memory_space<vmem_shared>>
          tpu.enqueue_indirect_dma source(%arg10 : memref<80x128xf32, #tpu.memory_space<vmem>>) target(%dma_start3A_80 : memref<10240x128xf32, #tpu.memory_space<vmem_shared>>) offsets(%arg14 : memref<80xi32, #tpu.memory_space<vmem>>) semaphore(%run_scoped3A : memref<!tpu.dma_semaphore, #tpu.memory_space<semaphore_mem>>) {add = true}
          %dma_wait3A_81 = arith.constant 0 : i32
          %dma_wait3A_82 = arith.constant 0 : i32
          %dma_wait3A_83 = tpu.memref_slice %arg7[%dma_wait3A_81, %dma_wait3A_82] : memref<10240x128xf32, #tpu.memory_space<vmem_shared>> -> memref<10240x128xf32, #tpu.memory_space<vmem_shared>>
          tpu.wait_indirect_dma semaphore(%run_scoped3A : memref<!tpu.dma_semaphore, #tpu.memory_space<semaphore_mem>>) src(%arg10 : memref<80x128xf32, #tpu.memory_space<vmem>>) dst(%dma_wait3A_83 : memref<10240x128xf32, #tpu.memory_space<vmem_shared>>)
          tpu.yield
        }) : () -> ()
      } else {
      }
    }
    %scan3A_31 = arith.constant 63 : i32
    %barrier3A_32 = arith.constant 0 : index
    tpu.barrier barrier_id(%barrier3A_32)
    %mul3A_33 = arith.constant 640 : i32
    %mul3A_34 = arith.muli %arg1, %mul3A_33 : i32
    %add3A_35 = arith.constant 0 : i32
    %add3A_36 = arith.addi %mul3A_34, %add3A_35 : i32
    "tpu.region"() ({
      %run_scoped3A = tpu.sem_alloc : memref<!tpu.dma_semaphore, #tpu.memory_space<semaphore_mem>>
      %dma_start3A_53 = arith.constant 0 : i32
      %dma_start3A_54 = tpu.memref_slice %arg7[%add3A_36, %dma_start3A_53] : memref<10240x128xf32, #tpu.memory_space<vmem_shared>> -> memref<128x128xf32, #tpu.memory_space<vmem_shared>>
      %dma_start3A_55 = arith.constant 0 : i32
      %dma_start3A_56 = tpu.memref_slice %arg7[%add3A_36, %dma_start3A_55] : memref<10240x128xf32, #tpu.memory_space<vmem_shared>> -> memref<128x128xf32, #tpu.memory_space<vmem_shared>>
      tpu.enqueue_dma source(%dma_start3A_56 : memref<128x128xf32, #tpu.memory_space<vmem_shared>>) target(%arg8 : memref<128x128xf32, #tpu.memory_space<vmem>>) target_semaphore(%run_scoped3A : memref<!tpu.dma_semaphore, #tpu.memory_space<semaphore_mem>>)
      %dma_wait3A = arith.constant 0 : i32
      %dma_wait3A_57 = tpu.memref_slice %arg7[%add3A_36, %dma_wait3A] : memref<10240x128xf32, #tpu.memory_space<vmem_shared>> -> memref<128x128xf32, #tpu.memory_space<vmem_shared>>
      %dma_wait3A_58 = arith.constant 0 : i32
      %dma_wait3A_59 = tpu.memref_slice %arg7[%add3A_36, %dma_wait3A_58] : memref<10240x128xf32, #tpu.memory_space<vmem_shared>> -> memref<128x128xf32, #tpu.memory_space<vmem_shared>>
      tpu.wait_dma2 semaphore(%run_scoped3A : memref<!tpu.dma_semaphore, #tpu.memory_space<semaphore_mem>>) src(%dma_wait3A_59 : memref<128x128xf32, #tpu.memory_space<vmem_shared>>) dst(%arg8 : memref<128x128xf32, #tpu.memory_space<vmem>>)
      tpu.yield
    }) : () -> ()
    "tpu.region"() ({
      %run_scoped3A = tpu.sem_alloc : memref<!tpu.dma_semaphore, #tpu.memory_space<semaphore_mem>>
      %dma_start3A_53 = arith.constant 0 : i32
      %dma_start3A_54 = tpu.memref_slice %arg6[%arg0, %add3A_36, %dma_start3A_53] : memref<2x10240x128xf32, #tpu.memory_space<hbm>> -> memref<1x128x128xf32, #tpu.memory_space<hbm>>
      %dma_start3A_55 = tpu.memref_squeeze %dma_start3A_54 : memref<1x128x128xf32, #tpu.memory_space<hbm>> -> memref<128x128xf32, #tpu.memory_space<hbm>>
      %dma_start3A_56 = arith.constant 0 : i32
      %dma_start3A_57 = tpu.memref_slice %arg6[%arg0, %add3A_36, %dma_start3A_56] : memref<2x10240x128xf32, #tpu.memory_space<hbm>> -> memref<1x128x128xf32, #tpu.memory_space<hbm>>
      %dma_start3A_58 = tpu.memref_squeeze %dma_start3A_57 : memref<1x128x128xf32, #tpu.memory_space<hbm>> -> memref<128x128xf32, #tpu.memory_space<hbm>>
      tpu.enqueue_dma source(%arg8 : memref<128x128xf32, #tpu.memory_space<vmem>>) target(%dma_start3A_58 : memref<128x128xf32, #tpu.memory_space<hbm>>) target_semaphore(%run_scoped3A : memref<!tpu.dma_semaphore, #tpu.memory_space<semaphore_mem>>)
      %dma_wait3A = arith.constant 0 : i32
      %dma_wait3A_59 = tpu.memref_slice %arg6[%arg0, %add3A_36, %dma_wait3A] : memref<2x10240x128xf32, #tpu.memory_space<hbm>> -> memref<1x128x128xf32, #tpu.memory_space<hbm>>
      %dma_wait3A_60 = tpu.memref_squeeze %dma_wait3A_59 : memref<1x128x128xf32, #tpu.memory_space<hbm>> -> memref<128x128xf32, #tpu.memory_space<hbm>>
      %dma_wait3A_61 = arith.constant 0 : i32
      %dma_wait3A_62 = tpu.memref_slice %arg6[%arg0, %add3A_36, %dma_wait3A_61] : memref<2x10240x128xf32, #tpu.memory_space<hbm>> -> memref<1x128x128xf32, #tpu.memory_space<hbm>>
      %dma_wait3A_63 = tpu.memref_squeeze %dma_wait3A_62 : memref<1x128x128xf32, #tpu.memory_space<hbm>> -> memref<128x128xf32, #tpu.memory_space<hbm>>
      tpu.wait_dma2 semaphore(%run_scoped3A : memref<!tpu.dma_semaphore, #tpu.memory_space<semaphore_mem>>) src(%arg8 : memref<128x128xf32, #tpu.memory_space<vmem>>) dst(%dma_wait3A_63 : memref<128x128xf32, #tpu.memory_space<hbm>>)
      tpu.yield
    }) : () -> ()
    %mul3A_37 = arith.constant 640 : i32
    %mul3A_38 = arith.muli %arg1, %mul3A_37 : i32
    %add3A_39 = arith.constant 128 : i32
    %add3A_40 = arith.addi %mul3A_38, %add3A_39 : i32
    "tpu.region"() ({
      %run_scoped3A = tpu.sem_alloc : memref<!tpu.dma_semaphore, #tpu.memory_space<semaphore_mem>>
      %dma_start3A_53 = arith.constant 0 : i32
      %dma_start3A_54 = tpu.memref_slice %arg7[%add3A_40, %dma_start3A_53] : memref<10240x128xf32, #tpu.memory_space<vmem_shared>> -> memref<128x128xf32, #tpu.memory_space<vmem_shared>>
      %dma_start3A_55 = arith.constant 0 : i32
      %dma_start3A_56 = tpu.memref_slice %arg7[%add3A_40, %dma_start3A_55] : memref<10240x128xf32, #tpu.memory_space<vmem_shared>> -> memref<128x128xf32, #tpu.memory_space<vmem_shared>>
      tpu.enqueue_dma source(%dma_start3A_56 : memref<128x128xf32, #tpu.memory_space<vmem_shared>>) target(%arg8 : memref<128x128xf32, #tpu.memory_space<vmem>>) target_semaphore(%run_scoped3A : memref<!tpu.dma_semaphore, #tpu.memory_space<semaphore_mem>>)
      %dma_wait3A = arith.constant 0 : i32
      %dma_wait3A_57 = tpu.memref_slice %arg7[%add3A_40, %dma_wait3A] : memref<10240x128xf32, #tpu.memory_space<vmem_shared>> -> memref<128x128xf32, #tpu.memory_space<vmem_shared>>
      %dma_wait3A_58 = arith.constant 0 : i32
      %dma_wait3A_59 = tpu.memref_slice %arg7[%add3A_40, %dma_wait3A_58] : memref<10240x128xf32, #tpu.memory_space<vmem_shared>> -> memref<128x128xf32, #tpu.memory_space<vmem_shared>>
      tpu.wait_dma2 semaphore(%run_scoped3A : memref<!tpu.dma_semaphore, #tpu.memory_space<semaphore_mem>>) src(%dma_wait3A_59 : memref<128x128xf32, #tpu.memory_space<vmem_shared>>) dst(%arg8 : memref<128x128xf32, #tpu.memory_space<vmem>>)
      tpu.yield
    }) : () -> ()
    "tpu.region"() ({
      %run_scoped3A = tpu.sem_alloc : memref<!tpu.dma_semaphore, #tpu.memory_space<semaphore_mem>>
      %dma_start3A_53 = arith.constant 0 : i32
      %dma_start3A_54 = tpu.memref_slice %arg6[%arg0, %add3A_40, %dma_start3A_53] : memref<2x10240x128xf32, #tpu.memory_space<hbm>> -> memref<1x128x128xf32, #tpu.memory_space<hbm>>
      %dma_start3A_55 = tpu.memref_squeeze %dma_start3A_54 : memref<1x128x128xf32, #tpu.memory_space<hbm>> -> memref<128x128xf32, #tpu.memory_space<hbm>>
      %dma_start3A_56 = arith.constant 0 : i32
      %dma_start3A_57 = tpu.memref_slice %arg6[%arg0, %add3A_40, %dma_start3A_56] : memref<2x10240x128xf32, #tpu.memory_space<hbm>> -> memref<1x128x128xf32, #tpu.memory_space<hbm>>
      %dma_start3A_58 = tpu.memref_squeeze %dma_start3A_57 : memref<1x128x128xf32, #tpu.memory_space<hbm>> -> memref<128x128xf32, #tpu.memory_space<hbm>>
      tpu.enqueue_dma source(%arg8 : memref<128x128xf32, #tpu.memory_space<vmem>>) target(%dma_start3A_58 : memref<128x128xf32, #tpu.memory_space<hbm>>) target_semaphore(%run_scoped3A : memref<!tpu.dma_semaphore, #tpu.memory_space<semaphore_mem>>)
      %dma_wait3A = arith.constant 0 : i32
      %dma_wait3A_59 = tpu.memref_slice %arg6[%arg0, %add3A_40, %dma_wait3A] : memref<2x10240x128xf32, #tpu.memory_space<hbm>> -> memref<1x128x128xf32, #tpu.memory_space<hbm>>
      %dma_wait3A_60 = tpu.memref_squeeze %dma_wait3A_59 : memref<1x128x128xf32, #tpu.memory_space<hbm>> -> memref<128x128xf32, #tpu.memory_space<hbm>>
      %dma_wait3A_61 = arith.constant 0 : i32
      %dma_wait3A_62 = tpu.memref_slice %arg6[%arg0, %add3A_40, %dma_wait3A_61] : memref<2x10240x128xf32, #tpu.memory_space<hbm>> -> memref<1x128x128xf32, #tpu.memory_space<hbm>>
      %dma_wait3A_63 = tpu.memref_squeeze %dma_wait3A_62 : memref<1x128x128xf32, #tpu.memory_space<hbm>> -> memref<128x128xf32, #tpu.memory_space<hbm>>
      tpu.wait_dma2 semaphore(%run_scoped3A : memref<!tpu.dma_semaphore, #tpu.memory_space<semaphore_mem>>) src(%arg8 : memref<128x128xf32, #tpu.memory_space<vmem>>) dst(%dma_wait3A_63 : memref<128x128xf32, #tpu.memory_space<hbm>>)
      tpu.yield
    }) : () -> ()
    %mul3A_41 = arith.constant 640 : i32
    %mul3A_42 = arith.muli %arg1, %mul3A_41 : i32
    %add3A_43 = arith.constant 256 : i32
    %add3A_44 = arith.addi %mul3A_42, %add3A_43 : i32
    "tpu.region"() ({
      %run_scoped3A = tpu.sem_alloc : memref<!tpu.dma_semaphore, #tpu.memory_space<semaphore_mem>>
      %dma_start3A_53 = arith.constant 0 : i32
      %dma_start3A_54 = tpu.memref_slice %arg7[%add3A_44, %dma_start3A_53] : memref<10240x128xf32, #tpu.memory_space<vmem_shared>> -> memref<128x128xf32, #tpu.memory_space<vmem_shared>>
      %dma_start3A_55 = arith.constant 0 : i32
      %dma_start3A_56 = tpu.memref_slice %arg7[%add3A_44, %dma_start3A_55] : memref<10240x128xf32, #tpu.memory_space<vmem_shared>> -> memref<128x128xf32, #tpu.memory_space<vmem_shared>>
      tpu.enqueue_dma source(%dma_start3A_56 : memref<128x128xf32, #tpu.memory_space<vmem_shared>>) target(%arg8 : memref<128x128xf32, #tpu.memory_space<vmem>>) target_semaphore(%run_scoped3A : memref<!tpu.dma_semaphore, #tpu.memory_space<semaphore_mem>>)
      %dma_wait3A = arith.constant 0 : i32
      %dma_wait3A_57 = tpu.memref_slice %arg7[%add3A_44, %dma_wait3A] : memref<10240x128xf32, #tpu.memory_space<vmem_shared>> -> memref<128x128xf32, #tpu.memory_space<vmem_shared>>
      %dma_wait3A_58 = arith.constant 0 : i32
      %dma_wait3A_59 = tpu.memref_slice %arg7[%add3A_44, %dma_wait3A_58] : memref<10240x128xf32, #tpu.memory_space<vmem_shared>> -> memref<128x128xf32, #tpu.memory_space<vmem_shared>>
      tpu.wait_dma2 semaphore(%run_scoped3A : memref<!tpu.dma_semaphore, #tpu.memory_space<semaphore_mem>>) src(%dma_wait3A_59 : memref<128x128xf32, #tpu.memory_space<vmem_shared>>) dst(%arg8 : memref<128x128xf32, #tpu.memory_space<vmem>>)
      tpu.yield
    }) : () -> ()
    "tpu.region"() ({
      %run_scoped3A = tpu.sem_alloc : memref<!tpu.dma_semaphore, #tpu.memory_space<semaphore_mem>>
      %dma_start3A_53 = arith.constant 0 : i32
      %dma_start3A_54 = tpu.memref_slice %arg6[%arg0, %add3A_44, %dma_start3A_53] : memref<2x10240x128xf32, #tpu.memory_space<hbm>> -> memref<1x128x128xf32, #tpu.memory_space<hbm>>
      %dma_start3A_55 = tpu.memref_squeeze %dma_start3A_54 : memref<1x128x128xf32, #tpu.memory_space<hbm>> -> memref<128x128xf32, #tpu.memory_space<hbm>>
      %dma_start3A_56 = arith.constant 0 : i32
      %dma_start3A_57 = tpu.memref_slice %arg6[%arg0, %add3A_44, %dma_start3A_56] : memref<2x10240x128xf32, #tpu.memory_space<hbm>> -> memref<1x128x128xf32, #tpu.memory_space<hbm>>
      %dma_start3A_58 = tpu.memref_squeeze %dma_start3A_57 : memref<1x128x128xf32, #tpu.memory_space<hbm>> -> memref<128x128xf32, #tpu.memory_space<hbm>>
      tpu.enqueue_dma source(%arg8 : memref<128x128xf32, #tpu.memory_space<vmem>>) target(%dma_start3A_58 : memref<128x128xf32, #tpu.memory_space<hbm>>) target_semaphore(%run_scoped3A : memref<!tpu.dma_semaphore, #tpu.memory_space<semaphore_mem>>)
      %dma_wait3A = arith.constant 0 : i32
      %dma_wait3A_59 = tpu.memref_slice %arg6[%arg0, %add3A_44, %dma_wait3A] : memref<2x10240x128xf32, #tpu.memory_space<hbm>> -> memref<1x128x128xf32, #tpu.memory_space<hbm>>
      %dma_wait3A_60 = tpu.memref_squeeze %dma_wait3A_59 : memref<1x128x128xf32, #tpu.memory_space<hbm>> -> memref<128x128xf32, #tpu.memory_space<hbm>>
      %dma_wait3A_61 = arith.constant 0 : i32
      %dma_wait3A_62 = tpu.memref_slice %arg6[%arg0, %add3A_44, %dma_wait3A_61] : memref<2x10240x128xf32, #tpu.memory_space<hbm>> -> memref<1x128x128xf32, #tpu.memory_space<hbm>>
      %dma_wait3A_63 = tpu.memref_squeeze %dma_wait3A_62 : memref<1x128x128xf32, #tpu.memory_space<hbm>> -> memref<128x128xf32, #tpu.memory_space<hbm>>
      tpu.wait_dma2 semaphore(%run_scoped3A : memref<!tpu.dma_semaphore, #tpu.memory_space<semaphore_mem>>) src(%arg8 : memref<128x128xf32, #tpu.memory_space<vmem>>) dst(%dma_wait3A_63 : memref<128x128xf32, #tpu.memory_space<hbm>>)
      tpu.yield
    }) : () -> ()
    %mul3A_45 = arith.constant 640 : i32
    %mul3A_46 = arith.muli %arg1, %mul3A_45 : i32
    %add3A_47 = arith.constant 384 : i32
    %add3A_48 = arith.addi %mul3A_46, %add3A_47 : i32
    "tpu.region"() ({
      %run_scoped3A = tpu.sem_alloc : memref<!tpu.dma_semaphore, #tpu.memory_space<semaphore_mem>>
      %dma_start3A_53 = arith.constant 0 : i32
      %dma_start3A_54 = tpu.memref_slice %arg7[%add3A_48, %dma_start3A_53] : memref<10240x128xf32, #tpu.memory_space<vmem_shared>> -> memref<128x128xf32, #tpu.memory_space<vmem_shared>>
      %dma_start3A_55 = arith.constant 0 : i32
      %dma_start3A_56 = tpu.memref_slice %arg7[%add3A_48, %dma_start3A_55] : memref<10240x128xf32, #tpu.memory_space<vmem_shared>> -> memref<128x128xf32, #tpu.memory_space<vmem_shared>>
      tpu.enqueue_dma source(%dma_start3A_56 : memref<128x128xf32, #tpu.memory_space<vmem_shared>>) target(%arg8 : memref<128x128xf32, #tpu.memory_space<vmem>>) target_semaphore(%run_scoped3A : memref<!tpu.dma_semaphore, #tpu.memory_space<semaphore_mem>>)
      %dma_wait3A = arith.constant 0 : i32
      %dma_wait3A_57 = tpu.memref_slice %arg7[%add3A_48, %dma_wait3A] : memref<10240x128xf32, #tpu.memory_space<vmem_shared>> -> memref<128x128xf32, #tpu.memory_space<vmem_shared>>
      %dma_wait3A_58 = arith.constant 0 : i32
      %dma_wait3A_59 = tpu.memref_slice %arg7[%add3A_48, %dma_wait3A_58] : memref<10240x128xf32, #tpu.memory_space<vmem_shared>> -> memref<128x128xf32, #tpu.memory_space<vmem_shared>>
      tpu.wait_dma2 semaphore(%run_scoped3A : memref<!tpu.dma_semaphore, #tpu.memory_space<semaphore_mem>>) src(%dma_wait3A_59 : memref<128x128xf32, #tpu.memory_space<vmem_shared>>) dst(%arg8 : memref<128x128xf32, #tpu.memory_space<vmem>>)
      tpu.yield
    }) : () -> ()
    "tpu.region"() ({
      %run_scoped3A = tpu.sem_alloc : memref<!tpu.dma_semaphore, #tpu.memory_space<semaphore_mem>>
      %dma_start3A_53 = arith.constant 0 : i32
      %dma_start3A_54 = tpu.memref_slice %arg6[%arg0, %add3A_48, %dma_start3A_53] : memref<2x10240x128xf32, #tpu.memory_space<hbm>> -> memref<1x128x128xf32, #tpu.memory_space<hbm>>
      %dma_start3A_55 = tpu.memref_squeeze %dma_start3A_54 : memref<1x128x128xf32, #tpu.memory_space<hbm>> -> memref<128x128xf32, #tpu.memory_space<hbm>>
      %dma_start3A_56 = arith.constant 0 : i32
      %dma_start3A_57 = tpu.memref_slice %arg6[%arg0, %add3A_48, %dma_start3A_56] : memref<2x10240x128xf32, #tpu.memory_space<hbm>> -> memref<1x128x128xf32, #tpu.memory_space<hbm>>
      %dma_start3A_58 = tpu.memref_squeeze %dma_start3A_57 : memref<1x128x128xf32, #tpu.memory_space<hbm>> -> memref<128x128xf32, #tpu.memory_space<hbm>>
      tpu.enqueue_dma source(%arg8 : memref<128x128xf32, #tpu.memory_space<vmem>>) target(%dma_start3A_58 : memref<128x128xf32, #tpu.memory_space<hbm>>) target_semaphore(%run_scoped3A : memref<!tpu.dma_semaphore, #tpu.memory_space<semaphore_mem>>)
      %dma_wait3A = arith.constant 0 : i32
      %dma_wait3A_59 = tpu.memref_slice %arg6[%arg0, %add3A_48, %dma_wait3A] : memref<2x10240x128xf32, #tpu.memory_space<hbm>> -> memref<1x128x128xf32, #tpu.memory_space<hbm>>
      %dma_wait3A_60 = tpu.memref_squeeze %dma_wait3A_59 : memref<1x128x128xf32, #tpu.memory_space<hbm>> -> memref<128x128xf32, #tpu.memory_space<hbm>>
      %dma_wait3A_61 = arith.constant 0 : i32
      %dma_wait3A_62 = tpu.memref_slice %arg6[%arg0, %add3A_48, %dma_wait3A_61] : memref<2x10240x128xf32, #tpu.memory_space<hbm>> -> memref<1x128x128xf32, #tpu.memory_space<hbm>>
      %dma_wait3A_63 = tpu.memref_squeeze %dma_wait3A_62 : memref<1x128x128xf32, #tpu.memory_space<hbm>> -> memref<128x128xf32, #tpu.memory_space<hbm>>
      tpu.wait_dma2 semaphore(%run_scoped3A : memref<!tpu.dma_semaphore, #tpu.memory_space<semaphore_mem>>) src(%arg8 : memref<128x128xf32, #tpu.memory_space<vmem>>) dst(%dma_wait3A_63 : memref<128x128xf32, #tpu.memory_space<hbm>>)
      tpu.yield
    }) : () -> ()
    %mul3A_49 = arith.constant 640 : i32
    %mul3A_50 = arith.muli %arg1, %mul3A_49 : i32
    %add3A_51 = arith.constant 512 : i32
    %add3A_52 = arith.addi %mul3A_50, %add3A_51 : i32
    "tpu.region"() ({
      %run_scoped3A = tpu.sem_alloc : memref<!tpu.dma_semaphore, #tpu.memory_space<semaphore_mem>>
      %dma_start3A_53 = arith.constant 0 : i32
      %dma_start3A_54 = tpu.memref_slice %arg7[%add3A_52, %dma_start3A_53] : memref<10240x128xf32, #tpu.memory_space<vmem_shared>> -> memref<128x128xf32, #tpu.memory_space<vmem_shared>>
      %dma_start3A_55 = arith.constant 0 : i32
      %dma_start3A_56 = tpu.memref_slice %arg7[%add3A_52, %dma_start3A_55] : memref<10240x128xf32, #tpu.memory_space<vmem_shared>> -> memref<128x128xf32, #tpu.memory_space<vmem_shared>>
      tpu.enqueue_dma source(%dma_start3A_56 : memref<128x128xf32, #tpu.memory_space<vmem_shared>>) target(%arg8 : memref<128x128xf32, #tpu.memory_space<vmem>>) target_semaphore(%run_scoped3A : memref<!tpu.dma_semaphore, #tpu.memory_space<semaphore_mem>>)
      %dma_wait3A = arith.constant 0 : i32
      %dma_wait3A_57 = tpu.memref_slice %arg7[%add3A_52, %dma_wait3A] : memref<10240x128xf32, #tpu.memory_space<vmem_shared>> -> memref<128x128xf32, #tpu.memory_space<vmem_shared>>
      %dma_wait3A_58 = arith.constant 0 : i32
      %dma_wait3A_59 = tpu.memref_slice %arg7[%add3A_52, %dma_wait3A_58] : memref<10240x128xf32, #tpu.memory_space<vmem_shared>> -> memref<128x128xf32, #tpu.memory_space<vmem_shared>>
      tpu.wait_dma2 semaphore(%run_scoped3A : memref<!tpu.dma_semaphore, #tpu.memory_space<semaphore_mem>>) src(%dma_wait3A_59 : memref<128x128xf32, #tpu.memory_space<vmem_shared>>) dst(%arg8 : memref<128x128xf32, #tpu.memory_space<vmem>>)
      tpu.yield
    }) : () -> ()
    "tpu.region"() ({
      %run_scoped3A = tpu.sem_alloc : memref<!tpu.dma_semaphore, #tpu.memory_space<semaphore_mem>>
      %dma_start3A_53 = arith.constant 0 : i32
      %dma_start3A_54 = tpu.memref_slice %arg6[%arg0, %add3A_52, %dma_start3A_53] : memref<2x10240x128xf32, #tpu.memory_space<hbm>> -> memref<1x128x128xf32, #tpu.memory_space<hbm>>
      %dma_start3A_55 = tpu.memref_squeeze %dma_start3A_54 : memref<1x128x128xf32, #tpu.memory_space<hbm>> -> memref<128x128xf32, #tpu.memory_space<hbm>>
      %dma_start3A_56 = arith.constant 0 : i32
      %dma_start3A_57 = tpu.memref_slice %arg6[%arg0, %add3A_52, %dma_start3A_56] : memref<2x10240x128xf32, #tpu.memory_space<hbm>> -> memref<1x128x128xf32, #tpu.memory_space<hbm>>
      %dma_start3A_58 = tpu.memref_squeeze %dma_start3A_57 : memref<1x128x128xf32, #tpu.memory_space<hbm>> -> memref<128x128xf32, #tpu.memory_space<hbm>>
      tpu.enqueue_dma source(%arg8 : memref<128x128xf32, #tpu.memory_space<vmem>>) target(%dma_start3A_58 : memref<128x128xf32, #tpu.memory_space<hbm>>) target_semaphore(%run_scoped3A : memref<!tpu.dma_semaphore, #tpu.memory_space<semaphore_mem>>)
      %dma_wait3A = arith.constant 0 : i32
      %dma_wait3A_59 = tpu.memref_slice %arg6[%arg0, %add3A_52, %dma_wait3A] : memref<2x10240x128xf32, #tpu.memory_space<hbm>> -> memref<1x128x128xf32, #tpu.memory_space<hbm>>
      %dma_wait3A_60 = tpu.memref_squeeze %dma_wait3A_59 : memref<1x128x128xf32, #tpu.memory_space<hbm>> -> memref<128x128xf32, #tpu.memory_space<hbm>>
      %dma_wait3A_61 = arith.constant 0 : i32
      %dma_wait3A_62 = tpu.memref_slice %arg6[%arg0, %add3A_52, %dma_wait3A_61] : memref<2x10240x128xf32, #tpu.memory_space<hbm>> -> memref<1x128x128xf32, #tpu.memory_space<hbm>>
      %dma_wait3A_63 = tpu.memref_squeeze %dma_wait3A_62 : memref<1x128x128xf32, #tpu.memory_space<hbm>> -> memref<128x128xf32, #tpu.memory_space<hbm>>
      tpu.wait_dma2 semaphore(%run_scoped3A : memref<!tpu.dma_semaphore, #tpu.memory_space<semaphore_mem>>) src(%arg8 : memref<128x128xf32, #tpu.memory_space<vmem>>) dst(%dma_wait3A_63 : memref<128x128xf32, #tpu.memory_space<hbm>>)
      tpu.yield
    }) : () -> ()
    return
  }
}

#map = affine_map<(d0, d1) -> (0, 0)>
#map1 = affine_map<(d0, d1) -> (0)>
#map2 = affine_map<(d0, d1) -> (0, 0, 0)>
module attributes {stable_mosaic.version = 14 : i64} {
  func.func @_sc_body(%arg0: i32, %arg1: i32, %arg2: memref<10240x128xf32, #tpu.memory_space<hbm>>, %arg3: memref<320000xi32, #tpu.memory_space<hbm>>, %arg4: memref<320000xi32, #tpu.memory_space<hbm>>, %arg5: memref<128x128xf32, #tpu.memory_space<hbm>>, %arg6: memref<640x8xf32, #tpu.memory_space<hbm>>, %arg7: memref<80x8xf32, #tpu.memory_space<hbm>>, %arg8: memref<2x10240x128xf32, #tpu.memory_space<hbm>>, %arg9: memref<2x10240x8xf32, #tpu.memory_space<hbm>>, %arg10: memref<10240x128xf32, #tpu.memory_space<vmem_shared>>, %arg11: memref<10240x8xf32, #tpu.memory_space<vmem_shared>>, %arg12: memref<128x128xf32, #tpu.memory_space<vmem>>, %arg13: memref<640x8xf32, #tpu.memory_space<vmem>>, %arg14: memref<80x8xf32, #tpu.memory_space<vmem>>, %arg15: memref<80x128xf32, #tpu.memory_space<vmem>>, %arg16: memref<80x128xf32, #tpu.memory_space<vmem>>, %arg17: memref<80xi32, #tpu.memory_space<vmem>>, %arg18: memref<80xi32, #tpu.memory_space<vmem>>, %arg19: memref<80xi32, #tpu.memory_space<vmem>>, %arg20: memref<80xi32, #tpu.memory_space<vmem>>, %arg21: memref<!tpu.dma_semaphore, #tpu.memory_space<semaphore_mem>>, %arg22: memref<!tpu.dma_semaphore, #tpu.memory_space<semaphore_mem>>) attributes {dimension_semantics = [#tpu.dimension_semantics<core_parallel>, #tpu.dimension_semantics<subcore_parallel>], iteration_bounds = array<i64: 2, 16>, scalar_prefetch = 0 : i64, scratch_operands = 13 : i64, tpu.core_type = #tpu.core_type<sc_vector_subcore>, window_params = [{transform_indices = #map}, {transform_indices = #map1}, {transform_indices = #map1}, {transform_indices = #map}, {transform_indices = #map}, {transform_indices = #map}, {transform_indices = #map2}, {transform_indices = #map2}]} {
    %mul3A = arith.constant 2 : i32
    %mul3A_0 = arith.muli %arg1, %mul3A : i32
    %add3A = arith.addi %mul3A_0, %arg0 : i32
    %mul3A_1 = arith.constant 10000 : i32
    %mul3A_2 = arith.muli %add3A, %mul3A_1 : i32
    "tpu.region"() ({
      %run_scoped3A = tpu.sem_alloc : memref<!tpu.dma_semaphore, #tpu.memory_space<semaphore_mem>>
      tpu.enqueue_dma source(%arg5 : memref<128x128xf32, #tpu.memory_space<hbm>>) target(%arg12 : memref<128x128xf32, #tpu.memory_space<vmem>>) target_semaphore(%run_scoped3A : memref<!tpu.dma_semaphore, #tpu.memory_space<semaphore_mem>>)
      tpu.wait_dma2 semaphore(%run_scoped3A : memref<!tpu.dma_semaphore, #tpu.memory_space<semaphore_mem>>) src(%arg5 : memref<128x128xf32, #tpu.memory_space<hbm>>) dst(%arg12 : memref<128x128xf32, #tpu.memory_space<vmem>>)
      tpu.yield
    }) : () -> ()
    %mul3A_3 = arith.constant 640 : i32
    %mul3A_4 = arith.muli %arg1, %mul3A_3 : i32
    %add3A_5 = arith.constant 0 : i32
    %add3A_6 = arith.addi %mul3A_4, %add3A_5 : i32
    "tpu.region"() ({
      %run_scoped3A = tpu.sem_alloc : memref<!tpu.dma_semaphore, #tpu.memory_space<semaphore_mem>>
      %dma_start3A_59 = arith.constant 0 : i32
      %dma_start3A_60 = tpu.memref_slice %arg10[%add3A_6, %dma_start3A_59] : memref<10240x128xf32, #tpu.memory_space<vmem_shared>> -> memref<128x128xf32, #tpu.memory_space<vmem_shared>>
      %dma_start3A_61 = arith.constant 0 : i32
      %dma_start3A_62 = tpu.memref_slice %arg10[%add3A_6, %dma_start3A_61] : memref<10240x128xf32, #tpu.memory_space<vmem_shared>> -> memref<128x128xf32, #tpu.memory_space<vmem_shared>>
      tpu.enqueue_dma source(%arg12 : memref<128x128xf32, #tpu.memory_space<vmem>>) target(%dma_start3A_62 : memref<128x128xf32, #tpu.memory_space<vmem_shared>>) target_semaphore(%run_scoped3A : memref<!tpu.dma_semaphore, #tpu.memory_space<semaphore_mem>>)
      %dma_wait3A = arith.constant 0 : i32
      %dma_wait3A_63 = tpu.memref_slice %arg10[%add3A_6, %dma_wait3A] : memref<10240x128xf32, #tpu.memory_space<vmem_shared>> -> memref<128x128xf32, #tpu.memory_space<vmem_shared>>
      %dma_wait3A_64 = arith.constant 0 : i32
      %dma_wait3A_65 = tpu.memref_slice %arg10[%add3A_6, %dma_wait3A_64] : memref<10240x128xf32, #tpu.memory_space<vmem_shared>> -> memref<128x128xf32, #tpu.memory_space<vmem_shared>>
      tpu.wait_dma2 semaphore(%run_scoped3A : memref<!tpu.dma_semaphore, #tpu.memory_space<semaphore_mem>>) src(%arg12 : memref<128x128xf32, #tpu.memory_space<vmem>>) dst(%dma_wait3A_65 : memref<128x128xf32, #tpu.memory_space<vmem_shared>>)
      tpu.yield
    }) : () -> ()
    %mul3A_7 = arith.constant 640 : i32
    %mul3A_8 = arith.muli %arg1, %mul3A_7 : i32
    %add3A_9 = arith.constant 128 : i32
    %add3A_10 = arith.addi %mul3A_8, %add3A_9 : i32
    "tpu.region"() ({
      %run_scoped3A = tpu.sem_alloc : memref<!tpu.dma_semaphore, #tpu.memory_space<semaphore_mem>>
      %dma_start3A_59 = arith.constant 0 : i32
      %dma_start3A_60 = tpu.memref_slice %arg10[%add3A_10, %dma_start3A_59] : memref<10240x128xf32, #tpu.memory_space<vmem_shared>> -> memref<128x128xf32, #tpu.memory_space<vmem_shared>>
      %dma_start3A_61 = arith.constant 0 : i32
      %dma_start3A_62 = tpu.memref_slice %arg10[%add3A_10, %dma_start3A_61] : memref<10240x128xf32, #tpu.memory_space<vmem_shared>> -> memref<128x128xf32, #tpu.memory_space<vmem_shared>>
      tpu.enqueue_dma source(%arg12 : memref<128x128xf32, #tpu.memory_space<vmem>>) target(%dma_start3A_62 : memref<128x128xf32, #tpu.memory_space<vmem_shared>>) target_semaphore(%run_scoped3A : memref<!tpu.dma_semaphore, #tpu.memory_space<semaphore_mem>>)
      %dma_wait3A = arith.constant 0 : i32
      %dma_wait3A_63 = tpu.memref_slice %arg10[%add3A_10, %dma_wait3A] : memref<10240x128xf32, #tpu.memory_space<vmem_shared>> -> memref<128x128xf32, #tpu.memory_space<vmem_shared>>
      %dma_wait3A_64 = arith.constant 0 : i32
      %dma_wait3A_65 = tpu.memref_slice %arg10[%add3A_10, %dma_wait3A_64] : memref<10240x128xf32, #tpu.memory_space<vmem_shared>> -> memref<128x128xf32, #tpu.memory_space<vmem_shared>>
      tpu.wait_dma2 semaphore(%run_scoped3A : memref<!tpu.dma_semaphore, #tpu.memory_space<semaphore_mem>>) src(%arg12 : memref<128x128xf32, #tpu.memory_space<vmem>>) dst(%dma_wait3A_65 : memref<128x128xf32, #tpu.memory_space<vmem_shared>>)
      tpu.yield
    }) : () -> ()
    %mul3A_11 = arith.constant 640 : i32
    %mul3A_12 = arith.muli %arg1, %mul3A_11 : i32
    %add3A_13 = arith.constant 256 : i32
    %add3A_14 = arith.addi %mul3A_12, %add3A_13 : i32
    "tpu.region"() ({
      %run_scoped3A = tpu.sem_alloc : memref<!tpu.dma_semaphore, #tpu.memory_space<semaphore_mem>>
      %dma_start3A_59 = arith.constant 0 : i32
      %dma_start3A_60 = tpu.memref_slice %arg10[%add3A_14, %dma_start3A_59] : memref<10240x128xf32, #tpu.memory_space<vmem_shared>> -> memref<128x128xf32, #tpu.memory_space<vmem_shared>>
      %dma_start3A_61 = arith.constant 0 : i32
      %dma_start3A_62 = tpu.memref_slice %arg10[%add3A_14, %dma_start3A_61] : memref<10240x128xf32, #tpu.memory_space<vmem_shared>> -> memref<128x128xf32, #tpu.memory_space<vmem_shared>>
      tpu.enqueue_dma source(%arg12 : memref<128x128xf32, #tpu.memory_space<vmem>>) target(%dma_start3A_62 : memref<128x128xf32, #tpu.memory_space<vmem_shared>>) target_semaphore(%run_scoped3A : memref<!tpu.dma_semaphore, #tpu.memory_space<semaphore_mem>>)
      %dma_wait3A = arith.constant 0 : i32
      %dma_wait3A_63 = tpu.memref_slice %arg10[%add3A_14, %dma_wait3A] : memref<10240x128xf32, #tpu.memory_space<vmem_shared>> -> memref<128x128xf32, #tpu.memory_space<vmem_shared>>
      %dma_wait3A_64 = arith.constant 0 : i32
      %dma_wait3A_65 = tpu.memref_slice %arg10[%add3A_14, %dma_wait3A_64] : memref<10240x128xf32, #tpu.memory_space<vmem_shared>> -> memref<128x128xf32, #tpu.memory_space<vmem_shared>>
      tpu.wait_dma2 semaphore(%run_scoped3A : memref<!tpu.dma_semaphore, #tpu.memory_space<semaphore_mem>>) src(%arg12 : memref<128x128xf32, #tpu.memory_space<vmem>>) dst(%dma_wait3A_65 : memref<128x128xf32, #tpu.memory_space<vmem_shared>>)
      tpu.yield
    }) : () -> ()
    %mul3A_15 = arith.constant 640 : i32
    %mul3A_16 = arith.muli %arg1, %mul3A_15 : i32
    %add3A_17 = arith.constant 384 : i32
    %add3A_18 = arith.addi %mul3A_16, %add3A_17 : i32
    "tpu.region"() ({
      %run_scoped3A = tpu.sem_alloc : memref<!tpu.dma_semaphore, #tpu.memory_space<semaphore_mem>>
      %dma_start3A_59 = arith.constant 0 : i32
      %dma_start3A_60 = tpu.memref_slice %arg10[%add3A_18, %dma_start3A_59] : memref<10240x128xf32, #tpu.memory_space<vmem_shared>> -> memref<128x128xf32, #tpu.memory_space<vmem_shared>>
      %dma_start3A_61 = arith.constant 0 : i32
      %dma_start3A_62 = tpu.memref_slice %arg10[%add3A_18, %dma_start3A_61] : memref<10240x128xf32, #tpu.memory_space<vmem_shared>> -> memref<128x128xf32, #tpu.memory_space<vmem_shared>>
      tpu.enqueue_dma source(%arg12 : memref<128x128xf32, #tpu.memory_space<vmem>>) target(%dma_start3A_62 : memref<128x128xf32, #tpu.memory_space<vmem_shared>>) target_semaphore(%run_scoped3A : memref<!tpu.dma_semaphore, #tpu.memory_space<semaphore_mem>>)
      %dma_wait3A = arith.constant 0 : i32
      %dma_wait3A_63 = tpu.memref_slice %arg10[%add3A_18, %dma_wait3A] : memref<10240x128xf32, #tpu.memory_space<vmem_shared>> -> memref<128x128xf32, #tpu.memory_space<vmem_shared>>
      %dma_wait3A_64 = arith.constant 0 : i32
      %dma_wait3A_65 = tpu.memref_slice %arg10[%add3A_18, %dma_wait3A_64] : memref<10240x128xf32, #tpu.memory_space<vmem_shared>> -> memref<128x128xf32, #tpu.memory_space<vmem_shared>>
      tpu.wait_dma2 semaphore(%run_scoped3A : memref<!tpu.dma_semaphore, #tpu.memory_space<semaphore_mem>>) src(%arg12 : memref<128x128xf32, #tpu.memory_space<vmem>>) dst(%dma_wait3A_65 : memref<128x128xf32, #tpu.memory_space<vmem_shared>>)
      tpu.yield
    }) : () -> ()
    %mul3A_19 = arith.constant 640 : i32
    %mul3A_20 = arith.muli %arg1, %mul3A_19 : i32
    %add3A_21 = arith.constant 512 : i32
    %add3A_22 = arith.addi %mul3A_20, %add3A_21 : i32
    "tpu.region"() ({
      %run_scoped3A = tpu.sem_alloc : memref<!tpu.dma_semaphore, #tpu.memory_space<semaphore_mem>>
      %dma_start3A_59 = arith.constant 0 : i32
      %dma_start3A_60 = tpu.memref_slice %arg10[%add3A_22, %dma_start3A_59] : memref<10240x128xf32, #tpu.memory_space<vmem_shared>> -> memref<128x128xf32, #tpu.memory_space<vmem_shared>>
      %dma_start3A_61 = arith.constant 0 : i32
      %dma_start3A_62 = tpu.memref_slice %arg10[%add3A_22, %dma_start3A_61] : memref<10240x128xf32, #tpu.memory_space<vmem_shared>> -> memref<128x128xf32, #tpu.memory_space<vmem_shared>>
      tpu.enqueue_dma source(%arg12 : memref<128x128xf32, #tpu.memory_space<vmem>>) target(%dma_start3A_62 : memref<128x128xf32, #tpu.memory_space<vmem_shared>>) target_semaphore(%run_scoped3A : memref<!tpu.dma_semaphore, #tpu.memory_space<semaphore_mem>>)
      %dma_wait3A = arith.constant 0 : i32
      %dma_wait3A_63 = tpu.memref_slice %arg10[%add3A_22, %dma_wait3A] : memref<10240x128xf32, #tpu.memory_space<vmem_shared>> -> memref<128x128xf32, #tpu.memory_space<vmem_shared>>
      %dma_wait3A_64 = arith.constant 0 : i32
      %dma_wait3A_65 = tpu.memref_slice %arg10[%add3A_22, %dma_wait3A_64] : memref<10240x128xf32, #tpu.memory_space<vmem_shared>> -> memref<128x128xf32, #tpu.memory_space<vmem_shared>>
      tpu.wait_dma2 semaphore(%run_scoped3A : memref<!tpu.dma_semaphore, #tpu.memory_space<semaphore_mem>>) src(%arg12 : memref<128x128xf32, #tpu.memory_space<vmem>>) dst(%dma_wait3A_65 : memref<128x128xf32, #tpu.memory_space<vmem_shared>>)
      tpu.yield
    }) : () -> ()
    "tpu.region"() ({
      %run_scoped3A = tpu.sem_alloc : memref<!tpu.dma_semaphore, #tpu.memory_space<semaphore_mem>>
      tpu.enqueue_dma source(%arg6 : memref<640x8xf32, #tpu.memory_space<hbm>>) target(%arg13 : memref<640x8xf32, #tpu.memory_space<vmem>>) target_semaphore(%run_scoped3A : memref<!tpu.dma_semaphore, #tpu.memory_space<semaphore_mem>>)
      tpu.wait_dma2 semaphore(%run_scoped3A : memref<!tpu.dma_semaphore, #tpu.memory_space<semaphore_mem>>) src(%arg6 : memref<640x8xf32, #tpu.memory_space<hbm>>) dst(%arg13 : memref<640x8xf32, #tpu.memory_space<vmem>>)
      tpu.yield
    }) : () -> ()
    "tpu.region"() ({
      %run_scoped3A = tpu.sem_alloc : memref<!tpu.dma_semaphore, #tpu.memory_space<semaphore_mem>>
      tpu.enqueue_dma source(%arg7 : memref<80x8xf32, #tpu.memory_space<hbm>>) target(%arg14 : memref<80x8xf32, #tpu.memory_space<vmem>>) target_semaphore(%run_scoped3A : memref<!tpu.dma_semaphore, #tpu.memory_space<semaphore_mem>>)
      tpu.wait_dma2 semaphore(%run_scoped3A : memref<!tpu.dma_semaphore, #tpu.memory_space<semaphore_mem>>) src(%arg7 : memref<80x8xf32, #tpu.memory_space<hbm>>) dst(%arg14 : memref<80x8xf32, #tpu.memory_space<vmem>>)
      tpu.yield
    }) : () -> ()
    %mul3A_23 = arith.constant 640 : i32
    %mul3A_24 = arith.muli %arg1, %mul3A_23 : i32
    "tpu.region"() ({
      %run_scoped3A = tpu.sem_alloc : memref<!tpu.dma_semaphore, #tpu.memory_space<semaphore_mem>>
      %dma_start3A_59 = arith.constant 0 : i32
      %dma_start3A_60 = tpu.memref_slice %arg11[%mul3A_24, %dma_start3A_59] : memref<10240x8xf32, #tpu.memory_space<vmem_shared>> -> memref<640x8xf32, #tpu.memory_space<vmem_shared>>
      %dma_start3A_61 = arith.constant 0 : i32
      %dma_start3A_62 = tpu.memref_slice %arg11[%mul3A_24, %dma_start3A_61] : memref<10240x8xf32, #tpu.memory_space<vmem_shared>> -> memref<640x8xf32, #tpu.memory_space<vmem_shared>>
      tpu.enqueue_dma source(%arg13 : memref<640x8xf32, #tpu.memory_space<vmem>>) target(%dma_start3A_62 : memref<640x8xf32, #tpu.memory_space<vmem_shared>>) target_semaphore(%run_scoped3A : memref<!tpu.dma_semaphore, #tpu.memory_space<semaphore_mem>>)
      %dma_wait3A = arith.constant 0 : i32
      %dma_wait3A_63 = tpu.memref_slice %arg11[%mul3A_24, %dma_wait3A] : memref<10240x8xf32, #tpu.memory_space<vmem_shared>> -> memref<640x8xf32, #tpu.memory_space<vmem_shared>>
      %dma_wait3A_64 = arith.constant 0 : i32
      %dma_wait3A_65 = tpu.memref_slice %arg11[%mul3A_24, %dma_wait3A_64] : memref<10240x8xf32, #tpu.memory_space<vmem_shared>> -> memref<640x8xf32, #tpu.memory_space<vmem_shared>>
      tpu.wait_dma2 semaphore(%run_scoped3A : memref<!tpu.dma_semaphore, #tpu.memory_space<semaphore_mem>>) src(%arg13 : memref<640x8xf32, #tpu.memory_space<vmem>>) dst(%dma_wait3A_65 : memref<640x8xf32, #tpu.memory_space<vmem_shared>>)
      tpu.yield
    }) : () -> ()
    %barrier3A = arith.constant 0 : index
    tpu.barrier barrier_id(%barrier3A)
    %add3A_25 = arith.constant 0 : i32
    %add3A_26 = arith.addi %mul3A_2, %add3A_25 : i32
    "tpu.region"() ({
      %run_scoped3A = tpu.sem_alloc : memref<!tpu.dma_semaphore, #tpu.memory_space<semaphore_mem>>
      %dma_start3A_59 = tpu.memref_slice %arg3[%add3A_26] : memref<320000xi32, #tpu.memory_space<hbm>> -> memref<80xi32, #tpu.memory_space<hbm>>
      %dma_start3A_60 = tpu.memref_slice %arg3[%add3A_26] : memref<320000xi32, #tpu.memory_space<hbm>> -> memref<80xi32, #tpu.memory_space<hbm>>
      tpu.enqueue_dma source(%dma_start3A_60 : memref<80xi32, #tpu.memory_space<hbm>>) target(%arg17 : memref<80xi32, #tpu.memory_space<vmem>>) target_semaphore(%run_scoped3A : memref<!tpu.dma_semaphore, #tpu.memory_space<semaphore_mem>>)
      %dma_wait3A = tpu.memref_slice %arg3[%add3A_26] : memref<320000xi32, #tpu.memory_space<hbm>> -> memref<80xi32, #tpu.memory_space<hbm>>
      %dma_wait3A_61 = tpu.memref_slice %arg3[%add3A_26] : memref<320000xi32, #tpu.memory_space<hbm>> -> memref<80xi32, #tpu.memory_space<hbm>>
      tpu.wait_dma2 semaphore(%run_scoped3A : memref<!tpu.dma_semaphore, #tpu.memory_space<semaphore_mem>>) src(%dma_wait3A_61 : memref<80xi32, #tpu.memory_space<hbm>>) dst(%arg17 : memref<80xi32, #tpu.memory_space<vmem>>)
      tpu.yield
    }) : () -> ()
    "tpu.region"() ({
      %run_scoped3A = tpu.sem_alloc : memref<!tpu.dma_semaphore, #tpu.memory_space<semaphore_mem>>
      %dma_start3A_59 = tpu.memref_slice %arg4[%add3A_26] : memref<320000xi32, #tpu.memory_space<hbm>> -> memref<80xi32, #tpu.memory_space<hbm>>
      %dma_start3A_60 = tpu.memref_slice %arg4[%add3A_26] : memref<320000xi32, #tpu.memory_space<hbm>> -> memref<80xi32, #tpu.memory_space<hbm>>
      tpu.enqueue_dma source(%dma_start3A_60 : memref<80xi32, #tpu.memory_space<hbm>>) target(%arg19 : memref<80xi32, #tpu.memory_space<vmem>>) target_semaphore(%run_scoped3A : memref<!tpu.dma_semaphore, #tpu.memory_space<semaphore_mem>>)
      %dma_wait3A = tpu.memref_slice %arg4[%add3A_26] : memref<320000xi32, #tpu.memory_space<hbm>> -> memref<80xi32, #tpu.memory_space<hbm>>
      %dma_wait3A_61 = tpu.memref_slice %arg4[%add3A_26] : memref<320000xi32, #tpu.memory_space<hbm>> -> memref<80xi32, #tpu.memory_space<hbm>>
      tpu.wait_dma2 semaphore(%run_scoped3A : memref<!tpu.dma_semaphore, #tpu.memory_space<semaphore_mem>>) src(%dma_wait3A_61 : memref<80xi32, #tpu.memory_space<hbm>>) dst(%arg19 : memref<80xi32, #tpu.memory_space<vmem>>)
      tpu.yield
    }) : () -> ()
    %dma_start3A = arith.constant 0 : i32
    %dma_start3A_27 = arith.constant 0 : i32
    %dma_start3A_28 = tpu.memref_slice %arg2[%dma_start3A, %dma_start3A_27] : memref<10240x128xf32, #tpu.memory_space<hbm>> -> memref<10240x128xf32, #tpu.memory_space<hbm>>
    tpu.enqueue_indirect_dma source(%dma_start3A_28 : memref<10240x128xf32, #tpu.memory_space<hbm>>) target(%arg15 : memref<80x128xf32, #tpu.memory_space<vmem>>) offsets(%arg17 : memref<80xi32, #tpu.memory_space<vmem>>) semaphore(%arg21 : memref<!tpu.dma_semaphore, #tpu.memory_space<semaphore_mem>>)
    %scan3A = arith.constant 0 : i32
    %scan3A_29 = arith.constant 0 : i32
    %scan3A_30 = arith.constant 63 : i32
    %scan3A_31 = arith.addi %scan3A_29, %scan3A_30 : i32
    %scan3A_32 = arith.constant 1 : i32
    scf.for %scan3A_59 = %scan3A_29 to %scan3A_31 step %scan3A_32  : i32 {
      %mul3A_60 = arith.constant 2 : i32
      %mul3A_61 = arith.muli %mul3A_60, %scan3A_59 : i32
      %add3A_62 = arith.constant 0 : i32
      %add3A_63 = arith.addi %mul3A_61, %add3A_62 : i32
      %lt3A = arith.constant 125 : i32
      %lt3A_64 = arith.cmpi slt, %add3A_63, %lt3A : i32
      %convert_element_type3A = arith.extui %lt3A_64 : i1 to i32
      %cond3A = arith.constant 0 : i32
      %cond3A_65 = arith.cmpi ne, %convert_element_type3A, %cond3A : i32
      scf.if %cond3A_65 {
        %add3A_75 = arith.constant 1 : i32
        %add3A_76 = arith.addi %add3A_63, %add3A_75 : i32
        %lt3A_77 = arith.constant 125 : i32
        %lt3A_78 = arith.cmpi slt, %add3A_76, %lt3A_77 : i32
        %convert_element_type3A_79 = arith.extui %lt3A_78 : i1 to i32
        %cond3A_80 = arith.constant 0 : i32
        %cond3A_81 = arith.cmpi ne, %convert_element_type3A_79, %cond3A_80 : i32
        scf.if %cond3A_81 {
          %add3A_84 = arith.constant 1 : i32
          %add3A_85 = arith.addi %add3A_63, %add3A_84 : i32
          %mul3A_86 = arith.constant 80 : i32
          %mul3A_87 = arith.muli %add3A_85, %mul3A_86 : i32
          %add3A_88 = arith.addi %mul3A_2, %mul3A_87 : i32
          "tpu.region"() ({
            %run_scoped3A = tpu.sem_alloc : memref<!tpu.dma_semaphore, #tpu.memory_space<semaphore_mem>>
            %dma_start3A_92 = tpu.memref_slice %arg3[%add3A_88] : memref<320000xi32, #tpu.memory_space<hbm>> -> memref<80xi32, #tpu.memory_space<hbm>>
            %dma_start3A_93 = tpu.memref_slice %arg3[%add3A_88] : memref<320000xi32, #tpu.memory_space<hbm>> -> memref<80xi32, #tpu.memory_space<hbm>>
            tpu.enqueue_dma source(%dma_start3A_93 : memref<80xi32, #tpu.memory_space<hbm>>) target(%arg18 : memref<80xi32, #tpu.memory_space<vmem>>) target_semaphore(%run_scoped3A : memref<!tpu.dma_semaphore, #tpu.memory_space<semaphore_mem>>)
            %dma_wait3A_94 = tpu.memref_slice %arg3[%add3A_88] : memref<320000xi32, #tpu.memory_space<hbm>> -> memref<80xi32, #tpu.memory_space<hbm>>
            %dma_wait3A_95 = tpu.memref_slice %arg3[%add3A_88] : memref<320000xi32, #tpu.memory_space<hbm>> -> memref<80xi32, #tpu.memory_space<hbm>>
            tpu.wait_dma2 semaphore(%run_scoped3A : memref<!tpu.dma_semaphore, #tpu.memory_space<semaphore_mem>>) src(%dma_wait3A_95 : memref<80xi32, #tpu.memory_space<hbm>>) dst(%arg18 : memref<80xi32, #tpu.memory_space<vmem>>)
            tpu.yield
          }) : () -> ()
          "tpu.region"() ({
            %run_scoped3A = tpu.sem_alloc : memref<!tpu.dma_semaphore, #tpu.memory_space<semaphore_mem>>
            %dma_start3A_92 = tpu.memref_slice %arg4[%add3A_88] : memref<320000xi32, #tpu.memory_space<hbm>> -> memref<80xi32, #tpu.memory_space<hbm>>
            %dma_start3A_93 = tpu.memref_slice %arg4[%add3A_88] : memref<320000xi32, #tpu.memory_space<hbm>> -> memref<80xi32, #tpu.memory_space<hbm>>
            tpu.enqueue_dma source(%dma_start3A_93 : memref<80xi32, #tpu.memory_space<hbm>>) target(%arg20 : memref<80xi32, #tpu.memory_space<vmem>>) target_semaphore(%run_scoped3A : memref<!tpu.dma_semaphore, #tpu.memory_space<semaphore_mem>>)
            %dma_wait3A_94 = tpu.memref_slice %arg4[%add3A_88] : memref<320000xi32, #tpu.memory_space<hbm>> -> memref<80xi32, #tpu.memory_space<hbm>>
            %dma_wait3A_95 = tpu.memref_slice %arg4[%add3A_88] : memref<320000xi32, #tpu.memory_space<hbm>> -> memref<80xi32, #tpu.memory_space<hbm>>
            tpu.wait_dma2 semaphore(%run_scoped3A : memref<!tpu.dma_semaphore, #tpu.memory_space<semaphore_mem>>) src(%dma_wait3A_95 : memref<80xi32, #tpu.memory_space<hbm>>) dst(%arg20 : memref<80xi32, #tpu.memory_space<vmem>>)
            tpu.yield
          }) : () -> ()
          %dma_start3A_89 = arith.constant 0 : i32
          %dma_start3A_90 = arith.constant 0 : i32
          %dma_start3A_91 = tpu.memref_slice %arg2[%dma_start3A_89, %dma_start3A_90] : memref<10240x128xf32, #tpu.memory_space<hbm>> -> memref<10240x128xf32, #tpu.memory_space<hbm>>
          tpu.enqueue_indirect_dma source(%dma_start3A_91 : memref<10240x128xf32, #tpu.memory_space<hbm>>) target(%arg16 : memref<80x128xf32, #tpu.memory_space<vmem>>) offsets(%arg18 : memref<80xi32, #tpu.memory_space<vmem>>) semaphore(%arg22 : memref<!tpu.dma_semaphore, #tpu.memory_space<semaphore_mem>>)
        } else {
        }
        %dma_wait3A = arith.constant 0 : i32
        %dma_wait3A_82 = arith.constant 0 : i32
        %dma_wait3A_83 = tpu.memref_slice %arg2[%dma_wait3A, %dma_wait3A_82] : memref<10240x128xf32, #tpu.memory_space<hbm>> -> memref<10240x128xf32, #tpu.memory_space<hbm>>
        tpu.wait_indirect_dma semaphore(%arg21 : memref<!tpu.dma_semaphore, #tpu.memory_space<semaphore_mem>>) src(%dma_wait3A_83 : memref<10240x128xf32, #tpu.memory_space<hbm>>) dst(%arg15 : memref<80x128xf32, #tpu.memory_space<vmem>>)
        "tpu.region"() ({
          %run_scoped3A = tpu.sem_alloc : memref<!tpu.dma_semaphore, #tpu.memory_space<semaphore_mem>>
          %dma_start3A_84 = arith.constant 0 : i32
          %dma_start3A_85 = arith.constant 0 : i32
          %dma_start3A_86 = tpu.memref_slice %arg10[%dma_start3A_84, %dma_start3A_85] : memref<10240x128xf32, #tpu.memory_space<vmem_shared>> -> memref<10240x128xf32, #tpu.memory_space<vmem_shared>>
          tpu.enqueue_indirect_dma source(%arg15 : memref<80x128xf32, #tpu.memory_space<vmem>>) target(%dma_start3A_86 : memref<10240x128xf32, #tpu.memory_space<vmem_shared>>) offsets(%arg19 : memref<80xi32, #tpu.memory_space<vmem>>) semaphore(%run_scoped3A : memref<!tpu.dma_semaphore, #tpu.memory_space<semaphore_mem>>) {add = true}
          %dma_wait3A_87 = arith.constant 0 : i32
          %dma_wait3A_88 = arith.constant 0 : i32
          %dma_wait3A_89 = tpu.memref_slice %arg10[%dma_wait3A_87, %dma_wait3A_88] : memref<10240x128xf32, #tpu.memory_space<vmem_shared>> -> memref<10240x128xf32, #tpu.memory_space<vmem_shared>>
          tpu.wait_indirect_dma semaphore(%run_scoped3A : memref<!tpu.dma_semaphore, #tpu.memory_space<semaphore_mem>>) src(%arg15 : memref<80x128xf32, #tpu.memory_space<vmem>>) dst(%dma_wait3A_89 : memref<10240x128xf32, #tpu.memory_space<vmem_shared>>)
          tpu.yield
        }) : () -> ()
        "tpu.region"() ({
          %run_scoped3A = tpu.sem_alloc : memref<!tpu.dma_semaphore, #tpu.memory_space<semaphore_mem>>
          %dma_start3A_84 = arith.constant 0 : i32
          %dma_start3A_85 = arith.constant 0 : i32
          %dma_start3A_86 = tpu.memref_slice %arg11[%dma_start3A_84, %dma_start3A_85] : memref<10240x8xf32, #tpu.memory_space<vmem_shared>> -> memref<10240x8xf32, #tpu.memory_space<vmem_shared>>
          tpu.enqueue_indirect_dma source(%arg14 : memref<80x8xf32, #tpu.memory_space<vmem>>) target(%dma_start3A_86 : memref<10240x8xf32, #tpu.memory_space<vmem_shared>>) offsets(%arg19 : memref<80xi32, #tpu.memory_space<vmem>>) semaphore(%run_scoped3A : memref<!tpu.dma_semaphore, #tpu.memory_space<semaphore_mem>>) {add = true}
          %dma_wait3A_87 = arith.constant 0 : i32
          %dma_wait3A_88 = arith.constant 0 : i32
          %dma_wait3A_89 = tpu.memref_slice %arg11[%dma_wait3A_87, %dma_wait3A_88] : memref<10240x8xf32, #tpu.memory_space<vmem_shared>> -> memref<10240x8xf32, #tpu.memory_space<vmem_shared>>
          tpu.wait_indirect_dma semaphore(%run_scoped3A : memref<!tpu.dma_semaphore, #tpu.memory_space<semaphore_mem>>) src(%arg14 : memref<80x8xf32, #tpu.memory_space<vmem>>) dst(%dma_wait3A_89 : memref<10240x8xf32, #tpu.memory_space<vmem_shared>>)
          tpu.yield
        }) : () -> ()
      } else {
      }
      %mul3A_66 = arith.constant 2 : i32
      %mul3A_67 = arith.muli %mul3A_66, %scan3A_59 : i32
      %add3A_68 = arith.constant 1 : i32
      %add3A_69 = arith.addi %mul3A_67, %add3A_68 : i32
      %lt3A_70 = arith.constant 125 : i32
      %lt3A_71 = arith.cmpi slt, %add3A_69, %lt3A_70 : i32
      %convert_element_type3A_72 = arith.extui %lt3A_71 : i1 to i32
      %cond3A_73 = arith.constant 0 : i32
      %cond3A_74 = arith.cmpi ne, %convert_element_type3A_72, %cond3A_73 : i32
      scf.if %cond3A_74 {
        %add3A_75 = arith.constant 1 : i32
        %add3A_76 = arith.addi %add3A_69, %add3A_75 : i32
        %lt3A_77 = arith.constant 125 : i32
        %lt3A_78 = arith.cmpi slt, %add3A_76, %lt3A_77 : i32
        %convert_element_type3A_79 = arith.extui %lt3A_78 : i1 to i32
        %cond3A_80 = arith.constant 0 : i32
        %cond3A_81 = arith.cmpi ne, %convert_element_type3A_79, %cond3A_80 : i32
        scf.if %cond3A_81 {
          %add3A_84 = arith.constant 1 : i32
          %add3A_85 = arith.addi %add3A_69, %add3A_84 : i32
          %mul3A_86 = arith.constant 80 : i32
          %mul3A_87 = arith.muli %add3A_85, %mul3A_86 : i32
          %add3A_88 = arith.addi %mul3A_2, %mul3A_87 : i32
          "tpu.region"() ({
            %run_scoped3A = tpu.sem_alloc : memref<!tpu.dma_semaphore, #tpu.memory_space<semaphore_mem>>
            %dma_start3A_92 = tpu.memref_slice %arg3[%add3A_88] : memref<320000xi32, #tpu.memory_space<hbm>> -> memref<80xi32, #tpu.memory_space<hbm>>
            %dma_start3A_93 = tpu.memref_slice %arg3[%add3A_88] : memref<320000xi32, #tpu.memory_space<hbm>> -> memref<80xi32, #tpu.memory_space<hbm>>
            tpu.enqueue_dma source(%dma_start3A_93 : memref<80xi32, #tpu.memory_space<hbm>>) target(%arg17 : memref<80xi32, #tpu.memory_space<vmem>>) target_semaphore(%run_scoped3A : memref<!tpu.dma_semaphore, #tpu.memory_space<semaphore_mem>>)
            %dma_wait3A_94 = tpu.memref_slice %arg3[%add3A_88] : memref<320000xi32, #tpu.memory_space<hbm>> -> memref<80xi32, #tpu.memory_space<hbm>>
            %dma_wait3A_95 = tpu.memref_slice %arg3[%add3A_88] : memref<320000xi32, #tpu.memory_space<hbm>> -> memref<80xi32, #tpu.memory_space<hbm>>
            tpu.wait_dma2 semaphore(%run_scoped3A : memref<!tpu.dma_semaphore, #tpu.memory_space<semaphore_mem>>) src(%dma_wait3A_95 : memref<80xi32, #tpu.memory_space<hbm>>) dst(%arg17 : memref<80xi32, #tpu.memory_space<vmem>>)
            tpu.yield
          }) : () -> ()
          "tpu.region"() ({
            %run_scoped3A = tpu.sem_alloc : memref<!tpu.dma_semaphore, #tpu.memory_space<semaphore_mem>>
            %dma_start3A_92 = tpu.memref_slice %arg4[%add3A_88] : memref<320000xi32, #tpu.memory_space<hbm>> -> memref<80xi32, #tpu.memory_space<hbm>>
            %dma_start3A_93 = tpu.memref_slice %arg4[%add3A_88] : memref<320000xi32, #tpu.memory_space<hbm>> -> memref<80xi32, #tpu.memory_space<hbm>>
            tpu.enqueue_dma source(%dma_start3A_93 : memref<80xi32, #tpu.memory_space<hbm>>) target(%arg19 : memref<80xi32, #tpu.memory_space<vmem>>) target_semaphore(%run_scoped3A : memref<!tpu.dma_semaphore, #tpu.memory_space<semaphore_mem>>)
            %dma_wait3A_94 = tpu.memref_slice %arg4[%add3A_88] : memref<320000xi32, #tpu.memory_space<hbm>> -> memref<80xi32, #tpu.memory_space<hbm>>
            %dma_wait3A_95 = tpu.memref_slice %arg4[%add3A_88] : memref<320000xi32, #tpu.memory_space<hbm>> -> memref<80xi32, #tpu.memory_space<hbm>>
            tpu.wait_dma2 semaphore(%run_scoped3A : memref<!tpu.dma_semaphore, #tpu.memory_space<semaphore_mem>>) src(%dma_wait3A_95 : memref<80xi32, #tpu.memory_space<hbm>>) dst(%arg19 : memref<80xi32, #tpu.memory_space<vmem>>)
            tpu.yield
          }) : () -> ()
          %dma_start3A_89 = arith.constant 0 : i32
          %dma_start3A_90 = arith.constant 0 : i32
          %dma_start3A_91 = tpu.memref_slice %arg2[%dma_start3A_89, %dma_start3A_90] : memref<10240x128xf32, #tpu.memory_space<hbm>> -> memref<10240x128xf32, #tpu.memory_space<hbm>>
          tpu.enqueue_indirect_dma source(%dma_start3A_91 : memref<10240x128xf32, #tpu.memory_space<hbm>>) target(%arg15 : memref<80x128xf32, #tpu.memory_space<vmem>>) offsets(%arg17 : memref<80xi32, #tpu.memory_space<vmem>>) semaphore(%arg21 : memref<!tpu.dma_semaphore, #tpu.memory_space<semaphore_mem>>)
        } else {
        }
        %dma_wait3A = arith.constant 0 : i32
        %dma_wait3A_82 = arith.constant 0 : i32
        %dma_wait3A_83 = tpu.memref_slice %arg2[%dma_wait3A, %dma_wait3A_82] : memref<10240x128xf32, #tpu.memory_space<hbm>> -> memref<10240x128xf32, #tpu.memory_space<hbm>>
        tpu.wait_indirect_dma semaphore(%arg22 : memref<!tpu.dma_semaphore, #tpu.memory_space<semaphore_mem>>) src(%dma_wait3A_83 : memref<10240x128xf32, #tpu.memory_space<hbm>>) dst(%arg16 : memref<80x128xf32, #tpu.memory_space<vmem>>)
        "tpu.region"() ({
          %run_scoped3A = tpu.sem_alloc : memref<!tpu.dma_semaphore, #tpu.memory_space<semaphore_mem>>
          %dma_start3A_84 = arith.constant 0 : i32
          %dma_start3A_85 = arith.constant 0 : i32
          %dma_start3A_86 = tpu.memref_slice %arg10[%dma_start3A_84, %dma_start3A_85] : memref<10240x128xf32, #tpu.memory_space<vmem_shared>> -> memref<10240x128xf32, #tpu.memory_space<vmem_shared>>
          tpu.enqueue_indirect_dma source(%arg16 : memref<80x128xf32, #tpu.memory_space<vmem>>) target(%dma_start3A_86 : memref<10240x128xf32, #tpu.memory_space<vmem_shared>>) offsets(%arg20 : memref<80xi32, #tpu.memory_space<vmem>>) semaphore(%run_scoped3A : memref<!tpu.dma_semaphore, #tpu.memory_space<semaphore_mem>>) {add = true}
          %dma_wait3A_87 = arith.constant 0 : i32
          %dma_wait3A_88 = arith.constant 0 : i32
          %dma_wait3A_89 = tpu.memref_slice %arg10[%dma_wait3A_87, %dma_wait3A_88] : memref<10240x128xf32, #tpu.memory_space<vmem_shared>> -> memref<10240x128xf32, #tpu.memory_space<vmem_shared>>
          tpu.wait_indirect_dma semaphore(%run_scoped3A : memref<!tpu.dma_semaphore, #tpu.memory_space<semaphore_mem>>) src(%arg16 : memref<80x128xf32, #tpu.memory_space<vmem>>) dst(%dma_wait3A_89 : memref<10240x128xf32, #tpu.memory_space<vmem_shared>>)
          tpu.yield
        }) : () -> ()
        "tpu.region"() ({
          %run_scoped3A = tpu.sem_alloc : memref<!tpu.dma_semaphore, #tpu.memory_space<semaphore_mem>>
          %dma_start3A_84 = arith.constant 0 : i32
          %dma_start3A_85 = arith.constant 0 : i32
          %dma_start3A_86 = tpu.memref_slice %arg11[%dma_start3A_84, %dma_start3A_85] : memref<10240x8xf32, #tpu.memory_space<vmem_shared>> -> memref<10240x8xf32, #tpu.memory_space<vmem_shared>>
          tpu.enqueue_indirect_dma source(%arg14 : memref<80x8xf32, #tpu.memory_space<vmem>>) target(%dma_start3A_86 : memref<10240x8xf32, #tpu.memory_space<vmem_shared>>) offsets(%arg20 : memref<80xi32, #tpu.memory_space<vmem>>) semaphore(%run_scoped3A : memref<!tpu.dma_semaphore, #tpu.memory_space<semaphore_mem>>) {add = true}
          %dma_wait3A_87 = arith.constant 0 : i32
          %dma_wait3A_88 = arith.constant 0 : i32
          %dma_wait3A_89 = tpu.memref_slice %arg11[%dma_wait3A_87, %dma_wait3A_88] : memref<10240x8xf32, #tpu.memory_space<vmem_shared>> -> memref<10240x8xf32, #tpu.memory_space<vmem_shared>>
          tpu.wait_indirect_dma semaphore(%run_scoped3A : memref<!tpu.dma_semaphore, #tpu.memory_space<semaphore_mem>>) src(%arg14 : memref<80x8xf32, #tpu.memory_space<vmem>>) dst(%dma_wait3A_89 : memref<10240x8xf32, #tpu.memory_space<vmem_shared>>)
          tpu.yield
        }) : () -> ()
      } else {
      }
    }
    %scan3A_33 = arith.constant 63 : i32
    %barrier3A_34 = arith.constant 0 : index
    tpu.barrier barrier_id(%barrier3A_34)
    %mul3A_35 = arith.constant 640 : i32
    %mul3A_36 = arith.muli %arg1, %mul3A_35 : i32
    %add3A_37 = arith.constant 0 : i32
    %add3A_38 = arith.addi %mul3A_36, %add3A_37 : i32
    "tpu.region"() ({
      %run_scoped3A = tpu.sem_alloc : memref<!tpu.dma_semaphore, #tpu.memory_space<semaphore_mem>>
      %dma_start3A_59 = arith.constant 0 : i32
      %dma_start3A_60 = tpu.memref_slice %arg10[%add3A_38, %dma_start3A_59] : memref<10240x128xf32, #tpu.memory_space<vmem_shared>> -> memref<128x128xf32, #tpu.memory_space<vmem_shared>>
      %dma_start3A_61 = arith.constant 0 : i32
      %dma_start3A_62 = tpu.memref_slice %arg10[%add3A_38, %dma_start3A_61] : memref<10240x128xf32, #tpu.memory_space<vmem_shared>> -> memref<128x128xf32, #tpu.memory_space<vmem_shared>>
      tpu.enqueue_dma source(%dma_start3A_62 : memref<128x128xf32, #tpu.memory_space<vmem_shared>>) target(%arg12 : memref<128x128xf32, #tpu.memory_space<vmem>>) target_semaphore(%run_scoped3A : memref<!tpu.dma_semaphore, #tpu.memory_space<semaphore_mem>>)
      %dma_wait3A = arith.constant 0 : i32
      %dma_wait3A_63 = tpu.memref_slice %arg10[%add3A_38, %dma_wait3A] : memref<10240x128xf32, #tpu.memory_space<vmem_shared>> -> memref<128x128xf32, #tpu.memory_space<vmem_shared>>
      %dma_wait3A_64 = arith.constant 0 : i32
      %dma_wait3A_65 = tpu.memref_slice %arg10[%add3A_38, %dma_wait3A_64] : memref<10240x128xf32, #tpu.memory_space<vmem_shared>> -> memref<128x128xf32, #tpu.memory_space<vmem_shared>>
      tpu.wait_dma2 semaphore(%run_scoped3A : memref<!tpu.dma_semaphore, #tpu.memory_space<semaphore_mem>>) src(%dma_wait3A_65 : memref<128x128xf32, #tpu.memory_space<vmem_shared>>) dst(%arg12 : memref<128x128xf32, #tpu.memory_space<vmem>>)
      tpu.yield
    }) : () -> ()
    "tpu.region"() ({
      %run_scoped3A = tpu.sem_alloc : memref<!tpu.dma_semaphore, #tpu.memory_space<semaphore_mem>>
      %dma_start3A_59 = arith.constant 0 : i32
      %dma_start3A_60 = tpu.memref_slice %arg8[%arg0, %add3A_38, %dma_start3A_59] : memref<2x10240x128xf32, #tpu.memory_space<hbm>> -> memref<1x128x128xf32, #tpu.memory_space<hbm>>
      %dma_start3A_61 = tpu.memref_squeeze %dma_start3A_60 : memref<1x128x128xf32, #tpu.memory_space<hbm>> -> memref<128x128xf32, #tpu.memory_space<hbm>>
      %dma_start3A_62 = arith.constant 0 : i32
      %dma_start3A_63 = tpu.memref_slice %arg8[%arg0, %add3A_38, %dma_start3A_62] : memref<2x10240x128xf32, #tpu.memory_space<hbm>> -> memref<1x128x128xf32, #tpu.memory_space<hbm>>
      %dma_start3A_64 = tpu.memref_squeeze %dma_start3A_63 : memref<1x128x128xf32, #tpu.memory_space<hbm>> -> memref<128x128xf32, #tpu.memory_space<hbm>>
      tpu.enqueue_dma source(%arg12 : memref<128x128xf32, #tpu.memory_space<vmem>>) target(%dma_start3A_64 : memref<128x128xf32, #tpu.memory_space<hbm>>) target_semaphore(%run_scoped3A : memref<!tpu.dma_semaphore, #tpu.memory_space<semaphore_mem>>)
      %dma_wait3A = arith.constant 0 : i32
      %dma_wait3A_65 = tpu.memref_slice %arg8[%arg0, %add3A_38, %dma_wait3A] : memref<2x10240x128xf32, #tpu.memory_space<hbm>> -> memref<1x128x128xf32, #tpu.memory_space<hbm>>
      %dma_wait3A_66 = tpu.memref_squeeze %dma_wait3A_65 : memref<1x128x128xf32, #tpu.memory_space<hbm>> -> memref<128x128xf32, #tpu.memory_space<hbm>>
      %dma_wait3A_67 = arith.constant 0 : i32
      %dma_wait3A_68 = tpu.memref_slice %arg8[%arg0, %add3A_38, %dma_wait3A_67] : memref<2x10240x128xf32, #tpu.memory_space<hbm>> -> memref<1x128x128xf32, #tpu.memory_space<hbm>>
      %dma_wait3A_69 = tpu.memref_squeeze %dma_wait3A_68 : memref<1x128x128xf32, #tpu.memory_space<hbm>> -> memref<128x128xf32, #tpu.memory_space<hbm>>
      tpu.wait_dma2 semaphore(%run_scoped3A : memref<!tpu.dma_semaphore, #tpu.memory_space<semaphore_mem>>) src(%arg12 : memref<128x128xf32, #tpu.memory_space<vmem>>) dst(%dma_wait3A_69 : memref<128x128xf32, #tpu.memory_space<hbm>>)
      tpu.yield
    }) : () -> ()
    %mul3A_39 = arith.constant 640 : i32
    %mul3A_40 = arith.muli %arg1, %mul3A_39 : i32
    %add3A_41 = arith.constant 128 : i32
    %add3A_42 = arith.addi %mul3A_40, %add3A_41 : i32
    "tpu.region"() ({
      %run_scoped3A = tpu.sem_alloc : memref<!tpu.dma_semaphore, #tpu.memory_space<semaphore_mem>>
      %dma_start3A_59 = arith.constant 0 : i32
      %dma_start3A_60 = tpu.memref_slice %arg10[%add3A_42, %dma_start3A_59] : memref<10240x128xf32, #tpu.memory_space<vmem_shared>> -> memref<128x128xf32, #tpu.memory_space<vmem_shared>>
      %dma_start3A_61 = arith.constant 0 : i32
      %dma_start3A_62 = tpu.memref_slice %arg10[%add3A_42, %dma_start3A_61] : memref<10240x128xf32, #tpu.memory_space<vmem_shared>> -> memref<128x128xf32, #tpu.memory_space<vmem_shared>>
      tpu.enqueue_dma source(%dma_start3A_62 : memref<128x128xf32, #tpu.memory_space<vmem_shared>>) target(%arg12 : memref<128x128xf32, #tpu.memory_space<vmem>>) target_semaphore(%run_scoped3A : memref<!tpu.dma_semaphore, #tpu.memory_space<semaphore_mem>>)
      %dma_wait3A = arith.constant 0 : i32
      %dma_wait3A_63 = tpu.memref_slice %arg10[%add3A_42, %dma_wait3A] : memref<10240x128xf32, #tpu.memory_space<vmem_shared>> -> memref<128x128xf32, #tpu.memory_space<vmem_shared>>
      %dma_wait3A_64 = arith.constant 0 : i32
      %dma_wait3A_65 = tpu.memref_slice %arg10[%add3A_42, %dma_wait3A_64] : memref<10240x128xf32, #tpu.memory_space<vmem_shared>> -> memref<128x128xf32, #tpu.memory_space<vmem_shared>>
      tpu.wait_dma2 semaphore(%run_scoped3A : memref<!tpu.dma_semaphore, #tpu.memory_space<semaphore_mem>>) src(%dma_wait3A_65 : memref<128x128xf32, #tpu.memory_space<vmem_shared>>) dst(%arg12 : memref<128x128xf32, #tpu.memory_space<vmem>>)
      tpu.yield
    }) : () -> ()
    "tpu.region"() ({
      %run_scoped3A = tpu.sem_alloc : memref<!tpu.dma_semaphore, #tpu.memory_space<semaphore_mem>>
      %dma_start3A_59 = arith.constant 0 : i32
      %dma_start3A_60 = tpu.memref_slice %arg8[%arg0, %add3A_42, %dma_start3A_59] : memref<2x10240x128xf32, #tpu.memory_space<hbm>> -> memref<1x128x128xf32, #tpu.memory_space<hbm>>
      %dma_start3A_61 = tpu.memref_squeeze %dma_start3A_60 : memref<1x128x128xf32, #tpu.memory_space<hbm>> -> memref<128x128xf32, #tpu.memory_space<hbm>>
      %dma_start3A_62 = arith.constant 0 : i32
      %dma_start3A_63 = tpu.memref_slice %arg8[%arg0, %add3A_42, %dma_start3A_62] : memref<2x10240x128xf32, #tpu.memory_space<hbm>> -> memref<1x128x128xf32, #tpu.memory_space<hbm>>
      %dma_start3A_64 = tpu.memref_squeeze %dma_start3A_63 : memref<1x128x128xf32, #tpu.memory_space<hbm>> -> memref<128x128xf32, #tpu.memory_space<hbm>>
      tpu.enqueue_dma source(%arg12 : memref<128x128xf32, #tpu.memory_space<vmem>>) target(%dma_start3A_64 : memref<128x128xf32, #tpu.memory_space<hbm>>) target_semaphore(%run_scoped3A : memref<!tpu.dma_semaphore, #tpu.memory_space<semaphore_mem>>)
      %dma_wait3A = arith.constant 0 : i32
      %dma_wait3A_65 = tpu.memref_slice %arg8[%arg0, %add3A_42, %dma_wait3A] : memref<2x10240x128xf32, #tpu.memory_space<hbm>> -> memref<1x128x128xf32, #tpu.memory_space<hbm>>
      %dma_wait3A_66 = tpu.memref_squeeze %dma_wait3A_65 : memref<1x128x128xf32, #tpu.memory_space<hbm>> -> memref<128x128xf32, #tpu.memory_space<hbm>>
      %dma_wait3A_67 = arith.constant 0 : i32
      %dma_wait3A_68 = tpu.memref_slice %arg8[%arg0, %add3A_42, %dma_wait3A_67] : memref<2x10240x128xf32, #tpu.memory_space<hbm>> -> memref<1x128x128xf32, #tpu.memory_space<hbm>>
      %dma_wait3A_69 = tpu.memref_squeeze %dma_wait3A_68 : memref<1x128x128xf32, #tpu.memory_space<hbm>> -> memref<128x128xf32, #tpu.memory_space<hbm>>
      tpu.wait_dma2 semaphore(%run_scoped3A : memref<!tpu.dma_semaphore, #tpu.memory_space<semaphore_mem>>) src(%arg12 : memref<128x128xf32, #tpu.memory_space<vmem>>) dst(%dma_wait3A_69 : memref<128x128xf32, #tpu.memory_space<hbm>>)
      tpu.yield
    }) : () -> ()
    %mul3A_43 = arith.constant 640 : i32
    %mul3A_44 = arith.muli %arg1, %mul3A_43 : i32
    %add3A_45 = arith.constant 256 : i32
    %add3A_46 = arith.addi %mul3A_44, %add3A_45 : i32
    "tpu.region"() ({
      %run_scoped3A = tpu.sem_alloc : memref<!tpu.dma_semaphore, #tpu.memory_space<semaphore_mem>>
      %dma_start3A_59 = arith.constant 0 : i32
      %dma_start3A_60 = tpu.memref_slice %arg10[%add3A_46, %dma_start3A_59] : memref<10240x128xf32, #tpu.memory_space<vmem_shared>> -> memref<128x128xf32, #tpu.memory_space<vmem_shared>>
      %dma_start3A_61 = arith.constant 0 : i32
      %dma_start3A_62 = tpu.memref_slice %arg10[%add3A_46, %dma_start3A_61] : memref<10240x128xf32, #tpu.memory_space<vmem_shared>> -> memref<128x128xf32, #tpu.memory_space<vmem_shared>>
      tpu.enqueue_dma source(%dma_start3A_62 : memref<128x128xf32, #tpu.memory_space<vmem_shared>>) target(%arg12 : memref<128x128xf32, #tpu.memory_space<vmem>>) target_semaphore(%run_scoped3A : memref<!tpu.dma_semaphore, #tpu.memory_space<semaphore_mem>>)
      %dma_wait3A = arith.constant 0 : i32
      %dma_wait3A_63 = tpu.memref_slice %arg10[%add3A_46, %dma_wait3A] : memref<10240x128xf32, #tpu.memory_space<vmem_shared>> -> memref<128x128xf32, #tpu.memory_space<vmem_shared>>
      %dma_wait3A_64 = arith.constant 0 : i32
      %dma_wait3A_65 = tpu.memref_slice %arg10[%add3A_46, %dma_wait3A_64] : memref<10240x128xf32, #tpu.memory_space<vmem_shared>> -> memref<128x128xf32, #tpu.memory_space<vmem_shared>>
      tpu.wait_dma2 semaphore(%run_scoped3A : memref<!tpu.dma_semaphore, #tpu.memory_space<semaphore_mem>>) src(%dma_wait3A_65 : memref<128x128xf32, #tpu.memory_space<vmem_shared>>) dst(%arg12 : memref<128x128xf32, #tpu.memory_space<vmem>>)
      tpu.yield
    }) : () -> ()
    "tpu.region"() ({
      %run_scoped3A = tpu.sem_alloc : memref<!tpu.dma_semaphore, #tpu.memory_space<semaphore_mem>>
      %dma_start3A_59 = arith.constant 0 : i32
      %dma_start3A_60 = tpu.memref_slice %arg8[%arg0, %add3A_46, %dma_start3A_59] : memref<2x10240x128xf32, #tpu.memory_space<hbm>> -> memref<1x128x128xf32, #tpu.memory_space<hbm>>
      %dma_start3A_61 = tpu.memref_squeeze %dma_start3A_60 : memref<1x128x128xf32, #tpu.memory_space<hbm>> -> memref<128x128xf32, #tpu.memory_space<hbm>>
      %dma_start3A_62 = arith.constant 0 : i32
      %dma_start3A_63 = tpu.memref_slice %arg8[%arg0, %add3A_46, %dma_start3A_62] : memref<2x10240x128xf32, #tpu.memory_space<hbm>> -> memref<1x128x128xf32, #tpu.memory_space<hbm>>
      %dma_start3A_64 = tpu.memref_squeeze %dma_start3A_63 : memref<1x128x128xf32, #tpu.memory_space<hbm>> -> memref<128x128xf32, #tpu.memory_space<hbm>>
      tpu.enqueue_dma source(%arg12 : memref<128x128xf32, #tpu.memory_space<vmem>>) target(%dma_start3A_64 : memref<128x128xf32, #tpu.memory_space<hbm>>) target_semaphore(%run_scoped3A : memref<!tpu.dma_semaphore, #tpu.memory_space<semaphore_mem>>)
      %dma_wait3A = arith.constant 0 : i32
      %dma_wait3A_65 = tpu.memref_slice %arg8[%arg0, %add3A_46, %dma_wait3A] : memref<2x10240x128xf32, #tpu.memory_space<hbm>> -> memref<1x128x128xf32, #tpu.memory_space<hbm>>
      %dma_wait3A_66 = tpu.memref_squeeze %dma_wait3A_65 : memref<1x128x128xf32, #tpu.memory_space<hbm>> -> memref<128x128xf32, #tpu.memory_space<hbm>>
      %dma_wait3A_67 = arith.constant 0 : i32
      %dma_wait3A_68 = tpu.memref_slice %arg8[%arg0, %add3A_46, %dma_wait3A_67] : memref<2x10240x128xf32, #tpu.memory_space<hbm>> -> memref<1x128x128xf32, #tpu.memory_space<hbm>>
      %dma_wait3A_69 = tpu.memref_squeeze %dma_wait3A_68 : memref<1x128x128xf32, #tpu.memory_space<hbm>> -> memref<128x128xf32, #tpu.memory_space<hbm>>
      tpu.wait_dma2 semaphore(%run_scoped3A : memref<!tpu.dma_semaphore, #tpu.memory_space<semaphore_mem>>) src(%arg12 : memref<128x128xf32, #tpu.memory_space<vmem>>) dst(%dma_wait3A_69 : memref<128x128xf32, #tpu.memory_space<hbm>>)
      tpu.yield
    }) : () -> ()
    %mul3A_47 = arith.constant 640 : i32
    %mul3A_48 = arith.muli %arg1, %mul3A_47 : i32
    %add3A_49 = arith.constant 384 : i32
    %add3A_50 = arith.addi %mul3A_48, %add3A_49 : i32
    "tpu.region"() ({
      %run_scoped3A = tpu.sem_alloc : memref<!tpu.dma_semaphore, #tpu.memory_space<semaphore_mem>>
      %dma_start3A_59 = arith.constant 0 : i32
      %dma_start3A_60 = tpu.memref_slice %arg10[%add3A_50, %dma_start3A_59] : memref<10240x128xf32, #tpu.memory_space<vmem_shared>> -> memref<128x128xf32, #tpu.memory_space<vmem_shared>>
      %dma_start3A_61 = arith.constant 0 : i32
      %dma_start3A_62 = tpu.memref_slice %arg10[%add3A_50, %dma_start3A_61] : memref<10240x128xf32, #tpu.memory_space<vmem_shared>> -> memref<128x128xf32, #tpu.memory_space<vmem_shared>>
      tpu.enqueue_dma source(%dma_start3A_62 : memref<128x128xf32, #tpu.memory_space<vmem_shared>>) target(%arg12 : memref<128x128xf32, #tpu.memory_space<vmem>>) target_semaphore(%run_scoped3A : memref<!tpu.dma_semaphore, #tpu.memory_space<semaphore_mem>>)
      %dma_wait3A = arith.constant 0 : i32
      %dma_wait3A_63 = tpu.memref_slice %arg10[%add3A_50, %dma_wait3A] : memref<10240x128xf32, #tpu.memory_space<vmem_shared>> -> memref<128x128xf32, #tpu.memory_space<vmem_shared>>
      %dma_wait3A_64 = arith.constant 0 : i32
      %dma_wait3A_65 = tpu.memref_slice %arg10[%add3A_50, %dma_wait3A_64] : memref<10240x128xf32, #tpu.memory_space<vmem_shared>> -> memref<128x128xf32, #tpu.memory_space<vmem_shared>>
      tpu.wait_dma2 semaphore(%run_scoped3A : memref<!tpu.dma_semaphore, #tpu.memory_space<semaphore_mem>>) src(%dma_wait3A_65 : memref<128x128xf32, #tpu.memory_space<vmem_shared>>) dst(%arg12 : memref<128x128xf32, #tpu.memory_space<vmem>>)
      tpu.yield
    }) : () -> ()
    "tpu.region"() ({
      %run_scoped3A = tpu.sem_alloc : memref<!tpu.dma_semaphore, #tpu.memory_space<semaphore_mem>>
      %dma_start3A_59 = arith.constant 0 : i32
      %dma_start3A_60 = tpu.memref_slice %arg8[%arg0, %add3A_50, %dma_start3A_59] : memref<2x10240x128xf32, #tpu.memory_space<hbm>> -> memref<1x128x128xf32, #tpu.memory_space<hbm>>
      %dma_start3A_61 = tpu.memref_squeeze %dma_start3A_60 : memref<1x128x128xf32, #tpu.memory_space<hbm>> -> memref<128x128xf32, #tpu.memory_space<hbm>>
      %dma_start3A_62 = arith.constant 0 : i32
      %dma_start3A_63 = tpu.memref_slice %arg8[%arg0, %add3A_50, %dma_start3A_62] : memref<2x10240x128xf32, #tpu.memory_space<hbm>> -> memref<1x128x128xf32, #tpu.memory_space<hbm>>
      %dma_start3A_64 = tpu.memref_squeeze %dma_start3A_63 : memref<1x128x128xf32, #tpu.memory_space<hbm>> -> memref<128x128xf32, #tpu.memory_space<hbm>>
      tpu.enqueue_dma source(%arg12 : memref<128x128xf32, #tpu.memory_space<vmem>>) target(%dma_start3A_64 : memref<128x128xf32, #tpu.memory_space<hbm>>) target_semaphore(%run_scoped3A : memref<!tpu.dma_semaphore, #tpu.memory_space<semaphore_mem>>)
      %dma_wait3A = arith.constant 0 : i32
      %dma_wait3A_65 = tpu.memref_slice %arg8[%arg0, %add3A_50, %dma_wait3A] : memref<2x10240x128xf32, #tpu.memory_space<hbm>> -> memref<1x128x128xf32, #tpu.memory_space<hbm>>
      %dma_wait3A_66 = tpu.memref_squeeze %dma_wait3A_65 : memref<1x128x128xf32, #tpu.memory_space<hbm>> -> memref<128x128xf32, #tpu.memory_space<hbm>>
      %dma_wait3A_67 = arith.constant 0 : i32
      %dma_wait3A_68 = tpu.memref_slice %arg8[%arg0, %add3A_50, %dma_wait3A_67] : memref<2x10240x128xf32, #tpu.memory_space<hbm>> -> memref<1x128x128xf32, #tpu.memory_space<hbm>>
      %dma_wait3A_69 = tpu.memref_squeeze %dma_wait3A_68 : memref<1x128x128xf32, #tpu.memory_space<hbm>> -> memref<128x128xf32, #tpu.memory_space<hbm>>
      tpu.wait_dma2 semaphore(%run_scoped3A : memref<!tpu.dma_semaphore, #tpu.memory_space<semaphore_mem>>) src(%arg12 : memref<128x128xf32, #tpu.memory_space<vmem>>) dst(%dma_wait3A_69 : memref<128x128xf32, #tpu.memory_space<hbm>>)
      tpu.yield
    }) : () -> ()
    %mul3A_51 = arith.constant 640 : i32
    %mul3A_52 = arith.muli %arg1, %mul3A_51 : i32
    %add3A_53 = arith.constant 512 : i32
    %add3A_54 = arith.addi %mul3A_52, %add3A_53 : i32
    "tpu.region"() ({
      %run_scoped3A = tpu.sem_alloc : memref<!tpu.dma_semaphore, #tpu.memory_space<semaphore_mem>>
      %dma_start3A_59 = arith.constant 0 : i32
      %dma_start3A_60 = tpu.memref_slice %arg10[%add3A_54, %dma_start3A_59] : memref<10240x128xf32, #tpu.memory_space<vmem_shared>> -> memref<128x128xf32, #tpu.memory_space<vmem_shared>>
      %dma_start3A_61 = arith.constant 0 : i32
      %dma_start3A_62 = tpu.memref_slice %arg10[%add3A_54, %dma_start3A_61] : memref<10240x128xf32, #tpu.memory_space<vmem_shared>> -> memref<128x128xf32, #tpu.memory_space<vmem_shared>>
      tpu.enqueue_dma source(%dma_start3A_62 : memref<128x128xf32, #tpu.memory_space<vmem_shared>>) target(%arg12 : memref<128x128xf32, #tpu.memory_space<vmem>>) target_semaphore(%run_scoped3A : memref<!tpu.dma_semaphore, #tpu.memory_space<semaphore_mem>>)
      %dma_wait3A = arith.constant 0 : i32
      %dma_wait3A_63 = tpu.memref_slice %arg10[%add3A_54, %dma_wait3A] : memref<10240x128xf32, #tpu.memory_space<vmem_shared>> -> memref<128x128xf32, #tpu.memory_space<vmem_shared>>
      %dma_wait3A_64 = arith.constant 0 : i32
      %dma_wait3A_65 = tpu.memref_slice %arg10[%add3A_54, %dma_wait3A_64] : memref<10240x128xf32, #tpu.memory_space<vmem_shared>> -> memref<128x128xf32, #tpu.memory_space<vmem_shared>>
      tpu.wait_dma2 semaphore(%run_scoped3A : memref<!tpu.dma_semaphore, #tpu.memory_space<semaphore_mem>>) src(%dma_wait3A_65 : memref<128x128xf32, #tpu.memory_space<vmem_shared>>) dst(%arg12 : memref<128x128xf32, #tpu.memory_space<vmem>>)
      tpu.yield
    }) : () -> ()
    "tpu.region"() ({
      %run_scoped3A = tpu.sem_alloc : memref<!tpu.dma_semaphore, #tpu.memory_space<semaphore_mem>>
      %dma_start3A_59 = arith.constant 0 : i32
      %dma_start3A_60 = tpu.memref_slice %arg8[%arg0, %add3A_54, %dma_start3A_59] : memref<2x10240x128xf32, #tpu.memory_space<hbm>> -> memref<1x128x128xf32, #tpu.memory_space<hbm>>
      %dma_start3A_61 = tpu.memref_squeeze %dma_start3A_60 : memref<1x128x128xf32, #tpu.memory_space<hbm>> -> memref<128x128xf32, #tpu.memory_space<hbm>>
      %dma_start3A_62 = arith.constant 0 : i32
      %dma_start3A_63 = tpu.memref_slice %arg8[%arg0, %add3A_54, %dma_start3A_62] : memref<2x10240x128xf32, #tpu.memory_space<hbm>> -> memref<1x128x128xf32, #tpu.memory_space<hbm>>
      %dma_start3A_64 = tpu.memref_squeeze %dma_start3A_63 : memref<1x128x128xf32, #tpu.memory_space<hbm>> -> memref<128x128xf32, #tpu.memory_space<hbm>>
      tpu.enqueue_dma source(%arg12 : memref<128x128xf32, #tpu.memory_space<vmem>>) target(%dma_start3A_64 : memref<128x128xf32, #tpu.memory_space<hbm>>) target_semaphore(%run_scoped3A : memref<!tpu.dma_semaphore, #tpu.memory_space<semaphore_mem>>)
      %dma_wait3A = arith.constant 0 : i32
      %dma_wait3A_65 = tpu.memref_slice %arg8[%arg0, %add3A_54, %dma_wait3A] : memref<2x10240x128xf32, #tpu.memory_space<hbm>> -> memref<1x128x128xf32, #tpu.memory_space<hbm>>
      %dma_wait3A_66 = tpu.memref_squeeze %dma_wait3A_65 : memref<1x128x128xf32, #tpu.memory_space<hbm>> -> memref<128x128xf32, #tpu.memory_space<hbm>>
      %dma_wait3A_67 = arith.constant 0 : i32
      %dma_wait3A_68 = tpu.memref_slice %arg8[%arg0, %add3A_54, %dma_wait3A_67] : memref<2x10240x128xf32, #tpu.memory_space<hbm>> -> memref<1x128x128xf32, #tpu.memory_space<hbm>>
      %dma_wait3A_69 = tpu.memref_squeeze %dma_wait3A_68 : memref<1x128x128xf32, #tpu.memory_space<hbm>> -> memref<128x128xf32, #tpu.memory_space<hbm>>
      tpu.wait_dma2 semaphore(%run_scoped3A : memref<!tpu.dma_semaphore, #tpu.memory_space<semaphore_mem>>) src(%arg12 : memref<128x128xf32, #tpu.memory_space<vmem>>) dst(%dma_wait3A_69 : memref<128x128xf32, #tpu.memory_space<hbm>>)
      tpu.yield
    }) : () -> ()
    %mul3A_55 = arith.constant 640 : i32
    %mul3A_56 = arith.muli %arg1, %mul3A_55 : i32
    "tpu.region"() ({
      %run_scoped3A = tpu.sem_alloc : memref<!tpu.dma_semaphore, #tpu.memory_space<semaphore_mem>>
      %dma_start3A_59 = arith.constant 0 : i32
      %dma_start3A_60 = tpu.memref_slice %arg11[%mul3A_56, %dma_start3A_59] : memref<10240x8xf32, #tpu.memory_space<vmem_shared>> -> memref<640x8xf32, #tpu.memory_space<vmem_shared>>
      %dma_start3A_61 = arith.constant 0 : i32
      %dma_start3A_62 = tpu.memref_slice %arg11[%mul3A_56, %dma_start3A_61] : memref<10240x8xf32, #tpu.memory_space<vmem_shared>> -> memref<640x8xf32, #tpu.memory_space<vmem_shared>>
      tpu.enqueue_dma source(%dma_start3A_62 : memref<640x8xf32, #tpu.memory_space<vmem_shared>>) target(%arg13 : memref<640x8xf32, #tpu.memory_space<vmem>>) target_semaphore(%run_scoped3A : memref<!tpu.dma_semaphore, #tpu.memory_space<semaphore_mem>>)
      %dma_wait3A = arith.constant 0 : i32
      %dma_wait3A_63 = tpu.memref_slice %arg11[%mul3A_56, %dma_wait3A] : memref<10240x8xf32, #tpu.memory_space<vmem_shared>> -> memref<640x8xf32, #tpu.memory_space<vmem_shared>>
      %dma_wait3A_64 = arith.constant 0 : i32
      %dma_wait3A_65 = tpu.memref_slice %arg11[%mul3A_56, %dma_wait3A_64] : memref<10240x8xf32, #tpu.memory_space<vmem_shared>> -> memref<640x8xf32, #tpu.memory_space<vmem_shared>>
      tpu.wait_dma2 semaphore(%run_scoped3A : memref<!tpu.dma_semaphore, #tpu.memory_space<semaphore_mem>>) src(%dma_wait3A_65 : memref<640x8xf32, #tpu.memory_space<vmem_shared>>) dst(%arg13 : memref<640x8xf32, #tpu.memory_space<vmem>>)
      tpu.yield
    }) : () -> ()
    %mul3A_57 = arith.constant 640 : i32
    %mul3A_58 = arith.muli %arg1, %mul3A_57 : i32
    "tpu.region"() ({
      %run_scoped3A = tpu.sem_alloc : memref<!tpu.dma_semaphore, #tpu.memory_space<semaphore_mem>>
      %dma_start3A_59 = arith.constant 0 : i32
      %dma_start3A_60 = tpu.memref_slice %arg9[%arg0, %mul3A_58, %dma_start3A_59] : memref<2x10240x8xf32, #tpu.memory_space<hbm>> -> memref<1x640x8xf32, #tpu.memory_space<hbm>>
      %dma_start3A_61 = tpu.memref_squeeze %dma_start3A_60 : memref<1x640x8xf32, #tpu.memory_space<hbm>> -> memref<640x8xf32, #tpu.memory_space<hbm>>
      %dma_start3A_62 = arith.constant 0 : i32
      %dma_start3A_63 = tpu.memref_slice %arg9[%arg0, %mul3A_58, %dma_start3A_62] : memref<2x10240x8xf32, #tpu.memory_space<hbm>> -> memref<1x640x8xf32, #tpu.memory_space<hbm>>
      %dma_start3A_64 = tpu.memref_squeeze %dma_start3A_63 : memref<1x640x8xf32, #tpu.memory_space<hbm>> -> memref<640x8xf32, #tpu.memory_space<hbm>>
      tpu.enqueue_dma source(%arg13 : memref<640x8xf32, #tpu.memory_space<vmem>>) target(%dma_start3A_64 : memref<640x8xf32, #tpu.memory_space<hbm>>) target_semaphore(%run_scoped3A : memref<!tpu.dma_semaphore, #tpu.memory_space<semaphore_mem>>)
      %dma_wait3A = arith.constant 0 : i32
      %dma_wait3A_65 = tpu.memref_slice %arg9[%arg0, %mul3A_58, %dma_wait3A] : memref<2x10240x8xf32, #tpu.memory_space<hbm>> -> memref<1x640x8xf32, #tpu.memory_space<hbm>>
      %dma_wait3A_66 = tpu.memref_squeeze %dma_wait3A_65 : memref<1x640x8xf32, #tpu.memory_space<hbm>> -> memref<640x8xf32, #tpu.memory_space<hbm>>
      %dma_wait3A_67 = arith.constant 0 : i32
      %dma_wait3A_68 = tpu.memref_slice %arg9[%arg0, %mul3A_58, %dma_wait3A_67] : memref<2x10240x8xf32, #tpu.memory_space<hbm>> -> memref<1x640x8xf32, #tpu.memory_space<hbm>>
      %dma_wait3A_69 = tpu.memref_squeeze %dma_wait3A_68 : memref<1x640x8xf32, #tpu.memory_space<hbm>> -> memref<640x8xf32, #tpu.memory_space<hbm>>
      tpu.wait_dma2 semaphore(%run_scoped3A : memref<!tpu.dma_semaphore, #tpu.memory_space<semaphore_mem>>) src(%arg13 : memref<640x8xf32, #tpu.memory_space<vmem>>) dst(%dma_wait3A_69 : memref<640x8xf32, #tpu.memory_space<hbm>>)
      tpu.yield
    }) : () -> ()
    return
  }
}

module attributes {stable_mosaic.version = 14 : i64} {
  func.func @_tc_body(%arg0: i32, %arg1: memref<2x1024x128xf32, #tpu.memory_space<vmem>>, %arg2: memref<2x1024x8xf32, #tpu.memory_space<vmem>>, %arg3: memref<1024x128xf32, #tpu.memory_space<vmem>>, %arg4: memref<128x128xf32, #tpu.memory_space<vmem>>, %arg5: memref<128x128xf32, #tpu.memory_space<vmem>>, %arg6: memref<1x128xf32, #tpu.memory_space<vmem>>, %arg7: memref<1024x128xf32, #tpu.memory_space<vmem>>) attributes {dimension_semantics = [#tpu.dimension_semantics<arbitrary>], iteration_bounds = array<i64: 10>, scalar_prefetch = 0 : i64, scratch_operands = 0 : i64, tpu.core_type = #tpu.core_type<tc>, window_params = [{transform_indices = @transform_0, window_bounds = array<i64: 2, 1024, 128>}, {transform_indices = @transform_1, window_bounds = array<i64: 2, 1024, 8>}, {transform_indices = @transform_2, window_bounds = array<i64: 1024, 128>}, {pipeline_mode = #tpu.pipeline_mode<synchronous>, transform_indices = @transform_3, window_bounds = array<i64: 128, 128>}, {pipeline_mode = #tpu.pipeline_mode<synchronous>, transform_indices = @transform_4, window_bounds = array<i64: 128, 128>}, {pipeline_mode = #tpu.pipeline_mode<synchronous>, transform_indices = @transform_5, window_bounds = array<i64: 1, 128>}, {transform_indices = @transform_6, window_bounds = array<i64: 1024, 128>}]} {
    %get3A = arith.constant 0 : index
    %get3A_0 = arith.constant 0 : index
    %get3A_1 = arith.constant 0 : index
    %get3A_2 = vector.load %arg1[%get3A, %get3A_0, %get3A_1] : memref<2x1024x128xf32, #tpu.memory_space<vmem>>, vector<1x1024x128xf32>
    %get3A_3 = vector.shape_cast %get3A_2 : vector<1x1024x128xf32> to vector<1024x128xf32>
    %get3A_4 = arith.constant 1 : index
    %get3A_5 = arith.constant 0 : index
    %get3A_6 = arith.constant 0 : index
    %get3A_7 = vector.load %arg1[%get3A_4, %get3A_5, %get3A_6] : memref<2x1024x128xf32, #tpu.memory_space<vmem>>, vector<1x1024x128xf32>
    %get3A_8 = vector.shape_cast %get3A_7 : vector<1x1024x128xf32> to vector<1024x128xf32>
    %add3A = arith.addf %get3A_3, %get3A_8 : vector<1024x128xf32>
    %get3A_9 = arith.constant 0 : index
    %get3A_10 = arith.constant 0 : index
    %get3A_11 = arith.constant 0 : index
    %get3A_12 = vector.load %arg2[%get3A_9, %get3A_10, %get3A_11] : memref<2x1024x8xf32, #tpu.memory_space<vmem>>, vector<1x1024x1xf32>
    %get3A_13 = vector.shape_cast %get3A_12 : vector<1x1024x1xf32> to vector<1024x1xf32>
    %get3A_14 = arith.constant 1 : index
    %get3A_15 = arith.constant 0 : index
    %get3A_16 = arith.constant 0 : index
    %get3A_17 = vector.load %arg2[%get3A_14, %get3A_15, %get3A_16] : memref<2x1024x8xf32, #tpu.memory_space<vmem>>, vector<1x1024x1xf32>
    %get3A_18 = vector.shape_cast %get3A_17 : vector<1x1024x1xf32> to vector<1024x1xf32>
    %add3A_19 = arith.addf %get3A_13, %get3A_18 : vector<1024x1xf32>
    %max3A = arith.constant 1.000000e+00 : f32
    %max3A_20 = vector.broadcast %max3A : f32 to vector<1024x1xf32>
    %max3A_21 = arith.maximumf %add3A_19, %max3A_20 : vector<1024x1xf32>
    %div3A = vector.broadcast %max3A_21 : vector<1024x1xf32> to vector<1024x128xf32>
    %div3A_22 = arith.divf %add3A, %div3A : vector<1024x128xf32>
    %get3A_23 = arith.constant 0 : index
    %get3A_24 = arith.constant 0 : index
    %get3A_25 = vector.load %arg4[%get3A_23, %get3A_24] : memref<128x128xf32, #tpu.memory_space<vmem>>, vector<128x128xf32>
    %dot_general3A = arith.constant dense<0.000000e+00> : vector<1024x128xf32>
    %dot_general3A_26 = tpu.matmul %div3A_22, %get3A_25, %dot_general3A {dimension_numbers = #tpu.dot_dimension_numbers<[1], [1], [0], [0], [0, 0, 1, 0], [], []>, precision = #tpu.contract_precision<fp32>, transpose_lhs_hint = false} : vector<1024x128xf32>, vector<128x128xf32>, vector<1024x128xf32> -> vector<1024x128xf32>
    %get3A_27 = arith.constant 0 : index
    %get3A_28 = arith.constant 0 : index
    %get3A_29 = vector.load %arg3[%get3A_27, %get3A_28] : memref<1024x128xf32, #tpu.memory_space<vmem>>, vector<1024x128xf32>
    %get3A_30 = arith.constant 0 : index
    %get3A_31 = arith.constant 0 : index
    %get3A_32 = vector.load %arg5[%get3A_30, %get3A_31] : memref<128x128xf32, #tpu.memory_space<vmem>>, vector<128x128xf32>
    %dot_general3A_33 = arith.constant dense<0.000000e+00> : vector<1024x128xf32>
    %dot_general3A_34 = tpu.matmul %get3A_29, %get3A_32, %dot_general3A_33 {dimension_numbers = #tpu.dot_dimension_numbers<[1], [1], [0], [0], [0, 0, 1, 0], [], []>, precision = #tpu.contract_precision<fp32>, transpose_lhs_hint = false} : vector<1024x128xf32>, vector<128x128xf32>, vector<1024x128xf32> -> vector<1024x128xf32>
    %add3A_35 = arith.addf %dot_general3A_26, %dot_general3A_34 : vector<1024x128xf32>
    %get3A_36 = arith.constant 0 : index
    %get3A_37 = arith.constant 0 : index
    %get3A_38 = vector.load %arg6[%get3A_36, %get3A_37] : memref<1x128xf32, #tpu.memory_space<vmem>>, vector<1x128xf32>
    %add3A_39 = vector.broadcast %get3A_38 : vector<1x128xf32> to vector<1024x128xf32>
    %add3A_40 = arith.addf %add3A_35, %add3A_39 : vector<1024x128xf32>
    %max3A_41 = arith.constant 0.000000e+00 : f32
    %max3A_42 = vector.broadcast %max3A_41 : f32 to vector<1024x128xf32>
    %max3A_43 = arith.maximumf %add3A_40, %max3A_42 : vector<1024x128xf32>
    %swap3A = arith.constant 0 : index
    %swap3A_44 = arith.constant 0 : index
    %swap3A_45 = vector.load %arg7[%swap3A, %swap3A_44] : memref<1024x128xf32, #tpu.memory_space<vmem>>, vector<1024x128xf32>
    tpu.vector_store %arg7[%swap3A, %swap3A_44], %max3A_43 {strides = array<i32>} : memref<1024x128xf32, #tpu.memory_space<vmem>>, vector<1024x128xf32>,
    return
  }
  func.func @transform_0(%arg0: i32) -> (i32, i32, i32) {
    %c0_i32 = arith.constant 0 : i32
    %c0_i32_0 = arith.constant 0 : i32
    %c0_i32_1 = arith.constant 0 : i32
    return %c0_i32, %arg0, %c0_i32_0 : i32, i32, i32
  }
  func.func @transform_1(%arg0: i32) -> (i32, i32, i32) {
    %c0_i32 = arith.constant 0 : i32
    %c0_i32_0 = arith.constant 0 : i32
    %c0_i32_1 = arith.constant 0 : i32
    return %c0_i32, %arg0, %c0_i32_0 : i32, i32, i32
  }
  func.func @transform_2(%arg0: i32) -> (i32, i32) {
    %c0_i32 = arith.constant 0 : i32
    %c0_i32_0 = arith.constant 0 : i32
    return %arg0, %c0_i32 : i32, i32
  }
  func.func @transform_3(%arg0: i32) -> (i32, i32) {
    %c0_i32 = arith.constant 0 : i32
    %c0_i32_0 = arith.constant 0 : i32
    %c0_i32_1 = arith.constant 0 : i32
    return %c0_i32, %c0_i32_0 : i32, i32
  }
  func.func @transform_4(%arg0: i32) -> (i32, i32) {
    %c0_i32 = arith.constant 0 : i32
    %c0_i32_0 = arith.constant 0 : i32
    %c0_i32_1 = arith.constant 0 : i32
    return %c0_i32, %c0_i32_0 : i32, i32
  }
  func.func @transform_5(%arg0: i32) -> (i32, i32) {
    %c0_i32 = arith.constant 0 : i32
    %c0_i32_0 = arith.constant 0 : i32
    %c0_i32_1 = arith.constant 0 : i32
    return %c0_i32, %c0_i32_0 : i32, i32
  }
  func.func @transform_6(%arg0: i32) -> (i32, i32) {
    %c0_i32 = arith.constant 0 : i32
    %c0_i32_0 = arith.constant 0 : i32
    return %arg0, %c0_i32 : i32, i32
  }
}

module attributes {stable_mosaic.version = 14 : i64} {
  func.func @_tc_body(%arg0: i32, %arg1: memref<2x1024x128xf32, #tpu.memory_space<vmem>>, %arg2: memref<2x1024x8xf32, #tpu.memory_space<vmem>>, %arg3: memref<1024x128xf32, #tpu.memory_space<vmem>>, %arg4: memref<128x128xf32, #tpu.memory_space<vmem>>, %arg5: memref<128x128xf32, #tpu.memory_space<vmem>>, %arg6: memref<1x128xf32, #tpu.memory_space<vmem>>, %arg7: memref<1024x128xf32, #tpu.memory_space<vmem>>) attributes {dimension_semantics = [#tpu.dimension_semantics<arbitrary>], iteration_bounds = array<i64: 10>, scalar_prefetch = 0 : i64, scratch_operands = 0 : i64, tpu.core_type = #tpu.core_type<tc>, window_params = [{transform_indices = @transform_0, window_bounds = array<i64: 2, 1024, 128>}, {transform_indices = @transform_1, window_bounds = array<i64: 2, 1024, 8>}, {transform_indices = @transform_2, window_bounds = array<i64: 1024, 128>}, {pipeline_mode = #tpu.pipeline_mode<synchronous>, transform_indices = @transform_3, window_bounds = array<i64: 128, 128>}, {pipeline_mode = #tpu.pipeline_mode<synchronous>, transform_indices = @transform_4, window_bounds = array<i64: 128, 128>}, {pipeline_mode = #tpu.pipeline_mode<synchronous>, transform_indices = @transform_5, window_bounds = array<i64: 1, 128>}, {transform_indices = @transform_6, window_bounds = array<i64: 1024, 128>}]} {
    %get3A = arith.constant 0 : index
    %get3A_0 = arith.constant 0 : index
    %get3A_1 = arith.constant 0 : index
    %get3A_2 = vector.load %arg1[%get3A, %get3A_0, %get3A_1] : memref<2x1024x128xf32, #tpu.memory_space<vmem>>, vector<1x1024x128xf32>
    %get3A_3 = vector.shape_cast %get3A_2 : vector<1x1024x128xf32> to vector<1024x128xf32>
    %get3A_4 = arith.constant 1 : index
    %get3A_5 = arith.constant 0 : index
    %get3A_6 = arith.constant 0 : index
    %get3A_7 = vector.load %arg1[%get3A_4, %get3A_5, %get3A_6] : memref<2x1024x128xf32, #tpu.memory_space<vmem>>, vector<1x1024x128xf32>
    %get3A_8 = vector.shape_cast %get3A_7 : vector<1x1024x128xf32> to vector<1024x128xf32>
    %add3A = arith.addf %get3A_3, %get3A_8 : vector<1024x128xf32>
    %get3A_9 = arith.constant 0 : index
    %get3A_10 = arith.constant 0 : index
    %get3A_11 = arith.constant 0 : index
    %get3A_12 = vector.load %arg2[%get3A_9, %get3A_10, %get3A_11] : memref<2x1024x8xf32, #tpu.memory_space<vmem>>, vector<1x1024x1xf32>
    %get3A_13 = vector.shape_cast %get3A_12 : vector<1x1024x1xf32> to vector<1024x1xf32>
    %get3A_14 = arith.constant 1 : index
    %get3A_15 = arith.constant 0 : index
    %get3A_16 = arith.constant 0 : index
    %get3A_17 = vector.load %arg2[%get3A_14, %get3A_15, %get3A_16] : memref<2x1024x8xf32, #tpu.memory_space<vmem>>, vector<1x1024x1xf32>
    %get3A_18 = vector.shape_cast %get3A_17 : vector<1x1024x1xf32> to vector<1024x1xf32>
    %add3A_19 = arith.addf %get3A_13, %get3A_18 : vector<1024x1xf32>
    %max3A = arith.constant 1.000000e+00 : f32
    %max3A_20 = vector.broadcast %max3A : f32 to vector<1024x1xf32>
    %max3A_21 = arith.maximumf %add3A_19, %max3A_20 : vector<1024x1xf32>
    %div3A = vector.broadcast %max3A_21 : vector<1024x1xf32> to vector<1024x128xf32>
    %div3A_22 = arith.divf %add3A, %div3A : vector<1024x128xf32>
    %get3A_23 = arith.constant 0 : index
    %get3A_24 = arith.constant 0 : index
    %get3A_25 = vector.load %arg4[%get3A_23, %get3A_24] : memref<128x128xf32, #tpu.memory_space<vmem>>, vector<128x128xf32>
    %dot_general3A = arith.constant dense<0.000000e+00> : vector<1024x128xf32>
    %dot_general3A_26 = tpu.matmul %div3A_22, %get3A_25, %dot_general3A {dimension_numbers = #tpu.dot_dimension_numbers<[1], [1], [0], [0], [0, 0, 1, 0], [], []>, precision = #tpu.contract_precision<fp32>, transpose_lhs_hint = false} : vector<1024x128xf32>, vector<128x128xf32>, vector<1024x128xf32> -> vector<1024x128xf32>
    %get3A_27 = arith.constant 0 : index
    %get3A_28 = arith.constant 0 : index
    %get3A_29 = vector.load %arg3[%get3A_27, %get3A_28] : memref<1024x128xf32, #tpu.memory_space<vmem>>, vector<1024x128xf32>
    %get3A_30 = arith.constant 0 : index
    %get3A_31 = arith.constant 0 : index
    %get3A_32 = vector.load %arg5[%get3A_30, %get3A_31] : memref<128x128xf32, #tpu.memory_space<vmem>>, vector<128x128xf32>
    %dot_general3A_33 = arith.constant dense<0.000000e+00> : vector<1024x128xf32>
    %dot_general3A_34 = tpu.matmul %get3A_29, %get3A_32, %dot_general3A_33 {dimension_numbers = #tpu.dot_dimension_numbers<[1], [1], [0], [0], [0, 0, 1, 0], [], []>, precision = #tpu.contract_precision<fp32>, transpose_lhs_hint = false} : vector<1024x128xf32>, vector<128x128xf32>, vector<1024x128xf32> -> vector<1024x128xf32>
    %add3A_35 = arith.addf %dot_general3A_26, %dot_general3A_34 : vector<1024x128xf32>
    %get3A_36 = arith.constant 0 : index
    %get3A_37 = arith.constant 0 : index
    %get3A_38 = vector.load %arg6[%get3A_36, %get3A_37] : memref<1x128xf32, #tpu.memory_space<vmem>>, vector<1x128xf32>
    %add3A_39 = vector.broadcast %get3A_38 : vector<1x128xf32> to vector<1024x128xf32>
    %add3A_40 = arith.addf %add3A_35, %add3A_39 : vector<1024x128xf32>
    %swap3A = arith.constant 0 : index
    %swap3A_41 = arith.constant 0 : index
    %swap3A_42 = vector.load %arg7[%swap3A, %swap3A_41] : memref<1024x128xf32, #tpu.memory_space<vmem>>, vector<1024x128xf32>
    tpu.vector_store %arg7[%swap3A, %swap3A_41], %add3A_40 {strides = array<i32>} : memref<1024x128xf32, #tpu.memory_space<vmem>>, vector<1024x128xf32>,
    return
  }
  func.func @transform_0(%arg0: i32) -> (i32, i32, i32) {
    %c0_i32 = arith.constant 0 : i32
    %c0_i32_0 = arith.constant 0 : i32
    %c0_i32_1 = arith.constant 0 : i32
    return %c0_i32, %arg0, %c0_i32_0 : i32, i32, i32
  }
  func.func @transform_1(%arg0: i32) -> (i32, i32, i32) {
    %c0_i32 = arith.constant 0 : i32
    %c0_i32_0 = arith.constant 0 : i32
    %c0_i32_1 = arith.constant 0 : i32
    return %c0_i32, %arg0, %c0_i32_0 : i32, i32, i32
  }
  func.func @transform_2(%arg0: i32) -> (i32, i32) {
    %c0_i32 = arith.constant 0 : i32
    %c0_i32_0 = arith.constant 0 : i32
    return %arg0, %c0_i32 : i32, i32
  }
  func.func @transform_3(%arg0: i32) -> (i32, i32) {
    %c0_i32 = arith.constant 0 : i32
    %c0_i32_0 = arith.constant 0 : i32
    %c0_i32_1 = arith.constant 0 : i32
    return %c0_i32, %c0_i32_0 : i32, i32
  }
  func.func @transform_4(%arg0: i32) -> (i32, i32) {
    %c0_i32 = arith.constant 0 : i32
    %c0_i32_0 = arith.constant 0 : i32
    %c0_i32_1 = arith.constant 0 : i32
    return %c0_i32, %c0_i32_0 : i32, i32
  }
  func.func @transform_5(%arg0: i32) -> (i32, i32) {
    %c0_i32 = arith.constant 0 : i32
    %c0_i32_0 = arith.constant 0 : i32
    %c0_i32_1 = arith.constant 0 : i32
    return %c0_i32, %c0_i32_0 : i32, i32
  }
  func.func @transform_6(%arg0: i32) -> (i32, i32) {
    %c0_i32 = arith.constant 0 : i32
    %c0_i32_0 = arith.constant 0 : i32
    return %arg0, %c0_i32 : i32, i32
  }
}

</mosaic_0001>

<sc_bundles>
// kernel: kernel.11.cloned.1.call-start
scs
__scs_entry_jumppad:
0x0: {  	(pc) =	sbr.rel $0x88, $3  }
0x1: {  	(tag) =	ssettag $0x0;
	lr =	simm.s32 $0x1  }
0x2: {  	[smem:$0x3F96] =	sst lr;
	_ =	strace $0xD0000000  }
0x3: {  	_ = 	snop  }
0x4: {  	_ = 	snop  }
0x5: {  	_ = 	snop  }
0x6: {  	_ = 	snop  }
0x7: {  	_ = 	snop  }
__scs_overlays_trampoline_lowered:
0x8: {  	[smem:$0x3FA5] =	sst s0  }
0x9: {  	[smem:$0x3FA6] =	sst s1  }
0xa: {  	[smem:$0x3FA7] =	sst s2  }
0xb: {  	[smem:$0x3FA8] =	sst s3  }
0xc: {  	[smem:$0x3FA9] =	sst s4  }
0xd: {  	[smem:$0x3FAA] =	sst s5  }
0xe: {  	[smem:$0x3FAB] =	sst s6  }
0xf: {  	[smem:$0x3FAC] =	sst s7  }
0x10: {  	[smem:$0x3FAD] =	sst s8  }
0x11: {  	[smem:$0x3FAE] =	sst s9;
	s0 =	simm.s32 @!p0 $0x0  }
0x12: {  	s1 =	sld [smem:$0x3F94];
	s0 =	simm.s32 @p0 $0x1  }
0x13: {  	[smem:$0x3FAF] =	sst s0;
	s0 =	simm.s32 @!p1 $0x0  }
0x14: {  	s2 =	sld [smem:$0x3F93];
	s0 =	simm.s32 @p1 $0x1  }
0x15: {  	[smem:$0x3FB0] =	sst s0;
	s0 =	simm.s32 @!p2 $0x0  }
0x16: {  	s3 =	sld [smem:$0x3FDB];
	s0 =	simm.s32 @p2 $0x1  }
0x17: {  	s4 =	simm.s32 $0x1BF5;
	[smem:$0x3FB2] =	sst s0  }
0x18: {  	s0 =	sld [smem:$0x3F95];
	_ =	swait.ge [sflag:s4], $0x0  }
0x19: {  	s7 =	sld [smem:$0x3F96]  }
0x1a: {  	s8 =	sadd.s32 $0xFFFFE003, lr  }
0x1b: {  	s9 =	sadd.s32 $0xFFFFFEF7, lr;
	s5 =	simm.s32 $0xFFFFFFFF;
	p2 =	slt.u32 s8, $0xFFFFF086  }
0x1c: {  	p1 =	slt.u32 s9, $0xF7A;
	s5 =	simm.s32 @!p2 $0x0  }
0x1d: {  	s5 =	simm.s32 @p1 $0x1;
	p0 =	seq.s32 s7, s2  }
0x1e: {  	s7 =	smul.u32 @!p0 $0xF7A, s2;
	p2 =	seq.s32 @!p0 s5, $0x0  }
0x1f: {  	s9 =	smul.u32 $0xF7A, s1;
	s8 =	simm.s32 @!p0 $0x1BF5;
	p2 =	por !p2, p0  }
0x20: {  	[sflag:s8] =	ssyncset.s32 @!p0 $0xFFFFF086;
	s6 =	sadd.s32 @!p0 s3, s7;
	s7 =	simm.s32 @!p0 $0x108  }
0x21: {  	s3 =	sadd.s32 s3, s9;
	s6 =	sadd.s32 @!p0 $0x88, s6;
	s7 =	simm.s32 @p2 $0x1082  }
0x22: {  	[simem:s7], [sflag:s8] =	dma.local @!p0 [hbm:s6], $0xF7A  }
0x23: {  	s9 =	sor.u32 $0xD0000000, s2;
	s6 =	simm.s32 $0x108;
	_ =	swait.ge @!p0 [sflag:s8], $0x0  }
0x24: {  	s3 =	sadd.s32 $0x88, s3;
	s6 =	simm.s32 @!p1 $0x1082;
	[sflag:s4] =	ssyncset.s32 $0xFFFFF086  }
0x25: {  	[simem:s6], [sflag:s4] =	dma.local [hbm:s3], $0xF7A  }
0x26: {  	[smem:$0x3F96] =	sst s1;
	(tag) =	ssettag s2;
	_ =	strace s9  }
0x27: {  	s1 =	sld [smem:$0x3FA6]  }
0x28: {  	s2 =	sld [smem:$0x3FA7]  }
0x29: {  	s4 =	sld [smem:$0x3FA9]  }
0x2a: {  	p0 =	seq.s32 s5, $0x0;
	s5 =	sld [smem:$0x3FAA]  }
0x2b: {  	s6 =	sld [smem:$0x3FAB]  }
0x2c: {  	s7 =	sld [smem:$0x3FAC]  }
0x2d: {  	s3 =	simm.s32 $0x108;
	s8 =	sld [smem:$0x3FAD]  }
0x2e: {  	s3 =	simm.s32 @!p0 $0x1082;
	s9 =	sld [smem:$0x3FAE]  }
0x2f: {  	lr =	sadd.s32 s0, s3;
	s0 =	sld [smem:$0x3FA5]  }
0x30: {  	s3 =	sld [smem:$0x3FA8]  }
0x31: {  	[smem:$0x3FB1] =	sst s10  }
0x32: {  	s10 =	sld [smem:$0x3FAF];
	_ =	sdelay $0x3  }
0x33: {  	p0 =	seq.s32 s10, $0x1;
	s10 =	sld [smem:$0x3FB1];
	_ =	sdelay $0x3  }
0x34: {  	[smem:$0x3FB1] =	sst s10  }
0x35: {  	s10 =	sld [smem:$0x3FB0];
	_ =	sdelay $0x3  }
0x36: {  	p1 =	seq.s32 s10, $0x1;
	s10 =	sld [smem:$0x3FB1];
	_ =	sdelay $0x3  }
0x37: {  	[smem:$0x3FB1] =	sst s10  }
0x38: {  	s10 =	sld [smem:$0x3FB2]  }
0x39: {  	_ = 	snop;
	(pc) =	sbr.ind lr, $3  }
0x3a: {  	_ = 	snop  }
0x3b: {  	_ = 	snop  }
0x3c: {  	p2 =	seq.s32 s10, $0x1;
	s10 =	sld [smem:$0x3FB1]  }
0x3d: {  	_ =	shalt  }
0x3e: {  	_ =	shalt  }
0x3f: {  	_ =	shalt  }
0x40: {  	_ =	shalt  }
0x41: {  	_ =	shalt  }
0x42: {  	_ =	shalt  }
0x43: {  	_ =	shalt  }
0x44: {  	_ =	shalt  }
0x45: {  	_ =	shalt  }
0x46: {  	_ =	shalt  }
0x47: {  	_ =	shalt  }
0x48: {  	_ =	shalt  }
0x49: {  	_ =	shalt  }
0x4a: {  	_ =	shalt  }
0x4b: {  	_ =	shalt  }
0x4c: {  	_ =	shalt  }
0x4d: {  	_ =	shalt  }
0x4e: {  	_ =	shalt  }
0x4f: {  	_ =	shalt  }
0x50: {  	_ =	shalt  }
0x51: {  	_ =	shalt  }
0x52: {  	_ =	shalt  }
0x53: {  	_ =	shalt  }
0x54: {  	_ =	shalt  }
0x55: {  	_ =	shalt  }
0x56: {  	_ =	shalt  }
0x57: {  	_ =	shalt  }
0x58: {  	_ =	shalt  }
0x59: {  	_ =	shalt  }
0x5a: {  	_ =	shalt  }
0x5b: {  	_ =	shalt  }
0x5c: {  	_ =	shalt  }
0x5d: {  	_ =	shalt  }
0x5e: {  	_ =	shalt  }
0x5f: {  	_ =	shalt  }
0x60: {  	_ =	shalt  }
0x61: {  	_ =	shalt  }
0x62: {  	_ =	shalt  }
0x63: {  	_ =	shalt  }
0x64: {  	_ =	shalt  }
0x65: {  	_ =	shalt  }
0x66: {  	_ =	shalt  }
0x67: {  	_ =	shalt  }
0x68: {  	_ =	shalt  }
0x69: {  	_ =	shalt  }
0x6a: {  	_ =	shalt  }
0x6b: {  	_ =	shalt  }
0x6c: {  	_ =	shalt  }
0x6d: {  	_ =	shalt  }
0x6e: {  	_ =	shalt  }
0x6f: {  	_ =	shalt  }
0x70: {  	_ =	shalt  }
0x71: {  	_ =	shalt  }
0x72: {  	_ =	shalt  }
0x73: {  	_ =	shalt  }
0x74: {  	_ =	shalt  }
0x75: {  	_ =	shalt  }
0x76: {  	_ =	shalt  }
0x77: {  	_ =	shalt  }
0x78: {  	_ =	shalt  }
0x79: {  	_ =	shalt  }
0x7a: {  	_ =	shalt  }
0x7b: {  	_ =	shalt  }
0x7c: {  	_ =	shalt  }
0x7d: {  	_ =	shalt  }
0x7e: {  	_ =	shalt  }
0x7f: {  	_ =	shalt  }
0x80: {  	_ =	shalt  }
0x81: {  	_ =	shalt  }
0x82: {  	_ =	shalt  }
0x83: {  	_ =	shalt  }
0x84: {  	_ =	shalt  }
0x85: {  	_ =	shalt  }
0x86: {  	_ =	shalt  }
0x87: {  	_ =	shalt  }
.Lfunc_end0:
.L_simem_size_0:
called_computation.1_lowered:
.L_overlay_start_0:
0x88: {  	s2 =	sld [smem:$0x3FD9]  }
0x89: {  	s3 =	sld [smem:$0x3FFE];
	_ =	sdelay $0x1  }
0x8a: {  	s1 =	srdreg.scid  }
0x8b: {  	s0 =	sand.u32 $0x1, s1  }
0x8c: {  	s17 =	sshll.u32 s0, $0xA;
	s2 =	sadd.s32 s3, s2  }
0x8d: {  	s2 =	sadd.s32 s2, s17  }
0x8e: {  	[smem:$0x3FBD] =	sst s2  }
0x8f: {  	_ = 	snop  }
0x90: {  	s2 =	sld [smem:$0x3FD0];
	(tm) =	ssettm $0x1  }
0x91: {  	s18 =	sld [smem:$0x3FFB];
	_ =	sdelay $0x3  }
0x92: {  	_ =	strace s18  }
0x93: {  	s3 =	sld [smem:$0x3FFC];
	_ =	sdelay $0x3  }
0x94: {  	_ =	strace s3  }
0x95: {  	s3 =	sld [smem:$0x3FFD];
	_ =	sdelay $0x3  }
0x96: {  	_ =	strace s3  }
0x97: {  	_ =	strace $0x8FFFFFFF  }
0x98: {  	s19 =	sld [smem:$0x3FDB];
	_ =	sdelay $0x1  }
0x99: {  	s4 =	simm.s32 $_scs_section_size  }
0x9a: {  	s5 =	simm.s32 $_size__tile_overlayer_lowered;
	s6 =	simm.s32 $_tile_overlayer_lowered  }
0x9b: {  	s22 =	simm.s32 $0x1BFF;
	s21 =	sshll.u32 s6, $0x1;
	s3 =	sadd.s32 s4, s19  }
0x9c: {  	s7 =	simm.s32 $0x0;
	s20 =	sshll.u32 s5, $0x1;
	s5 =	sadd.s32 s21, s3  }
0x9d: {  	[timem:s7], [sflag:s22] =	dma.local [hbm:s5], s20  }
0x9e: {  	_ =	swait.ge [sflag:s22], s20  }
0x9f: {  	s4 =	ssub.s32 $0x0, s20;
	[sflag:s22] =	ssyncset.done $0x0  }
0xa0: {  	[sflag:s22] =	ssyncadd.s32 s4;
	_ =	sdelay $0x1  }
0xa1: {  	s23 =	simm.s32 $0x1B8B  }
0xa2: {  	_ =	swait.ge [sflag:s23], $0x1  }
0xa3: {  	[sflag:s23] =	ssyncset.done $0x0  }
0xa4: {  	s25 =	simm.s32 $0x1B8E;
	s24 =	sld [smem:$0x3FFE];
	[sflag:s23] =	ssyncadd.s32 $0xFFFFFFFF  }
0xa5: {  	s26 =	simm.s32 $execute0_lowered;
	[smem:$0x3FD2] =	sst s25  }
0xa6: {  	s5 =	sshll.u32 s26, $0x1;
	_ =	strace $0x80000049;
	[dreg:$0x1] =	wrdreg $0xFFFFFFFF  }
0xa7: {  	s28 =	simm.s32 $_size_execute0_lowered;
	s3 =	sadd.s32 s3, s5;
	[dreg:$0x0] =	wrdreg $0x0  }
0xa8: {  	s5 =	sshll.u32 s28, $0x1;
	[dreg:$0x2] =	wrdreg s3  }
0xa9: {  	[dreg:$0x3] =	wrdreg s5  }
0xaa: {  	[dreg:$0x4] =	wrdreg $0xC0  }
0xab: {  	_ =	task [dreg:s7], $0x5FFFF  }
0xac: {  	[dreg:$0x1] =	wrdreg $0xFFFFFFFF  }
0xad: {  	[dreg:$0x0] =	wrdreg $0x60  }
0xae: {  	[dreg:$0x2] =	wrdreg s24  }
0xaf: {  	[dreg:$0x3] =	wrdreg s2  }
0xb0: {  	[dreg:$0x4] =	wrdreg $0x0  }
0xb1: {  	[dreg:$0x5] =	wrdreg $0x9  }
0xb2: {  	_ =	task.clear_ibuf [dreg:s7], $0x6FFFF;
	_ =	strace $0x90000049  }
0xb3: {  	s29 =	simm.s32 $0x9;
	_ =	strace $0x8000004B  }
0xb4: {  	_ =	swait.ge [sflag:s29], $0x1  }
0xb5: {  	[sflag:s29] =	ssyncadd.s32 $0xFFFFFFFF  }
0xb6: {  	_ =	strace $0x9000004B  }
0xb7: {  	_ =	sfence  }
0xb8: {  	s30 =	sld [smem:$0x0];
	_ =	sdelay $0x2  }
0xb9: {  	s31 =	sshll.u32 s1, $0xD;
	s1 =	sshrl.u32 s1, $0x2  }
0xba: {  	s3 =	sand.u32 $0x4000, s31;
	s1 =	sadd.s32 s1, s30  }
0xbb: {  	s0 =	sor.u32 s3, s0;
	s1 =	sshll.u32 s1, $0x11  }
0xbc: {  	s0 =	sor.u32 s1, s0  }
0xbd: {  	s0 =	sadd.s32 $0x8F2B, s0  }
0xbe: {  	[sflag:s0] =	ssyncadd.remote.s32 $0x1  }
0xbf: {  	_ =	sfence.sel $0xFFFF  }
0xc0: {  	[dreg:$0x0] =	wrdreg $0xFFFFFFFF;
	(pc) =	sbr.abs _section_cstart, $3  }
0xc1: {  	[dreg:$0x1] =	wrdreg $0xFFFFFFFF  }
0xc2: {  	_ =	task.clear_ibuf [dreg:s7], $0x2FFFF;
	_ =	strace $0x9FFFFFFF  }
0xc3: {  	(tm) =	ssettm $0x7FFFFFFF  }
tec
execute0_lowered:
.L_overlay_start_1:
0x0: {  	(tag) =	ssettag $0x1  }
0x1: {  	s0 =	rddreg [dreg:$0x0]  }
0x2: {  	s1 =	rddreg [dreg:$0x1]  }
0x3: {  	s2 =	rddreg [dreg:$0x2];
	s3 =	simm.s32 $0x0  }
0x4: {  	s4 =	srdreg.scid;
	s20 =	stileid.u32;
	s28 =	simm.s32 $0x1D0A0  }
0x5: {  	s29 =	simm.s32 $0x50;
	s30 =	simm.s32 $0x18000;
	s31 =	simm.s32 $0x1D050  }
0x6: {  	[smem:$0x7FF] =	sst s3;
	s5 =	sadd.s32 $0xCA00, s0;
	s6 =	sadd.s32 $0x2C00, s0  }
0x7: {  	s4 =	sand.u32 $0x1, s4;
	s7 =	sadd.s32 $0x35000, s0;
	s12 =	smul.u32 $0x14000, s20  }
0x8: {  	s9 =	sshll.u32 s20, $0x1;
	s0 =	sadd.s32 $0x35800, s0;
	s26 =	smul.u32 $0x4E20, s20  }
0x9: {  	_ =	strace $0x8000004A;
	[dreg:$0x4] =	wrdreg s7;
	s17 =	smul.u32 $0x140000, s4  }
0xa: {  	s19 =	ssub.s32 $0x2, s4;
	s21 =	sor.u32 s4, s9;
	s4 =	smul.u32 $0x2710, s4  }
0xb: {  	s8 =	sshrl.u32 s19, $0x1;
	s13 =	smul.u32 $0x2710, s21;
	s14 =	sadd.s32 $0x4000, s12  }
0xc: {  	s15 =	sadd.s32 $0x8000, s12;
	s16 =	sadd.s32 $0xC000, s12;
	s18 =	sadd.s32 $0x10000, s12  }
0xd: {  	s7 =	ssub.s32 s19, s8;
	s8 =	sadd.s32 s12, s2;
	s9 =	sadd.s32 s14, s2  }
0xe: {  	s10 =	sadd.s32 s15, s2;
	s11 =	sadd.s32 s16, s2;
	s19 =	sadd.s32 s12, s17  }
0xf: {  	s22 =	sadd.s32 s18, s2;
	s24 =	sadd.s32 s17, s14;
	s25 =	sadd.s32 s17, s15  }
0x10: {  	s4 =	sadd.s32 s4, s26;
	s15 =	simm.s32 $0x0;
	s13 =	sshrl.u32 s13, $0x3  }
0x11: {  	s19 =	sshrl.u32 s19, $0x3;
	s20 =	smov.u32 s22;
	s7 =	smax.u32 s7, $0x1  }
0x12: {  	s26 =	sadd.s32 $0x50, s4;
	s4 =	sadd.s32 $0xA0, s4;
	[dreg:$0xc] =	wrdreg s7  }
0x13: {  	s21 =	sadd.s32 s6, s13;
	s13 =	sadd.s32 s1, s13;
	[dreg:$0xd] =	wrdreg s4  }
0x14: {  	s23 =	sadd.s32 s0, s19;
	s19 =	smov.u32 s11;
	[dreg:$0x5] =	wrdreg s21  }
0x15: {  	s4 =	simm.s32 $0x1D0F0;
	s7 =	simm.s32 $0x1A800;
	[dreg:$0x6] =	wrdreg s13  }
0x16: {  	[dreg:$0x7] =	wrdreg s23;
	s13 =	sshrl.u32 s24, $0x3;
	s21 =	sshrl.u32 s25, $0x3  }
0x17: {  	s23 =	sadd.s32 s17, s16;
	s16 =	smov.u32 s8;
	s24 =	sadd.s32 s17, s18  }
0x18: {  	s18 =	smov.u32 s10;
	s17 =	smov.u32 s9;
	s13 =	sadd.s32 s0, s13  }
0x19: {  	s22 =	sadd.s32 s0, s21;
	[dreg:$0x8] =	wrdreg s13;
	s13 =	sshrl.u32 s23, $0x3  }
0x1a: {  	s14 =	sshrl.u32 s24, $0x3;
	[dreg:$0x9] =	wrdreg s22;
	s25 =	sadd.s32 s0, s13  }
0x1b: {  	s24 =	simm.s32 $0x14000;
	s0 =	sadd.s32 s0, s14;
	[dreg:$0xa] =	wrdreg s25  }
0x1c: {  	s13 =	simm.s32 $0x1;
	s14 =	simm.s32 $0x2;
	[dreg:$0xb] =	wrdreg s0  }
0x1d: {  	s0 =	sshrl.u32 s26, $0x3;
	s25 =	simm.s32 $0x3;
	s26 =	simm.s32 $0x1D000  }
0x1e: {  	s22 =	sadd.s32 s0, s1;
	s23 =	sadd.s32 s0, s6;
	s0 =	simm.s32 $0x4  }
.LBB2_1:
0x1f: {  	s8 =	rddreg [dreg:$0x4]  }
0x20: {  	[tilespmem:s24], [sflag:$0x3] =	stream.linear.gather [hbm4b:s8+s3], $0x4000, $0x38;
	[tilespmem:$0x1D140] =	vst v63  }
0x21: {  	_ =	swait.ge [sflag:s25], $0x4000  }
0x22: {  	[sflag:s25] =	ssyncset.done $0x0  }
0x23: {  	[sflag:s25] =	ssyncadd.s32 $0xFFFFC000  }
0x24: {  	[spmem:s16] =	stream.linear.scatter [tilespmem:s24], [sflag:$0x3], $0x4000, $0x38;
	[tilespmem:$0x1D140] =	vst v63  }
0x25: {  	_ =	swait.ge [sflag:s25], $0x4000  }
0x26: {  	[sflag:s25] =	ssyncset.done $0x0  }
0x27: {  	[sflag:s25] =	ssyncadd.s32 $0xFFFFC000  }
0x28: {  	[spmem:s17] =	stream.linear.scatter [tilespmem:s24], [sflag:$0x3], $0x4000, $0x38;
	[tilespmem:$0x1D140] =	vst v63  }
0x29: {  	_ =	swait.ge [sflag:s25], $0x4000  }
0x2a: {  	[sflag:s25] =	ssyncset.done $0x0  }
0x2b: {  	[sflag:s25] =	ssyncadd.s32 $0xFFFFC000  }
0x2c: {  	[spmem:s18] =	stream.linear.scatter [tilespmem:s24], [sflag:$0x3], $0x4000, $0x38;
	[tilespmem:$0x1D140] =	vst v63  }
0x2d: {  	_ =	swait.ge [sflag:s25], $0x4000  }
0x2e: {  	[sflag:s25] =	ssyncset.done $0x0  }
0x2f: {  	[sflag:s25] =	ssyncadd.s32 $0xFFFFC000  }
0x30: {  	[spmem:s19] =	stream.linear.scatter [tilespmem:s24], [sflag:$0x3], $0x4000, $0x38;
	[tilespmem:$0x1D140] =	vst v63  }
0x31: {  	_ =	swait.ge [sflag:s25], $0x4000  }
0x32: {  	[sflag:s25] =	ssyncset.done $0x0  }
0x33: {  	[sflag:s25] =	ssyncadd.s32 $0xFFFFC000  }
0x34: {  	[spmem:s20] =	stream.linear.scatter [tilespmem:s24], [sflag:$0x3], $0x4000, $0x38;
	[tilespmem:$0x1D140] =	vst v63  }
0x35: {  	_ =	swait.ge [sflag:s25], $0x4000  }
0x36: {  	[sflag:s25] =	ssyncset.done $0x0  }
0x37: {  	[sflag:s25] =	ssyncadd.s32 $0xFFFFC000  }
0x38: {  	[bflag:$0x0] =	sbarrier.arrive $0xFFFF  }
0x39: {  	s21 =	smov.u32 s20;
	s20 =	rddreg [dreg:$0x5]  }
0x3a: {  	[tilespmem:s26], [sflag:$0x3] =	stream.linear.gather [hbm4b:s20+s3], $0x50, $0x38;
	[tilespmem:$0x1D140] =	vst v63  }
0x3b: {  	_ =	swait.ge [sflag:s25], $0x50  }
0x3c: {  	[sflag:s25] =	ssyncset.done $0x0  }
0x3d: {  	s9 =	smov.u32 s16;
	s16 =	rddreg [dreg:$0x6];
	[sflag:s25] =	ssyncadd.s32 $0xFFFFFFB0  }
0x3e: {  	[tilespmem:s28], [sflag:$0x3] =	stream.linear.gather [hbm4b:s16+s3], $0x50, $0x38;
	[tilespmem:$0x1D140] =	vst v63  }
0x3f: {  	_ =	swait.ge [sflag:s25], $0x50  }
0x40: {  	[sflag:s25] =	ssyncset.done $0x0  }
0x41: {  	[sflag:s25] =	ssyncadd.s32 $0xFFFFFFB0  }
0x42: {  	[tilespmem:s30], [sflag:$0x1] =	stream.indirect.gather [hbm4b:s5+s29], $0x80, s26, s29, $0xb8;
	[tilespmem:$0x1D140] =	vst v63  }
0x43: {  	s10 =	smov.u32 s17;
	s17 =	sadd.s32 $0x0, s23  }
0x44: {  	[tilespmem:s31], [sflag:$0x4] =	stream.linear.gather [hbm4b:s17+s3], $0x50, $0x38;
	[tilespmem:$0x1D140] =	vst v63  }
0x45: {  	_ =	swait.ge [sflag:s0], $0x50  }
0x46: {  	[sflag:s0] =	ssyncset.done $0x0  }
0x47: {  	s11 =	smov.u32 s18;
	s18 =	sadd.s32 $0x0, s22;
	[sflag:s0] =	ssyncadd.s32 $0xFFFFFFB0  }
0x48: {  	[tilespmem:s4], [sflag:$0x4] =	stream.linear.gather [hbm4b:s18+s3], $0x50, $0x38;
	[tilespmem:$0x1D140] =	vst v63  }
0x49: {  	_ =	swait.ge [sflag:s0], $0x50  }
0x4a: {  	[sflag:s0] =	ssyncset.done $0x0  }
0x4b: {  	[sflag:s0] =	ssyncadd.s32 $0xFFFFFFB0  }
0x4c: {  	[tilespmem:s7], [sflag:$0x2] =	stream.indirect.gather [hbm4b:s5+s29], $0x80, s31, s29, $0xb8;
	[tilespmem:$0x1D140] =	vst v63  }
0x4d: {  	_ =	swait.ge [sflag:s13], $0x2800  }
0x4e: {  	[sflag:s13] =	ssyncset.done $0x0  }
0x4f: {  	[sflag:s13] =	ssyncadd.s32 $0xFFFFD800  }
0x50: {  	[spmem:s2] =	stream.indirect.scatter.add.f32 [tilespmem:s30], [sflag:$0x4], $0x80, s28, s29, $0xb8;
	[tilespmem:$0x1D140] =	vst v63  }
0x51: {  	_ =	swait.ge [sflag:s0], $0x2800  }
0x52: {  	s8 =	rddreg [dreg:$0xd]  }
0x53: {  	s12 =	smov.u32 s19;
	[sflag:s0] =	ssyncset.done $0x0;
	s19 =	sshrl.u32 s8, $0x3  }
0x54: {  	[sflag:s0] =	ssyncadd.s32 $0xFFFFD800;
	s20 =	sadd.s32 s6, s19  }
0x55: {  	[tilespmem:s26], [sflag:$0x4] =	stream.linear.gather [hbm4b:s20+s3], $0x50, $0x38;
	[tilespmem:$0x1D140] =	vst v63  }
0x56: {  	_ =	swait.ge [sflag:s0], $0x50  }
0x57: {  	[sflag:s0] =	ssyncset.done $0x0  }
0x58: {  	s16 =	sadd.s32 s1, s19;
	[sflag:s0] =	ssyncadd.s32 $0xFFFFFFB0  }
0x59: {  	[tilespmem:s28], [sflag:$0x4] =	stream.linear.gather [hbm4b:s16+s3], $0x50, $0x38;
	[tilespmem:$0x1D140] =	vst v63  }
0x5a: {  	_ =	swait.ge [sflag:s0], $0x50  }
0x5b: {  	[sflag:s0] =	ssyncset.done $0x0  }
0x5c: {  	[sflag:s0] =	ssyncadd.s32 $0xFFFFFFB0  }
0x5d: {  	[tilespmem:s30], [sflag:$0x1] =	stream.indirect.gather [hbm4b:s5+s29], $0x80, s26, s29, $0xb8;
	[tilespmem:$0x1D140] =	vst v63  }
0x5e: {  	_ =	swait.ge [sflag:s14], $0x2800  }
0x5f: {  	[sflag:s14] =	ssyncset.done $0x0  }
0x60: {  	[sflag:s14] =	ssyncadd.s32 $0xFFFFD800  }
0x61: {  	[spmem:s2] =	stream.indirect.scatter.add.f32 [tilespmem:s7], [sflag:$0x3], $0x80, s4, s29, $0xb8;
	[tilespmem:$0x1D140] =	vst v63  }
0x62: {  	s17 =	simm.s32 $0x14;
	_ =	swait.ge [sflag:s25], $0x2800  }
0x63: {  	s18 =	simm.s32 $0x28;
	s16 =	sadd.s32 $0xA0, s8;
	[sflag:s25] =	ssyncset.done $0x0  }
.LBB2_2:
0x64: {  	s20 =	sadd.s32 s17, s23  }
0x65: {  	[sflag:s25] =	ssyncadd.s32 $0xFFFFD800;
	s8 =	smov.u32 s18;
	s19 =	sadd.s32 $0x14, s18  }
0x66: {  	[tilespmem:s31], [sflag:$0x4] =	stream.linear.gather [hbm4b:s20+s3], $0x50, $0x38;
	[tilespmem:$0x1D140] =	vst v63  }
0x67: {  	p0 =	sne.s32 s18, $0x4C4;
	_ =	swait.ge [sflag:s0], $0x50  }
0x68: {  	[sflag:s0] =	ssyncset.done $0x0  }
0x69: {  	s18 =	sadd.s32 s17, s22;
	s17 =	smov.u32 s8;
	[sflag:s0] =	ssyncadd.s32 $0xFFFFFFB0  }
0x6a: {  	[tilespmem:s4], [sflag:$0x4] =	stream.linear.gather [hbm4b:s18+s3], $0x50, $0x38;
	[tilespmem:$0x1D140] =	vst v63  }
0x6b: {  	_ =	swait.ge [sflag:s0], $0x50  }
0x6c: {  	[sflag:s0] =	ssyncset.done $0x0  }
0x6d: {  	[sflag:s0] =	ssyncadd.s32 $0xFFFFFFB0  }
0x6e: {  	[tilespmem:s7], [sflag:$0x2] =	stream.indirect.gather [hbm4b:s5+s29], $0x80, s31, s29, $0xb8;
	[tilespmem:$0x1D140] =	vst v63  }
0x6f: {  	_ =	swait.ge [sflag:s13], $0x2800  }
0x70: {  	[sflag:s13] =	ssyncset.done $0x0  }
0x71: {  	[sflag:s13] =	ssyncadd.s32 $0xFFFFD800  }
0x72: {  	[spmem:s2] =	stream.indirect.scatter.add.f32 [tilespmem:s30], [sflag:$0x4], $0x80, s28, s29, $0xb8;
	[tilespmem:$0x1D140] =	vst v63  }
0x73: {  	_ =	swait.ge [sflag:s0], $0x2800  }
0x74: {  	s8 =	sshrl.u32 s16, $0x3;
	[sflag:s0] =	ssyncset.done $0x0  }
0x75: {  	s18 =	sadd.s32 s6, s8;
	[sflag:s0] =	ssyncadd.s32 $0xFFFFD800  }
0x76: {  	[tilespmem:s26], [sflag:$0x4] =	stream.linear.gather [hbm4b:s18+s3], $0x50, $0x38;
	[tilespmem:$0x1D140] =	vst v63  }
0x77: {  	_ =	swait.ge [sflag:s0], $0x50  }
0x78: {  	[sflag:s0] =	ssyncset.done $0x0  }
0x79: {  	s8 =	sadd.s32 s1, s8;
	[sflag:s0] =	ssyncadd.s32 $0xFFFFFFB0  }
0x7a: {  	[tilespmem:s28], [sflag:$0x4] =	stream.linear.gather [hbm4b:s8+s3], $0x50, $0x38;
	[tilespmem:$0x1D140] =	vst v63  }
0x7b: {  	_ =	swait.ge [sflag:s0], $0x50  }
0x7c: {  	[sflag:s0] =	ssyncset.done $0x0  }
0x7d: {  	[sflag:s0] =	ssyncadd.s32 $0xFFFFFFB0  }
0x7e: {  	[tilespmem:s30], [sflag:$0x1] =	stream.indirect.gather [hbm4b:s5+s29], $0x80, s26, s29, $0xb8;
	[tilespmem:$0x1D140] =	vst v63  }
0x7f: {  	_ =	swait.ge [sflag:s14], $0x2800  }
.Ltmp0:
0x80: {  	[sflag:s14] =	ssyncset.done $0x0;
	(pc) =	sbr.rel @p0 .LBB2_2-.Ltmp0, $4  }
0x81: {  	[sflag:s14] =	ssyncadd.s32 $0xFFFFD800  }
0x82: {  	[spmem:s2] =	stream.indirect.scatter.add.f32 [tilespmem:s7], [sflag:$0x3], $0x80, s4, s29, $0xb8;
	[tilespmem:$0x1D140] =	vst v63  }
0x83: {  	_ =	swait.ge [sflag:s25], $0x2800  }
0x84: {  	s16 =	sadd.s32 $0xA0, s16;
	s18 =	smov.u32 s19;
	[sflag:s25] =	ssyncset.done $0x0  }
0x85: {  	s8 =	sadd.s32 s17, s23;
	[sflag:s25] =	ssyncadd.s32 $0xFFFFD800  }
0x86: {  	[tilespmem:s31], [sflag:$0x4] =	stream.linear.gather [hbm4b:s8+s3], $0x50, $0x38;
	[tilespmem:$0x1D140] =	vst v63  }
0x87: {  	_ =	swait.ge [sflag:s0], $0x50  }
0x88: {  	[sflag:s0] =	ssyncset.done $0x0  }
0x89: {  	s18 =	sadd.s32 s17, s22;
	[sflag:s0] =	ssyncadd.s32 $0xFFFFFFB0  }
0x8a: {  	[tilespmem:s4], [sflag:$0x4] =	stream.linear.gather [hbm4b:s18+s3], $0x50, $0x38;
	[tilespmem:$0x1D140] =	vst v63  }
0x8b: {  	_ =	swait.ge [sflag:s0], $0x50  }
0x8c: {  	[sflag:s0] =	ssyncset.done $0x0  }
0x8d: {  	[sflag:s0] =	ssyncadd.s32 $0xFFFFFFB0  }
0x8e: {  	[tilespmem:s7], [sflag:$0x2] =	stream.indirect.gather [hbm4b:s5+s29], $0x80, s31, s29, $0xb8;
	[tilespmem:$0x1D140] =	vst v63  }
0x8f: {  	_ =	swait.ge [sflag:s13], $0x2800  }
0x90: {  	[sflag:s13] =	ssyncset.done $0x0  }
0x91: {  	[sflag:s13] =	ssyncadd.s32 $0xFFFFD800  }
0x92: {  	[spmem:s2] =	stream.indirect.scatter.add.f32 [tilespmem:s30], [sflag:$0x4], $0x80, s28, s29, $0xb8;
	[tilespmem:$0x1D140] =	vst v63  }
0x93: {  	_ =	swait.ge [sflag:s0], $0x2800  }
0x94: {  	s19 =	sshrl.u32 s16, $0x3;
	[sflag:s0] =	ssyncset.done $0x0  }
0x95: {  	s16 =	sadd.s32 s6, s19;
	[sflag:s0] =	ssyncadd.s32 $0xFFFFD800  }
0x96: {  	[tilespmem:s26], [sflag:$0x4] =	stream.linear.gather [hbm4b:s16+s3], $0x50, $0x38;
	[tilespmem:$0x1D140] =	vst v63  }
0x97: {  	_ =	swait.ge [sflag:s0], $0x50  }
0x98: {  	[sflag:s0] =	ssyncset.done $0x0  }
0x99: {  	s8 =	sadd.s32 s1, s19;
	[sflag:s0] =	ssyncadd.s32 $0xFFFFFFB0  }
0x9a: {  	[tilespmem:s28], [sflag:$0x4] =	stream.linear.gather [hbm4b:s8+s3], $0x50, $0x38;
	[tilespmem:$0x1D140] =	vst v63  }
0x9b: {  	_ =	swait.ge [sflag:s0], $0x50  }
0x9c: {  	[sflag:s0] =	ssyncset.done $0x0  }
0x9d: {  	[sflag:s0] =	ssyncadd.s32 $0xFFFFFFB0  }
0x9e: {  	[tilespmem:s30], [sflag:$0x1] =	stream.indirect.gather [hbm4b:s5+s29], $0x80, s26, s29, $0xb8;
	[tilespmem:$0x1D140] =	vst v63  }
0x9f: {  	_ =	swait.ge [sflag:s14], $0x2800  }
0xa0: {  	[sflag:s14] =	ssyncset.done $0x0  }
0xa1: {  	[sflag:s14] =	ssyncadd.s32 $0xFFFFD800  }
0xa2: {  	[spmem:s2] =	stream.indirect.scatter.add.f32 [tilespmem:s7], [sflag:$0x3], $0x80, s4, s29, $0xb8;
	[tilespmem:$0x1D140] =	vst v63  }
0xa3: {  	_ =	swait.ge [sflag:s25], $0x2800  }
0xa4: {  	[sflag:s25] =	ssyncset.done $0x0  }
0xa5: {  	[sflag:s25] =	ssyncadd.s32 $0xFFFFD800  }
0xa6: {  	_ =	swait.ge [sflag:s13], $0x2800  }
0xa7: {  	[sflag:s13] =	ssyncset.done $0x0  }
0xa8: {  	[sflag:s13] =	ssyncadd.s32 $0xFFFFD800  }
0xa9: {  	[spmem:s2] =	stream.indirect.scatter.add.f32 [tilespmem:s30], [sflag:$0x4], $0x80, s28, s29, $0xb8;
	[tilespmem:$0x1D140] =	vst v63  }
0xaa: {  	_ =	swait.ge [sflag:s0], $0x2800  }
0xab: {  	[sflag:s0] =	ssyncset.done $0x0  }
0xac: {  	[sflag:s0] =	ssyncadd.s32 $0xFFFFD800  }
0xad: {  	[bflag:$0x0] =	sbarrier.arrive $0xFFFF  }
0xae: {  	[tilespmem:s24], [sflag:$0x3] =	stream.linear.gather [spmem:s9], $0x4000, $0x38;
	[tilespmem:$0x1D140] =	vst v63  }
0xaf: {  	_ =	swait.ge [sflag:s25], $0x4000  }
0xb0: {  	[sflag:s25] =	ssyncset.done $0x0  }
0xb1: {  	s20 =	rddreg [dreg:$0x7];
	[sflag:s25] =	ssyncadd.s32 $0xFFFFC000  }
0xb2: {  	[hbm4b:s20+s3] =	stream.linear.scatter [tilespmem:s24], [sflag:$0x3], $0x4000, $0x38;
	[tilespmem:$0x1D140] =	vst v63  }
0xb3: {  	_ =	swait.ge [sflag:s25], $0x4000  }
0xb4: {  	[sflag:s25] =	ssyncset.done $0x0  }
0xb5: {  	[sflag:s25] =	ssyncadd.s32 $0xFFFFC000  }
0xb6: {  	[tilespmem:s24], [sflag:$0x3] =	stream.linear.gather [spmem:s10], $0x4000, $0x38;
	[tilespmem:$0x1D140] =	vst v63  }
0xb7: {  	_ =	swait.ge [sflag:s25], $0x4000  }
0xb8: {  	[sflag:s25] =	ssyncset.done $0x0  }
0xb9: {  	s16 =	smov.u32 s9;
	s9 =	rddreg [dreg:$0x8];
	[sflag:s25] =	ssyncadd.s32 $0xFFFFC000  }
0xba: {  	[hbm4b:s9+s3] =	stream.linear.scatter [tilespmem:s24], [sflag:$0x3], $0x4000, $0x38;
	[tilespmem:$0x1D140] =	vst v63  }
0xbb: {  	_ =	swait.ge [sflag:s25], $0x4000  }
0xbc: {  	[sflag:s25] =	ssyncset.done $0x0  }
0xbd: {  	[sflag:s25] =	ssyncadd.s32 $0xFFFFC000  }
0xbe: {  	[tilespmem:s24], [sflag:$0x3] =	stream.linear.gather [spmem:s11], $0x4000, $0x38;
	[tilespmem:$0x1D140] =	vst v63  }
0xbf: {  	_ =	swait.ge [sflag:s25], $0x4000  }
0xc0: {  	[sflag:s25] =	ssyncset.done $0x0  }
0xc1: {  	s17 =	smov.u32 s10;
	s10 =	rddreg [dreg:$0x9];
	[sflag:s25] =	ssyncadd.s32 $0xFFFFC000  }
0xc2: {  	[hbm4b:s10+s3] =	stream.linear.scatter [tilespmem:s24], [sflag:$0x3], $0x4000, $0x38;
	[tilespmem:$0x1D140] =	vst v63  }
0xc3: {  	_ =	swait.ge [sflag:s25], $0x4000  }
0xc4: {  	[sflag:s25] =	ssyncset.done $0x0  }
0xc5: {  	[sflag:s25] =	ssyncadd.s32 $0xFFFFC000  }
0xc6: {  	[tilespmem:s24], [sflag:$0x3] =	stream.linear.gather [spmem:s12], $0x4000, $0x38;
	[tilespmem:$0x1D140] =	vst v63  }
0xc7: {  	_ =	swait.ge [sflag:s25], $0x4000  }
0xc8: {  	[sflag:s25] =	ssyncset.done $0x0  }
0xc9: {  	s18 =	smov.u32 s11;
	s11 =	rddreg [dreg:$0xa];
	[sflag:s25] =	ssyncadd.s32 $0xFFFFC000  }
0xca: {  	[hbm4b:s11+s3] =	stream.linear.scatter [tilespmem:s24], [sflag:$0x3], $0x4000, $0x38;
	[tilespmem:$0x1D140] =	vst v63  }
0xcb: {  	_ =	swait.ge [sflag:s25], $0x4000  }
0xcc: {  	[sflag:s25] =	ssyncset.done $0x0  }
0xcd: {  	[sflag:s25] =	ssyncadd.s32 $0xFFFFC000  }
0xce: {  	[tilespmem:s24], [sflag:$0x3] =	stream.linear.gather [spmem:s21], $0x4000, $0x38;
	[tilespmem:$0x1D140] =	vst v63  }
0xcf: {  	_ =	swait.ge [sflag:s25], $0x4000  }
0xd0: {  	[sflag:s25] =	ssyncset.done $0x0  }
0xd1: {  	s19 =	smov.u32 s12;
	s12 =	rddreg [dreg:$0xb];
	[sflag:s25] =	ssyncadd.s32 $0xFFFFC000  }
0xd2: {  	[hbm4b:s12+s3] =	stream.linear.scatter [tilespmem:s24], [sflag:$0x3], $0x4000, $0x38;
	[tilespmem:$0x1D140] =	vst v63  }
0xd3: {  	_ =	swait.ge [sflag:s25], $0x4000  }
0xd4: {  	s15 =	sadd.s32 $0x1, s15;
	s20 =	smov.u32 s21;
	s21 =	rddreg [dreg:$0xc]  }
0xd5: {  	p0 =	sne.s32 s15, s21  }
.Ltmp1:
0xd6: {  	_ = 	snop;
	(pc) =	sbr.rel @p0 .LBB2_1-.Ltmp1, $3  }
0xd7: {  	_ =	sdelay $0x1  }
0xd8: {  	[sflag:s25] =	ssyncset.done $0x0  }
0xd9: {  	[sflag:s25] =	ssyncadd.s32 $0xFFFFC000  }
0xda: {  	_ =	sfence.sel $0x180000  }
0xdb: {  	[bflag:$0x0] =	sbarrier.arrive $0xFFFF  }
0xdc: {  	_ =	strace $0x9000004A  }
0xdd: {  	s0 =	stileid.u32;
	[bflag:$0x2] =	sbarrier.arrive $0xFFFF  }
0xde: {  	p0 =	sne.s32 s0, $0x0;
	s0 =	rddreg [dreg:$0x3]  }
0xdf: {  	s0 =	sadd.s32 @!p0 $0x100000, s0  }
0xe0: {  	[sflag:s0] =	ssyncadd.tile.s32 @!p0 $0x1;
	_ =	shalt  }
.Lfunc_end2:
_tile_overlayer_lowered:
.L_overlay_start_2:
0xe1: {  	(tag) =	ssettag $0x2  }
0xe2: {  	s0 =	rddreg [dreg:$0x0];
	s2 =	stileid.u32  }
0xe3: {  	s1 =	rddreg [dreg:$0x1];
	p0 =	sne.s32 s2, $0x0  }
0xe4: {  	s3 =	rddreg [dreg:$0x2];
	[bflag:$0x3] =	sbarrier.arrive $0xFFFF;
	s2 =	simm.s32 @!p0 $0x1C03  }
0xe5: {  	[timem:s3], [sflag:s2] =	dma.local @!p0 [hbm:s0], s1  }
0xe6: {  	s0 =	simm.s32 @!p0 $0x3  }
0xe7: {  	_ =	swait.ge @!p0 [sflag:s0], s1  }
0xe8: {  	s1 =	ssub.s32 @!p0 $0x0, s1;
	[sflag:s0] =	ssyncset.done @!p0 $0x0  }
0xe9: {  	[sflag:s0] =	ssyncadd.s32 @!p0 s1  }
0xea: {  	[bflag:$0x3] =	sbarrier.arrive $0xFFFF  }
0xeb: {  	_ =	shalt  }

// kernel: kernel.14.cloned.1.call-start
scs
__scs_entry_jumppad:
0x0: {  	(pc) =	sbr.rel $0x88, $3  }
0x1: {  	(tag) =	ssettag $0x0;
	lr =	simm.s32 $0x1  }
0x2: {  	[smem:$0x3F96] =	sst lr;
	_ =	strace $0xD0000000  }
0x3: {  	_ = 	snop  }
0x4: {  	_ = 	snop  }
0x5: {  	_ = 	snop  }
0x6: {  	_ = 	snop  }
0x7: {  	_ = 	snop  }
__scs_overlays_trampoline_lowered:
0x8: {  	[smem:$0x3FA5] =	sst s0  }
0x9: {  	[smem:$0x3FA6] =	sst s1  }
0xa: {  	[smem:$0x3FA7] =	sst s2  }
0xb: {  	[smem:$0x3FA8] =	sst s3  }
0xc: {  	[smem:$0x3FA9] =	sst s4  }
0xd: {  	[smem:$0x3FAA] =	sst s5  }
0xe: {  	[smem:$0x3FAB] =	sst s6  }
0xf: {  	[smem:$0x3FAC] =	sst s7  }
0x10: {  	[smem:$0x3FAD] =	sst s8  }
0x11: {  	[smem:$0x3FAE] =	sst s9;
	s0 =	simm.s32 @!p0 $0x0  }
0x12: {  	s1 =	sld [smem:$0x3F94];
	s0 =	simm.s32 @p0 $0x1  }
0x13: {  	[smem:$0x3FAF] =	sst s0;
	s0 =	simm.s32 @!p1 $0x0  }
0x14: {  	s2 =	sld [smem:$0x3F93];
	s0 =	simm.s32 @p1 $0x1  }
0x15: {  	[smem:$0x3FB0] =	sst s0;
	s0 =	simm.s32 @!p2 $0x0  }
0x16: {  	s3 =	sld [smem:$0x3FDB];
	s0 =	simm.s32 @p2 $0x1  }
0x17: {  	s4 =	simm.s32 $0x1BF5;
	[smem:$0x3FB2] =	sst s0  }
0x18: {  	s0 =	sld [smem:$0x3F95];
	_ =	swait.ge [sflag:s4], $0x0  }
0x19: {  	s7 =	sld [smem:$0x3F96]  }
0x1a: {  	s8 =	sadd.s32 $0xFFFFE003, lr  }
0x1b: {  	s9 =	sadd.s32 $0xFFFFFEF7, lr;
	s5 =	simm.s32 $0xFFFFFFFF;
	p2 =	slt.u32 s8, $0xFFFFF086  }
0x1c: {  	p1 =	slt.u32 s9, $0xF7A;
	s5 =	simm.s32 @!p2 $0x0  }
0x1d: {  	s5 =	simm.s32 @p1 $0x1;
	p0 =	seq.s32 s7, s2  }
0x1e: {  	s7 =	smul.u32 @!p0 $0xF7A, s2;
	p2 =	seq.s32 @!p0 s5, $0x0  }
0x1f: {  	s9 =	smul.u32 $0xF7A, s1;
	s8 =	simm.s32 @!p0 $0x1BF5;
	p2 =	por !p2, p0  }
0x20: {  	[sflag:s8] =	ssyncset.s32 @!p0 $0xFFFFF086;
	s6 =	sadd.s32 @!p0 s3, s7;
	s7 =	simm.s32 @!p0 $0x108  }
0x21: {  	s3 =	sadd.s32 s3, s9;
	s6 =	sadd.s32 @!p0 $0x88, s6;
	s7 =	simm.s32 @p2 $0x1082  }
0x22: {  	[simem:s7], [sflag:s8] =	dma.local @!p0 [hbm:s6], $0xF7A  }
0x23: {  	s9 =	sor.u32 $0xD0000000, s2;
	s6 =	simm.s32 $0x108;
	_ =	swait.ge @!p0 [sflag:s8], $0x0  }
0x24: {  	s3 =	sadd.s32 $0x88, s3;
	s6 =	simm.s32 @!p1 $0x1082;
	[sflag:s4] =	ssyncset.s32 $0xFFFFF086  }
0x25: {  	[simem:s6], [sflag:s4] =	dma.local [hbm:s3], $0xF7A  }
0x26: {  	[smem:$0x3F96] =	sst s1;
	(tag) =	ssettag s2;
	_ =	strace s9  }
0x27: {  	s1 =	sld [smem:$0x3FA6]  }
0x28: {  	s2 =	sld [smem:$0x3FA7]  }
0x29: {  	s4 =	sld [smem:$0x3FA9]  }
0x2a: {  	p0 =	seq.s32 s5, $0x0;
	s5 =	sld [smem:$0x3FAA]  }
0x2b: {  	s6 =	sld [smem:$0x3FAB]  }
0x2c: {  	s7 =	sld [smem:$0x3FAC]  }
0x2d: {  	s3 =	simm.s32 $0x108;
	s8 =	sld [smem:$0x3FAD]  }
0x2e: {  	s3 =	simm.s32 @!p0 $0x1082;
	s9 =	sld [smem:$0x3FAE]  }
0x2f: {  	lr =	sadd.s32 s0, s3;
	s0 =	sld [smem:$0x3FA5]  }
0x30: {  	s3 =	sld [smem:$0x3FA8]  }
0x31: {  	[smem:$0x3FB1] =	sst s10  }
0x32: {  	s10 =	sld [smem:$0x3FAF];
	_ =	sdelay $0x3  }
0x33: {  	p0 =	seq.s32 s10, $0x1;
	s10 =	sld [smem:$0x3FB1];
	_ =	sdelay $0x3  }
0x34: {  	[smem:$0x3FB1] =	sst s10  }
0x35: {  	s10 =	sld [smem:$0x3FB0];
	_ =	sdelay $0x3  }
0x36: {  	p1 =	seq.s32 s10, $0x1;
	s10 =	sld [smem:$0x3FB1];
	_ =	sdelay $0x3  }
0x37: {  	[smem:$0x3FB1] =	sst s10  }
0x38: {  	s10 =	sld [smem:$0x3FB2]  }
0x39: {  	_ = 	snop;
	(pc) =	sbr.ind lr, $3  }
0x3a: {  	_ = 	snop  }
0x3b: {  	_ = 	snop  }
0x3c: {  	p2 =	seq.s32 s10, $0x1;
	s10 =	sld [smem:$0x3FB1]  }
0x3d: {  	_ =	shalt  }
0x3e: {  	_ =	shalt  }
0x3f: {  	_ =	shalt  }
0x40: {  	_ =	shalt  }
0x41: {  	_ =	shalt  }
0x42: {  	_ =	shalt  }
0x43: {  	_ =	shalt  }
0x44: {  	_ =	shalt  }
0x45: {  	_ =	shalt  }
0x46: {  	_ =	shalt  }
0x47: {  	_ =	shalt  }
0x48: {  	_ =	shalt  }
0x49: {  	_ =	shalt  }
0x4a: {  	_ =	shalt  }
0x4b: {  	_ =	shalt  }
0x4c: {  	_ =	shalt  }
0x4d: {  	_ =	shalt  }
0x4e: {  	_ =	shalt  }
0x4f: {  	_ =	shalt  }
0x50: {  	_ =	shalt  }
0x51: {  	_ =	shalt  }
0x52: {  	_ =	shalt  }
0x53: {  	_ =	shalt  }
0x54: {  	_ =	shalt  }
0x55: {  	_ =	shalt  }
0x56: {  	_ =	shalt  }
0x57: {  	_ =	shalt  }
0x58: {  	_ =	shalt  }
0x59: {  	_ =	shalt  }
0x5a: {  	_ =	shalt  }
0x5b: {  	_ =	shalt  }
0x5c: {  	_ =	shalt  }
0x5d: {  	_ =	shalt  }
0x5e: {  	_ =	shalt  }
0x5f: {  	_ =	shalt  }
0x60: {  	_ =	shalt  }
0x61: {  	_ =	shalt  }
0x62: {  	_ =	shalt  }
0x63: {  	_ =	shalt  }
0x64: {  	_ =	shalt  }
0x65: {  	_ =	shalt  }
0x66: {  	_ =	shalt  }
0x67: {  	_ =	shalt  }
0x68: {  	_ =	shalt  }
0x69: {  	_ =	shalt  }
0x6a: {  	_ =	shalt  }
0x6b: {  	_ =	shalt  }
0x6c: {  	_ =	shalt  }
0x6d: {  	_ =	shalt  }
0x6e: {  	_ =	shalt  }
0x6f: {  	_ =	shalt  }
0x70: {  	_ =	shalt  }
0x71: {  	_ =	shalt  }
0x72: {  	_ =	shalt  }
0x73: {  	_ =	shalt  }
0x74: {  	_ =	shalt  }
0x75: {  	_ =	shalt  }
0x76: {  	_ =	shalt  }
0x77: {  	_ =	shalt  }
0x78: {  	_ =	shalt  }
0x79: {  	_ =	shalt  }
0x7a: {  	_ =	shalt  }
0x7b: {  	_ =	shalt  }
0x7c: {  	_ =	shalt  }
0x7d: {  	_ =	shalt  }
0x7e: {  	_ =	shalt  }
0x7f: {  	_ =	shalt  }
0x80: {  	_ =	shalt  }
0x81: {  	_ =	shalt  }
0x82: {  	_ =	shalt  }
0x83: {  	_ =	shalt  }
0x84: {  	_ =	shalt  }
0x85: {  	_ =	shalt  }
0x86: {  	_ =	shalt  }
0x87: {  	_ =	shalt  }
.Lfunc_end0:
.L_simem_size_0:
called_computation.2_lowered:
.L_overlay_start_0:
0x88: {  	s2 =	sld [smem:$0x3FD9]  }
0x89: {  	s3 =	sld [smem:$0x3FFE];
	_ =	sdelay $0x1  }
0x8a: {  	s1 =	srdreg.scid  }
0x8b: {  	s0 =	sand.u32 $0x1, s1  }
0x8c: {  	s17 =	sshll.u32 s0, $0xA;
	s2 =	sadd.s32 s3, s2  }
0x8d: {  	s2 =	sadd.s32 s2, s17  }
0x8e: {  	[smem:$0x3FBD] =	sst s2  }
0x8f: {  	_ = 	snop  }
0x90: {  	s2 =	sld [smem:$0x3FD0];
	(tm) =	ssettm $0x1  }
0x91: {  	s18 =	sld [smem:$0x3FFB];
	_ =	sdelay $0x3  }
0x92: {  	_ =	strace s18  }
0x93: {  	s3 =	sld [smem:$0x3FFC];
	_ =	sdelay $0x3  }
0x94: {  	_ =	strace s3  }
0x95: {  	s3 =	sld [smem:$0x3FFD];
	_ =	sdelay $0x3  }
0x96: {  	_ =	strace s3  }
0x97: {  	_ =	strace $0x8FFFFFFF  }
0x98: {  	s19 =	sld [smem:$0x3FDB];
	_ =	sdelay $0x1  }
0x99: {  	s4 =	simm.s32 $_scs_section_size  }
0x9a: {  	s5 =	simm.s32 $_size__tile_overlayer_lowered;
	s6 =	simm.s32 $_tile_overlayer_lowered  }
0x9b: {  	s22 =	simm.s32 $0x1BFF;
	s21 =	sshll.u32 s6, $0x1;
	s3 =	sadd.s32 s4, s19  }
0x9c: {  	s7 =	simm.s32 $0x0;
	s20 =	sshll.u32 s5, $0x1;
	s5 =	sadd.s32 s21, s3  }
0x9d: {  	[timem:s7], [sflag:s22] =	dma.local [hbm:s5], s20  }
0x9e: {  	_ =	swait.ge [sflag:s22], s20  }
0x9f: {  	s4 =	ssub.s32 $0x0, s20;
	[sflag:s22] =	ssyncset.done $0x0  }
0xa0: {  	[sflag:s22] =	ssyncadd.s32 s4;
	_ =	sdelay $0x1  }
0xa1: {  	s23 =	simm.s32 $0x1B8B  }
0xa2: {  	_ =	swait.ge [sflag:s23], $0x1  }
0xa3: {  	[sflag:s23] =	ssyncset.done $0x0  }
0xa4: {  	s25 =	simm.s32 $0x1B8E;
	s24 =	sld [smem:$0x3FFE];
	[sflag:s23] =	ssyncadd.s32 $0xFFFFFFFF  }
0xa5: {  	s26 =	simm.s32 $execute0_lowered;
	[smem:$0x3FD2] =	sst s25  }
0xa6: {  	s5 =	sshll.u32 s26, $0x1;
	_ =	strace $0x8000004C;
	[dreg:$0x1] =	wrdreg $0xFFFFFFFF  }
0xa7: {  	s28 =	simm.s32 $_size_execute0_lowered;
	s3 =	sadd.s32 s3, s5;
	[dreg:$0x0] =	wrdreg $0x0  }
0xa8: {  	s5 =	sshll.u32 s28, $0x1;
	[dreg:$0x2] =	wrdreg s3  }
0xa9: {  	[dreg:$0x3] =	wrdreg s5  }
0xaa: {  	[dreg:$0x4] =	wrdreg $0xC0  }
0xab: {  	_ =	task [dreg:s7], $0x5FFFF  }
0xac: {  	[dreg:$0x1] =	wrdreg $0xFFFFFFFF  }
0xad: {  	[dreg:$0x0] =	wrdreg $0x60  }
0xae: {  	[dreg:$0x2] =	wrdreg s24  }
0xaf: {  	[dreg:$0x3] =	wrdreg s2  }
0xb0: {  	[dreg:$0x4] =	wrdreg $0x0  }
0xb1: {  	[dreg:$0x5] =	wrdreg $0x9  }
0xb2: {  	_ =	task.clear_ibuf [dreg:s7], $0x6FFFF;
	_ =	strace $0x9000004C  }
0xb3: {  	s29 =	simm.s32 $0x9;
	_ =	strace $0x8000004E  }
0xb4: {  	_ =	swait.ge [sflag:s29], $0x1  }
0xb5: {  	[sflag:s29] =	ssyncadd.s32 $0xFFFFFFFF  }
0xb6: {  	_ =	strace $0x9000004E  }
0xb7: {  	_ =	sfence  }
0xb8: {  	s30 =	sld [smem:$0x0];
	_ =	sdelay $0x2  }
0xb9: {  	s31 =	sshll.u32 s1, $0xD;
	s1 =	sshrl.u32 s1, $0x2  }
0xba: {  	s3 =	sand.u32 $0x4000, s31;
	s1 =	sadd.s32 s1, s30  }
0xbb: {  	s0 =	sor.u32 s3, s0;
	s1 =	sshll.u32 s1, $0x11  }
0xbc: {  	s0 =	sor.u32 s1, s0  }
0xbd: {  	s0 =	sadd.s32 $0x8F2B, s0  }
0xbe: {  	[sflag:s0] =	ssyncadd.remote.s32 $0x1  }
0xbf: {  	_ =	sfence.sel $0xFFFF  }
0xc0: {  	[dreg:$0x0] =	wrdreg $0xFFFFFFFF;
	(pc) =	sbr.abs _section_cstart, $3  }
0xc1: {  	[dreg:$0x1] =	wrdreg $0xFFFFFFFF  }
0xc2: {  	_ =	task.clear_ibuf [dreg:s7], $0x2FFFF;
	_ =	strace $0x9FFFFFFF  }
0xc3: {  	(tm) =	ssettm $0x7FFFFFFF  }
tec
execute0_lowered:
.L_overlay_start_1:
0x0: {  	(tag) =	ssettag $0x1  }
0x1: {  	s0 =	rddreg [dreg:$0x0]  }
0x2: {  	s1 =	rddreg [dreg:$0x1]  }
0x3: {  	s2 =	rddreg [dreg:$0x2];
	s3 =	simm.s32 $0x0  }
0x4: {  	s4 =	srdreg.scid;
	s20 =	stileid.u32;
	s28 =	simm.s32 $0x1D0A0  }
0x5: {  	s29 =	simm.s32 $0x50;
	s30 =	simm.s32 $0x18000;
	s31 =	simm.s32 $0x1D050  }
0x6: {  	[smem:$0x7FF] =	sst s3;
	s5 =	sadd.s32 $0xCA00, s0;
	s6 =	sadd.s32 $0x2C00, s0  }
0x7: {  	s4 =	sand.u32 $0x1, s4;
	s7 =	sadd.s32 $0x35000, s0;
	s12 =	smul.u32 $0x14000, s20  }
0x8: {  	s9 =	sshll.u32 s20, $0x1;
	s0 =	sadd.s32 $0x35800, s0;
	s26 =	smul.u32 $0x4E20, s20  }
0x9: {  	_ =	strace $0x8000004D;
	[dreg:$0x4] =	wrdreg s7;
	s17 =	smul.u32 $0x140000, s4  }
0xa: {  	s19 =	ssub.s32 $0x2, s4;
	s21 =	sor.u32 s4, s9;
	s4 =	smul.u32 $0x2710, s4  }
0xb: {  	s8 =	sshrl.u32 s19, $0x1;
	s13 =	smul.u32 $0x2710, s21;
	s14 =	sadd.s32 $0x4000, s12  }
0xc: {  	s15 =	sadd.s32 $0x8000, s12;
	s16 =	sadd.s32 $0xC000, s12;
	s18 =	sadd.s32 $0x10000, s12  }
0xd: {  	s7 =	ssub.s32 s19, s8;
	s8 =	sadd.s32 s12, s2;
	s9 =	sadd.s32 s14, s2  }
0xe: {  	s10 =	sadd.s32 s15, s2;
	s11 =	sadd.s32 s16, s2;
	s19 =	sadd.s32 s12, s17  }
0xf: {  	s22 =	sadd.s32 s18, s2;
	s24 =	sadd.s32 s17, s14;
	s25 =	sadd.s32 s17, s15  }
0x10: {  	s4 =	sadd.s32 s4, s26;
	s15 =	simm.s32 $0x0;
	s13 =	sshrl.u32 s13, $0x3  }
0x11: {  	s19 =	sshrl.u32 s19, $0x3;
	s20 =	smov.u32 s22;
	s7 =	smax.u32 s7, $0x1  }
0x12: {  	s26 =	sadd.s32 $0x50, s4;
	s4 =	sadd.s32 $0xA0, s4;
	[dreg:$0xc] =	wrdreg s7  }
0x13: {  	s21 =	sadd.s32 s6, s13;
	s13 =	sadd.s32 s1, s13;
	[dreg:$0xd] =	wrdreg s4  }
0x14: {  	s23 =	sadd.s32 s0, s19;
	s19 =	smov.u32 s11;
	[dreg:$0x5] =	wrdreg s21  }
0x15: {  	s4 =	simm.s32 $0x1D0F0;
	s7 =	simm.s32 $0x1A800;
	[dreg:$0x6] =	wrdreg s13  }
0x16: {  	[dreg:$0x7] =	wrdreg s23;
	s13 =	sshrl.u32 s24, $0x3;
	s21 =	sshrl.u32 s25, $0x3  }
0x17: {  	s23 =	sadd.s32 s17, s16;
	s16 =	smov.u32 s8;
	s24 =	sadd.s32 s17, s18  }
0x18: {  	s18 =	smov.u32 s10;
	s17 =	smov.u32 s9;
	s13 =	sadd.s32 s0, s13  }
0x19: {  	s22 =	sadd.s32 s0, s21;
	[dreg:$0x8] =	wrdreg s13;
	s13 =	sshrl.u32 s23, $0x3  }
0x1a: {  	s14 =	sshrl.u32 s24, $0x3;
	[dreg:$0x9] =	wrdreg s22;
	s25 =	sadd.s32 s0, s13  }
0x1b: {  	s24 =	simm.s32 $0x14000;
	s0 =	sadd.s32 s0, s14;
	[dreg:$0xa] =	wrdreg s25  }
0x1c: {  	s13 =	simm.s32 $0x1;
	s14 =	simm.s32 $0x2;
	[dreg:$0xb] =	wrdreg s0  }
0x1d: {  	s0 =	sshrl.u32 s26, $0x3;
	s25 =	simm.s32 $0x3;
	s26 =	simm.s32 $0x1D000  }
0x1e: {  	s22 =	sadd.s32 s0, s1;
	s23 =	sadd.s32 s0, s6;
	s0 =	simm.s32 $0x4  }
.LBB2_1:
0x1f: {  	s8 =	rddreg [dreg:$0x4]  }
0x20: {  	[tilespmem:s24], [sflag:$0x3] =	stream.linear.gather [hbm4b:s8+s3], $0x4000, $0x38;
	[tilespmem:$0x1D140] =	vst v63  }
0x21: {  	_ =	swait.ge [sflag:s25], $0x4000  }
0x22: {  	[sflag:s25] =	ssyncset.done $0x0  }
0x23: {  	[sflag:s25] =	ssyncadd.s32 $0xFFFFC000  }
0x24: {  	[spmem:s16] =	stream.linear.scatter [tilespmem:s24], [sflag:$0x3], $0x4000, $0x38;
	[tilespmem:$0x1D140] =	vst v63  }
0x25: {  	_ =	swait.ge [sflag:s25], $0x4000  }
0x26: {  	[sflag:s25] =	ssyncset.done $0x0  }
0x27: {  	[sflag:s25] =	ssyncadd.s32 $0xFFFFC000  }
0x28: {  	[spmem:s17] =	stream.linear.scatter [tilespmem:s24], [sflag:$0x3], $0x4000, $0x38;
	[tilespmem:$0x1D140] =	vst v63  }
0x29: {  	_ =	swait.ge [sflag:s25], $0x4000  }
0x2a: {  	[sflag:s25] =	ssyncset.done $0x0  }
0x2b: {  	[sflag:s25] =	ssyncadd.s32 $0xFFFFC000  }
0x2c: {  	[spmem:s18] =	stream.linear.scatter [tilespmem:s24], [sflag:$0x3], $0x4000, $0x38;
	[tilespmem:$0x1D140] =	vst v63  }
0x2d: {  	_ =	swait.ge [sflag:s25], $0x4000  }
0x2e: {  	[sflag:s25] =	ssyncset.done $0x0  }
0x2f: {  	[sflag:s25] =	ssyncadd.s32 $0xFFFFC000  }
0x30: {  	[spmem:s19] =	stream.linear.scatter [tilespmem:s24], [sflag:$0x3], $0x4000, $0x38;
	[tilespmem:$0x1D140] =	vst v63  }
0x31: {  	_ =	swait.ge [sflag:s25], $0x4000  }
0x32: {  	[sflag:s25] =	ssyncset.done $0x0  }
0x33: {  	[sflag:s25] =	ssyncadd.s32 $0xFFFFC000  }
0x34: {  	[spmem:s20] =	stream.linear.scatter [tilespmem:s24], [sflag:$0x3], $0x4000, $0x38;
	[tilespmem:$0x1D140] =	vst v63  }
0x35: {  	_ =	swait.ge [sflag:s25], $0x4000  }
0x36: {  	[sflag:s25] =	ssyncset.done $0x0  }
0x37: {  	[sflag:s25] =	ssyncadd.s32 $0xFFFFC000  }
0x38: {  	[bflag:$0x0] =	sbarrier.arrive $0xFFFF  }
0x39: {  	s21 =	smov.u32 s20;
	s20 =	rddreg [dreg:$0x5]  }
0x3a: {  	[tilespmem:s26], [sflag:$0x3] =	stream.linear.gather [hbm4b:s20+s3], $0x50, $0x38;
	[tilespmem:$0x1D140] =	vst v63  }
0x3b: {  	_ =	swait.ge [sflag:s25], $0x50  }
0x3c: {  	[sflag:s25] =	ssyncset.done $0x0  }
0x3d: {  	s9 =	smov.u32 s16;
	s16 =	rddreg [dreg:$0x6];
	[sflag:s25] =	ssyncadd.s32 $0xFFFFFFB0  }
0x3e: {  	[tilespmem:s28], [sflag:$0x3] =	stream.linear.gather [hbm4b:s16+s3], $0x50, $0x38;
	[tilespmem:$0x1D140] =	vst v63  }
0x3f: {  	_ =	swait.ge [sflag:s25], $0x50  }
0x40: {  	[sflag:s25] =	ssyncset.done $0x0  }
0x41: {  	[sflag:s25] =	ssyncadd.s32 $0xFFFFFFB0  }
0x42: {  	[tilespmem:s30], [sflag:$0x1] =	stream.indirect.gather [hbm4b:s5+s29], $0x80, s26, s29, $0xb8;
	[tilespmem:$0x1D140] =	vst v63  }
0x43: {  	s10 =	smov.u32 s17;
	s17 =	sadd.s32 $0x0, s23  }
0x44: {  	[tilespmem:s31], [sflag:$0x4] =	stream.linear.gather [hbm4b:s17+s3], $0x50, $0x38;
	[tilespmem:$0x1D140] =	vst v63  }
0x45: {  	_ =	swait.ge [sflag:s0], $0x50  }
0x46: {  	[sflag:s0] =	ssyncset.done $0x0  }
0x47: {  	s11 =	smov.u32 s18;
	s18 =	sadd.s32 $0x0, s22;
	[sflag:s0] =	ssyncadd.s32 $0xFFFFFFB0  }
0x48: {  	[tilespmem:s4], [sflag:$0x4] =	stream.linear.gather [hbm4b:s18+s3], $0x50, $0x38;
	[tilespmem:$0x1D140] =	vst v63  }
0x49: {  	_ =	swait.ge [sflag:s0], $0x50  }
0x4a: {  	[sflag:s0] =	ssyncset.done $0x0  }
0x4b: {  	[sflag:s0] =	ssyncadd.s32 $0xFFFFFFB0  }
0x4c: {  	[tilespmem:s7], [sflag:$0x2] =	stream.indirect.gather [hbm4b:s5+s29], $0x80, s31, s29, $0xb8;
	[tilespmem:$0x1D140] =	vst v63  }
0x4d: {  	_ =	swait.ge [sflag:s13], $0x2800  }
0x4e: {  	[sflag:s13] =	ssyncset.done $0x0  }
0x4f: {  	[sflag:s13] =	ssyncadd.s32 $0xFFFFD800  }
0x50: {  	[spmem:s2] =	stream.indirect.scatter.add.f32 [tilespmem:s30], [sflag:$0x4], $0x80, s28, s29, $0xb8;
	[tilespmem:$0x1D140] =	vst v63  }
0x51: {  	_ =	swait.ge [sflag:s0], $0x2800  }
0x52: {  	s8 =	rddreg [dreg:$0xd]  }
0x53: {  	s12 =	smov.u32 s19;
	[sflag:s0] =	ssyncset.done $0x0;
	s19 =	sshrl.u32 s8, $0x3  }
0x54: {  	[sflag:s0] =	ssyncadd.s32 $0xFFFFD800;
	s20 =	sadd.s32 s6, s19  }
0x55: {  	[tilespmem:s26], [sflag:$0x4] =	stream.linear.gather [hbm4b:s20+s3], $0x50, $0x38;
	[tilespmem:$0x1D140] =	vst v63  }
0x56: {  	_ =	swait.ge [sflag:s0], $0x50  }
0x57: {  	[sflag:s0] =	ssyncset.done $0x0  }
0x58: {  	s16 =	sadd.s32 s1, s19;
	[sflag:s0] =	ssyncadd.s32 $0xFFFFFFB0  }
0x59: {  	[tilespmem:s28], [sflag:$0x4] =	stream.linear.gather [hbm4b:s16+s3], $0x50, $0x38;
	[tilespmem:$0x1D140] =	vst v63  }
0x5a: {  	_ =	swait.ge [sflag:s0], $0x50  }
0x5b: {  	[sflag:s0] =	ssyncset.done $0x0  }
0x5c: {  	[sflag:s0] =	ssyncadd.s32 $0xFFFFFFB0  }
0x5d: {  	[tilespmem:s30], [sflag:$0x1] =	stream.indirect.gather [hbm4b:s5+s29], $0x80, s26, s29, $0xb8;
	[tilespmem:$0x1D140] =	vst v63  }
0x5e: {  	_ =	swait.ge [sflag:s14], $0x2800  }
0x5f: {  	[sflag:s14] =	ssyncset.done $0x0  }
0x60: {  	[sflag:s14] =	ssyncadd.s32 $0xFFFFD800  }
0x61: {  	[spmem:s2] =	stream.indirect.scatter.add.f32 [tilespmem:s7], [sflag:$0x3], $0x80, s4, s29, $0xb8;
	[tilespmem:$0x1D140] =	vst v63  }
0x62: {  	s17 =	simm.s32 $0x14;
	_ =	swait.ge [sflag:s25], $0x2800  }
0x63: {  	s18 =	simm.s32 $0x28;
	s16 =	sadd.s32 $0xA0, s8;
	[sflag:s25] =	ssyncset.done $0x0  }
.LBB2_2:
0x64: {  	s20 =	sadd.s32 s17, s23  }
0x65: {  	[sflag:s25] =	ssyncadd.s32 $0xFFFFD800;
	s8 =	smov.u32 s18;
	s19 =	sadd.s32 $0x14, s18  }
0x66: {  	[tilespmem:s31], [sflag:$0x4] =	stream.linear.gather [hbm4b:s20+s3], $0x50, $0x38;
	[tilespmem:$0x1D140] =	vst v63  }
0x67: {  	p0 =	sne.s32 s18, $0x4C4;
	_ =	swait.ge [sflag:s0], $0x50  }
0x68: {  	[sflag:s0] =	ssyncset.done $0x0  }
0x69: {  	s18 =	sadd.s32 s17, s22;
	s17 =	smov.u32 s8;
	[sflag:s0] =	ssyncadd.s32 $0xFFFFFFB0  }
0x6a: {  	[tilespmem:s4], [sflag:$0x4] =	stream.linear.gather [hbm4b:s18+s3], $0x50, $0x38;
	[tilespmem:$0x1D140] =	vst v63  }
0x6b: {  	_ =	swait.ge [sflag:s0], $0x50  }
0x6c: {  	[sflag:s0] =	ssyncset.done $0x0  }
0x6d: {  	[sflag:s0] =	ssyncadd.s32 $0xFFFFFFB0  }
0x6e: {  	[tilespmem:s7], [sflag:$0x2] =	stream.indirect.gather [hbm4b:s5+s29], $0x80, s31, s29, $0xb8;
	[tilespmem:$0x1D140] =	vst v63  }
0x6f: {  	_ =	swait.ge [sflag:s13], $0x2800  }
0x70: {  	[sflag:s13] =	ssyncset.done $0x0  }
0x71: {  	[sflag:s13] =	ssyncadd.s32 $0xFFFFD800  }
0x72: {  	[spmem:s2] =	stream.indirect.scatter.add.f32 [tilespmem:s30], [sflag:$0x4], $0x80, s28, s29, $0xb8;
	[tilespmem:$0x1D140] =	vst v63  }
0x73: {  	_ =	swait.ge [sflag:s0], $0x2800  }
0x74: {  	s8 =	sshrl.u32 s16, $0x3;
	[sflag:s0] =	ssyncset.done $0x0  }
0x75: {  	s18 =	sadd.s32 s6, s8;
	[sflag:s0] =	ssyncadd.s32 $0xFFFFD800  }
0x76: {  	[tilespmem:s26], [sflag:$0x4] =	stream.linear.gather [hbm4b:s18+s3], $0x50, $0x38;
	[tilespmem:$0x1D140] =	vst v63  }
0x77: {  	_ =	swait.ge [sflag:s0], $0x50  }
0x78: {  	[sflag:s0] =	ssyncset.done $0x0  }
0x79: {  	s8 =	sadd.s32 s1, s8;
	[sflag:s0] =	ssyncadd.s32 $0xFFFFFFB0  }
0x7a: {  	[tilespmem:s28], [sflag:$0x4] =	stream.linear.gather [hbm4b:s8+s3], $0x50, $0x38;
	[tilespmem:$0x1D140] =	vst v63  }
0x7b: {  	_ =	swait.ge [sflag:s0], $0x50  }
0x7c: {  	[sflag:s0] =	ssyncset.done $0x0  }
0x7d: {  	[sflag:s0] =	ssyncadd.s32 $0xFFFFFFB0  }
0x7e: {  	[tilespmem:s30], [sflag:$0x1] =	stream.indirect.gather [hbm4b:s5+s29], $0x80, s26, s29, $0xb8;
	[tilespmem:$0x1D140] =	vst v63  }
0x7f: {  	_ =	swait.ge [sflag:s14], $0x2800  }
.Ltmp0:
0x80: {  	[sflag:s14] =	ssyncset.done $0x0;
	(pc) =	sbr.rel @p0 .LBB2_2-.Ltmp0, $4  }
0x81: {  	[sflag:s14] =	ssyncadd.s32 $0xFFFFD800  }
0x82: {  	[spmem:s2] =	stream.indirect.scatter.add.f32 [tilespmem:s7], [sflag:$0x3], $0x80, s4, s29, $0xb8;
	[tilespmem:$0x1D140] =	vst v63  }
0x83: {  	_ =	swait.ge [sflag:s25], $0x2800  }
0x84: {  	s16 =	sadd.s32 $0xA0, s16;
	s18 =	smov.u32 s19;
	[sflag:s25] =	ssyncset.done $0x0  }
0x85: {  	s8 =	sadd.s32 s17, s23;
	[sflag:s25] =	ssyncadd.s32 $0xFFFFD800  }
0x86: {  	[tilespmem:s31], [sflag:$0x4] =	stream.linear.gather [hbm4b:s8+s3], $0x50, $0x38;
	[tilespmem:$0x1D140] =	vst v63  }
0x87: {  	_ =	swait.ge [sflag:s0], $0x50  }
0x88: {  	[sflag:s0] =	ssyncset.done $0x0  }
0x89: {  	s18 =	sadd.s32 s17, s22;
	[sflag:s0] =	ssyncadd.s32 $0xFFFFFFB0  }
0x8a: {  	[tilespmem:s4], [sflag:$0x4] =	stream.linear.gather [hbm4b:s18+s3], $0x50, $0x38;
	[tilespmem:$0x1D140] =	vst v63  }
0x8b: {  	_ =	swait.ge [sflag:s0], $0x50  }
0x8c: {  	[sflag:s0] =	ssyncset.done $0x0  }
0x8d: {  	[sflag:s0] =	ssyncadd.s32 $0xFFFFFFB0  }
0x8e: {  	[tilespmem:s7], [sflag:$0x2] =	stream.indirect.gather [hbm4b:s5+s29], $0x80, s31, s29, $0xb8;
	[tilespmem:$0x1D140] =	vst v63  }
0x8f: {  	_ =	swait.ge [sflag:s13], $0x2800  }
0x90: {  	[sflag:s13] =	ssyncset.done $0x0  }
0x91: {  	[sflag:s13] =	ssyncadd.s32 $0xFFFFD800  }
0x92: {  	[spmem:s2] =	stream.indirect.scatter.add.f32 [tilespmem:s30], [sflag:$0x4], $0x80, s28, s29, $0xb8;
	[tilespmem:$0x1D140] =	vst v63  }
0x93: {  	_ =	swait.ge [sflag:s0], $0x2800  }
0x94: {  	s19 =	sshrl.u32 s16, $0x3;
	[sflag:s0] =	ssyncset.done $0x0  }
0x95: {  	s16 =	sadd.s32 s6, s19;
	[sflag:s0] =	ssyncadd.s32 $0xFFFFD800  }
0x96: {  	[tilespmem:s26], [sflag:$0x4] =	stream.linear.gather [hbm4b:s16+s3], $0x50, $0x38;
	[tilespmem:$0x1D140] =	vst v63  }
0x97: {  	_ =	swait.ge [sflag:s0], $0x50  }
0x98: {  	[sflag:s0] =	ssyncset.done $0x0  }
0x99: {  	s8 =	sadd.s32 s1, s19;
	[sflag:s0] =	ssyncadd.s32 $0xFFFFFFB0  }
0x9a: {  	[tilespmem:s28], [sflag:$0x4] =	stream.linear.gather [hbm4b:s8+s3], $0x50, $0x38;
	[tilespmem:$0x1D140] =	vst v63  }
0x9b: {  	_ =	swait.ge [sflag:s0], $0x50  }
0x9c: {  	[sflag:s0] =	ssyncset.done $0x0  }
0x9d: {  	[sflag:s0] =	ssyncadd.s32 $0xFFFFFFB0  }
0x9e: {  	[tilespmem:s30], [sflag:$0x1] =	stream.indirect.gather [hbm4b:s5+s29], $0x80, s26, s29, $0xb8;
	[tilespmem:$0x1D140] =	vst v63  }
0x9f: {  	_ =	swait.ge [sflag:s14], $0x2800  }
0xa0: {  	[sflag:s14] =	ssyncset.done $0x0  }
0xa1: {  	[sflag:s14] =	ssyncadd.s32 $0xFFFFD800  }
0xa2: {  	[spmem:s2] =	stream.indirect.scatter.add.f32 [tilespmem:s7], [sflag:$0x3], $0x80, s4, s29, $0xb8;
	[tilespmem:$0x1D140] =	vst v63  }
0xa3: {  	_ =	swait.ge [sflag:s25], $0x2800  }
0xa4: {  	[sflag:s25] =	ssyncset.done $0x0  }
0xa5: {  	[sflag:s25] =	ssyncadd.s32 $0xFFFFD800  }
0xa6: {  	_ =	swait.ge [sflag:s13], $0x2800  }
0xa7: {  	[sflag:s13] =	ssyncset.done $0x0  }
0xa8: {  	[sflag:s13] =	ssyncadd.s32 $0xFFFFD800  }
0xa9: {  	[spmem:s2] =	stream.indirect.scatter.add.f32 [tilespmem:s30], [sflag:$0x4], $0x80, s28, s29, $0xb8;
	[tilespmem:$0x1D140] =	vst v63  }
0xaa: {  	_ =	swait.ge [sflag:s0], $0x2800  }
0xab: {  	[sflag:s0] =	ssyncset.done $0x0  }
0xac: {  	[sflag:s0] =	ssyncadd.s32 $0xFFFFD800  }
0xad: {  	[bflag:$0x0] =	sbarrier.arrive $0xFFFF  }
0xae: {  	[tilespmem:s24], [sflag:$0x3] =	stream.linear.gather [spmem:s9], $0x4000, $0x38;
	[tilespmem:$0x1D140] =	vst v63  }
0xaf: {  	_ =	swait.ge [sflag:s25], $0x4000  }
0xb0: {  	[sflag:s25] =	ssyncset.done $0x0  }
0xb1: {  	s20 =	rddreg [dreg:$0x7];
	[sflag:s25] =	ssyncadd.s32 $0xFFFFC000  }
0xb2: {  	[hbm4b:s20+s3] =	stream.linear.scatter [tilespmem:s24], [sflag:$0x3], $0x4000, $0x38;
	[tilespmem:$0x1D140] =	vst v63  }
0xb3: {  	_ =	swait.ge [sflag:s25], $0x4000  }
0xb4: {  	[sflag:s25] =	ssyncset.done $0x0  }
0xb5: {  	[sflag:s25] =	ssyncadd.s32 $0xFFFFC000  }
0xb6: {  	[tilespmem:s24], [sflag:$0x3] =	stream.linear.gather [spmem:s10], $0x4000, $0x38;
	[tilespmem:$0x1D140] =	vst v63  }
0xb7: {  	_ =	swait.ge [sflag:s25], $0x4000  }
0xb8: {  	[sflag:s25] =	ssyncset.done $0x0  }
0xb9: {  	s16 =	smov.u32 s9;
	s9 =	rddreg [dreg:$0x8];
	[sflag:s25] =	ssyncadd.s32 $0xFFFFC000  }
0xba: {  	[hbm4b:s9+s3] =	stream.linear.scatter [tilespmem:s24], [sflag:$0x3], $0x4000, $0x38;
	[tilespmem:$0x1D140] =	vst v63  }
0xbb: {  	_ =	swait.ge [sflag:s25], $0x4000  }
0xbc: {  	[sflag:s25] =	ssyncset.done $0x0  }
0xbd: {  	[sflag:s25] =	ssyncadd.s32 $0xFFFFC000  }
0xbe: {  	[tilespmem:s24], [sflag:$0x3] =	stream.linear.gather [spmem:s11], $0x4000, $0x38;
	[tilespmem:$0x1D140] =	vst v63  }
0xbf: {  	_ =	swait.ge [sflag:s25], $0x4000  }
0xc0: {  	[sflag:s25] =	ssyncset.done $0x0  }
0xc1: {  	s17 =	smov.u32 s10;
	s10 =	rddreg [dreg:$0x9];
	[sflag:s25] =	ssyncadd.s32 $0xFFFFC000  }
0xc2: {  	[hbm4b:s10+s3] =	stream.linear.scatter [tilespmem:s24], [sflag:$0x3], $0x4000, $0x38;
	[tilespmem:$0x1D140] =	vst v63  }
0xc3: {  	_ =	swait.ge [sflag:s25], $0x4000  }
0xc4: {  	[sflag:s25] =	ssyncset.done $0x0  }
0xc5: {  	[sflag:s25] =	ssyncadd.s32 $0xFFFFC000  }
0xc6: {  	[tilespmem:s24], [sflag:$0x3] =	stream.linear.gather [spmem:s12], $0x4000, $0x38;
	[tilespmem:$0x1D140] =	vst v63  }
0xc7: {  	_ =	swait.ge [sflag:s25], $0x4000  }
0xc8: {  	[sflag:s25] =	ssyncset.done $0x0  }
0xc9: {  	s18 =	smov.u32 s11;
	s11 =	rddreg [dreg:$0xa];
	[sflag:s25] =	ssyncadd.s32 $0xFFFFC000  }
0xca: {  	[hbm4b:s11+s3] =	stream.linear.scatter [tilespmem:s24], [sflag:$0x3], $0x4000, $0x38;
	[tilespmem:$0x1D140] =	vst v63  }
0xcb: {  	_ =	swait.ge [sflag:s25], $0x4000  }
0xcc: {  	[sflag:s25] =	ssyncset.done $0x0  }
0xcd: {  	[sflag:s25] =	ssyncadd.s32 $0xFFFFC000  }
0xce: {  	[tilespmem:s24], [sflag:$0x3] =	stream.linear.gather [spmem:s21], $0x4000, $0x38;
	[tilespmem:$0x1D140] =	vst v63  }
0xcf: {  	_ =	swait.ge [sflag:s25], $0x4000  }
0xd0: {  	[sflag:s25] =	ssyncset.done $0x0  }
0xd1: {  	s19 =	smov.u32 s12;
	s12 =	rddreg [dreg:$0xb];
	[sflag:s25] =	ssyncadd.s32 $0xFFFFC000  }
0xd2: {  	[hbm4b:s12+s3] =	stream.linear.scatter [tilespmem:s24], [sflag:$0x3], $0x4000, $0x38;
	[tilespmem:$0x1D140] =	vst v63  }
0xd3: {  	_ =	swait.ge [sflag:s25], $0x4000  }
0xd4: {  	s15 =	sadd.s32 $0x1, s15;
	s20 =	smov.u32 s21;
	s21 =	rddreg [dreg:$0xc]  }
0xd5: {  	p0 =	sne.s32 s15, s21  }
.Ltmp1:
0xd6: {  	_ = 	snop;
	(pc) =	sbr.rel @p0 .LBB2_1-.Ltmp1, $3  }
0xd7: {  	_ =	sdelay $0x1  }
0xd8: {  	[sflag:s25] =	ssyncset.done $0x0  }
0xd9: {  	[sflag:s25] =	ssyncadd.s32 $0xFFFFC000  }
0xda: {  	_ =	sfence.sel $0x180000  }
0xdb: {  	[bflag:$0x0] =	sbarrier.arrive $0xFFFF  }
0xdc: {  	_ =	strace $0x9000004D  }
0xdd: {  	s0 =	stileid.u32;
	[bflag:$0x2] =	sbarrier.arrive $0xFFFF  }
0xde: {  	p0 =	sne.s32 s0, $0x0;
	s0 =	rddreg [dreg:$0x3]  }
0xdf: {  	s0 =	sadd.s32 @!p0 $0x100000, s0  }
0xe0: {  	[sflag:s0] =	ssyncadd.tile.s32 @!p0 $0x1;
	_ =	shalt  }
.Lfunc_end2:
_tile_overlayer_lowered:
.L_overlay_start_2:
0xe1: {  	(tag) =	ssettag $0x2  }
0xe2: {  	s0 =	rddreg [dreg:$0x0];
	s2 =	stileid.u32  }
0xe3: {  	s1 =	rddreg [dreg:$0x1];
	p0 =	sne.s32 s2, $0x0  }
0xe4: {  	s3 =	rddreg [dreg:$0x2];
	[bflag:$0x3] =	sbarrier.arrive $0xFFFF;
	s2 =	simm.s32 @!p0 $0x1C03  }
0xe5: {  	[timem:s3], [sflag:s2] =	dma.local @!p0 [hbm:s0], s1  }
0xe6: {  	s0 =	simm.s32 @!p0 $0x3  }
0xe7: {  	_ =	swait.ge @!p0 [sflag:s0], s1  }
0xe8: {  	s1 =	ssub.s32 @!p0 $0x0, s1;
	[sflag:s0] =	ssyncset.done @!p0 $0x0  }
0xe9: {  	[sflag:s0] =	ssyncadd.s32 @!p0 s1  }
0xea: {  	[bflag:$0x3] =	sbarrier.arrive $0xFFFF  }
0xeb: {  	_ =	shalt  }

// kernel: kernel.8.cloned.1.call-start
scs
__scs_entry_jumppad:
0x0: {  	(pc) =	sbr.rel $0x88, $3  }
0x1: {  	(tag) =	ssettag $0x0;
	lr =	simm.s32 $0x1  }
0x2: {  	[smem:$0x3F96] =	sst lr;
	_ =	strace $0xD0000000  }
0x3: {  	_ = 	snop  }
0x4: {  	_ = 	snop  }
0x5: {  	_ = 	snop  }
0x6: {  	_ = 	snop  }
0x7: {  	_ = 	snop  }
__scs_overlays_trampoline_lowered:
0x8: {  	[smem:$0x3FA5] =	sst s0  }
0x9: {  	[smem:$0x3FA6] =	sst s1  }
0xa: {  	[smem:$0x3FA7] =	sst s2  }
0xb: {  	[smem:$0x3FA8] =	sst s3  }
0xc: {  	[smem:$0x3FA9] =	sst s4  }
0xd: {  	[smem:$0x3FAA] =	sst s5  }
0xe: {  	[smem:$0x3FAB] =	sst s6  }
0xf: {  	[smem:$0x3FAC] =	sst s7  }
0x10: {  	[smem:$0x3FAD] =	sst s8  }
0x11: {  	[smem:$0x3FAE] =	sst s9;
	s0 =	simm.s32 @!p0 $0x0  }
0x12: {  	s1 =	sld [smem:$0x3F94];
	s0 =	simm.s32 @p0 $0x1  }
0x13: {  	[smem:$0x3FAF] =	sst s0;
	s0 =	simm.s32 @!p1 $0x0  }
0x14: {  	s2 =	sld [smem:$0x3F93];
	s0 =	simm.s32 @p1 $0x1  }
0x15: {  	[smem:$0x3FB0] =	sst s0;
	s0 =	simm.s32 @!p2 $0x0  }
0x16: {  	s3 =	sld [smem:$0x3FDB];
	s0 =	simm.s32 @p2 $0x1  }
0x17: {  	s4 =	simm.s32 $0x1BF5;
	[smem:$0x3FB2] =	sst s0  }
0x18: {  	s0 =	sld [smem:$0x3F95];
	_ =	swait.ge [sflag:s4], $0x0  }
0x19: {  	s7 =	sld [smem:$0x3F96]  }
0x1a: {  	s8 =	sadd.s32 $0xFFFFE003, lr  }
0x1b: {  	s9 =	sadd.s32 $0xFFFFFEF7, lr;
	s5 =	simm.s32 $0xFFFFFFFF;
	p2 =	slt.u32 s8, $0xFFFFF086  }
0x1c: {  	p1 =	slt.u32 s9, $0xF7A;
	s5 =	simm.s32 @!p2 $0x0  }
0x1d: {  	s5 =	simm.s32 @p1 $0x1;
	p0 =	seq.s32 s7, s2  }
0x1e: {  	s7 =	smul.u32 @!p0 $0xF7A, s2;
	p2 =	seq.s32 @!p0 s5, $0x0  }
0x1f: {  	s9 =	smul.u32 $0xF7A, s1;
	s8 =	simm.s32 @!p0 $0x1BF5;
	p2 =	por !p2, p0  }
0x20: {  	[sflag:s8] =	ssyncset.s32 @!p0 $0xFFFFF086;
	s6 =	sadd.s32 @!p0 s3, s7;
	s7 =	simm.s32 @!p0 $0x108  }
0x21: {  	s3 =	sadd.s32 s3, s9;
	s6 =	sadd.s32 @!p0 $0x88, s6;
	s7 =	simm.s32 @p2 $0x1082  }
0x22: {  	[simem:s7], [sflag:s8] =	dma.local @!p0 [hbm:s6], $0xF7A  }
0x23: {  	s9 =	sor.u32 $0xD0000000, s2;
	s6 =	simm.s32 $0x108;
	_ =	swait.ge @!p0 [sflag:s8], $0x0  }
0x24: {  	s3 =	sadd.s32 $0x88, s3;
	s6 =	simm.s32 @!p1 $0x1082;
	[sflag:s4] =	ssyncset.s32 $0xFFFFF086  }
0x25: {  	[simem:s6], [sflag:s4] =	dma.local [hbm:s3], $0xF7A  }
0x26: {  	[smem:$0x3F96] =	sst s1;
	(tag) =	ssettag s2;
	_ =	strace s9  }
0x27: {  	s1 =	sld [smem:$0x3FA6]  }
0x28: {  	s2 =	sld [smem:$0x3FA7]  }
0x29: {  	s4 =	sld [smem:$0x3FA9]  }
0x2a: {  	p0 =	seq.s32 s5, $0x0;
	s5 =	sld [smem:$0x3FAA]  }
0x2b: {  	s6 =	sld [smem:$0x3FAB]  }
0x2c: {  	s7 =	sld [smem:$0x3FAC]  }
0x2d: {  	s3 =	simm.s32 $0x108;
	s8 =	sld [smem:$0x3FAD]  }
0x2e: {  	s3 =	simm.s32 @!p0 $0x1082;
	s9 =	sld [smem:$0x3FAE]  }
0x2f: {  	lr =	sadd.s32 s0, s3;
	s0 =	sld [smem:$0x3FA5]  }
0x30: {  	s3 =	sld [smem:$0x3FA8]  }
0x31: {  	[smem:$0x3FB1] =	sst s10  }
0x32: {  	s10 =	sld [smem:$0x3FAF];
	_ =	sdelay $0x3  }
0x33: {  	p0 =	seq.s32 s10, $0x1;
	s10 =	sld [smem:$0x3FB1];
	_ =	sdelay $0x3  }
0x34: {  	[smem:$0x3FB1] =	sst s10  }
0x35: {  	s10 =	sld [smem:$0x3FB0];
	_ =	sdelay $0x3  }
0x36: {  	p1 =	seq.s32 s10, $0x1;
	s10 =	sld [smem:$0x3FB1];
	_ =	sdelay $0x3  }
0x37: {  	[smem:$0x3FB1] =	sst s10  }
0x38: {  	s10 =	sld [smem:$0x3FB2]  }
0x39: {  	_ = 	snop;
	(pc) =	sbr.ind lr, $3  }
0x3a: {  	_ = 	snop  }
0x3b: {  	_ = 	snop  }
0x3c: {  	p2 =	seq.s32 s10, $0x1;
	s10 =	sld [smem:$0x3FB1]  }
0x3d: {  	_ =	shalt  }
0x3e: {  	_ =	shalt  }
0x3f: {  	_ =	shalt  }
0x40: {  	_ =	shalt  }
0x41: {  	_ =	shalt  }
0x42: {  	_ =	shalt  }
0x43: {  	_ =	shalt  }
0x44: {  	_ =	shalt  }
0x45: {  	_ =	shalt  }
0x46: {  	_ =	shalt  }
0x47: {  	_ =	shalt  }
0x48: {  	_ =	shalt  }
0x49: {  	_ =	shalt  }
0x4a: {  	_ =	shalt  }
0x4b: {  	_ =	shalt  }
0x4c: {  	_ =	shalt  }
0x4d: {  	_ =	shalt  }
0x4e: {  	_ =	shalt  }
0x4f: {  	_ =	shalt  }
0x50: {  	_ =	shalt  }
0x51: {  	_ =	shalt  }
0x52: {  	_ =	shalt  }
0x53: {  	_ =	shalt  }
0x54: {  	_ =	shalt  }
0x55: {  	_ =	shalt  }
0x56: {  	_ =	shalt  }
0x57: {  	_ =	shalt  }
0x58: {  	_ =	shalt  }
0x59: {  	_ =	shalt  }
0x5a: {  	_ =	shalt  }
0x5b: {  	_ =	shalt  }
0x5c: {  	_ =	shalt  }
0x5d: {  	_ =	shalt  }
0x5e: {  	_ =	shalt  }
0x5f: {  	_ =	shalt  }
0x60: {  	_ =	shalt  }
0x61: {  	_ =	shalt  }
0x62: {  	_ =	shalt  }
0x63: {  	_ =	shalt  }
0x64: {  	_ =	shalt  }
0x65: {  	_ =	shalt  }
0x66: {  	_ =	shalt  }
0x67: {  	_ =	shalt  }
0x68: {  	_ =	shalt  }
0x69: {  	_ =	shalt  }
0x6a: {  	_ =	shalt  }
0x6b: {  	_ =	shalt  }
0x6c: {  	_ =	shalt  }
0x6d: {  	_ =	shalt  }
0x6e: {  	_ =	shalt  }
0x6f: {  	_ =	shalt  }
0x70: {  	_ =	shalt  }
0x71: {  	_ =	shalt  }
0x72: {  	_ =	shalt  }
0x73: {  	_ =	shalt  }
0x74: {  	_ =	shalt  }
0x75: {  	_ =	shalt  }
0x76: {  	_ =	shalt  }
0x77: {  	_ =	shalt  }
0x78: {  	_ =	shalt  }
0x79: {  	_ =	shalt  }
0x7a: {  	_ =	shalt  }
0x7b: {  	_ =	shalt  }
0x7c: {  	_ =	shalt  }
0x7d: {  	_ =	shalt  }
0x7e: {  	_ =	shalt  }
0x7f: {  	_ =	shalt  }
0x80: {  	_ =	shalt  }
0x81: {  	_ =	shalt  }
0x82: {  	_ =	shalt  }
0x83: {  	_ =	shalt  }
0x84: {  	_ =	shalt  }
0x85: {  	_ =	shalt  }
0x86: {  	_ =	shalt  }
0x87: {  	_ =	shalt  }
.Lfunc_end0:
.L_simem_size_0:
called_computation_lowered:
.L_overlay_start_0:
0x88: {  	s2 =	sld [smem:$0x3FD9]  }
0x89: {  	s3 =	sld [smem:$0x3FFE];
	_ =	sdelay $0x1  }
0x8a: {  	s1 =	srdreg.scid  }
0x8b: {  	s0 =	sand.u32 $0x1, s1  }
0x8c: {  	s17 =	sshll.u32 s0, $0xA;
	s2 =	sadd.s32 s3, s2  }
0x8d: {  	s2 =	sadd.s32 s2, s17  }
0x8e: {  	[smem:$0x3FBD] =	sst s2  }
0x8f: {  	_ = 	snop  }
0x90: {  	s2 =	sld [smem:$0x3FD0];
	(tm) =	ssettm $0x1  }
0x91: {  	s18 =	sld [smem:$0x3FFB];
	_ =	sdelay $0x3  }
0x92: {  	_ =	strace s18  }
0x93: {  	s3 =	sld [smem:$0x3FFC];
	_ =	sdelay $0x3  }
0x94: {  	_ =	strace s3  }
0x95: {  	s3 =	sld [smem:$0x3FFD];
	_ =	sdelay $0x3  }
0x96: {  	_ =	strace s3  }
0x97: {  	_ =	strace $0x8FFFFFFF  }
0x98: {  	s19 =	sld [smem:$0x3FDB];
	_ =	sdelay $0x1  }
0x99: {  	s4 =	simm.s32 $_scs_section_size  }
0x9a: {  	s5 =	simm.s32 $_size__tile_overlayer_lowered;
	s6 =	simm.s32 $_tile_overlayer_lowered  }
0x9b: {  	s22 =	simm.s32 $0x1BFF;
	s21 =	sshll.u32 s6, $0x1;
	s3 =	sadd.s32 s4, s19  }
0x9c: {  	s7 =	simm.s32 $0x0;
	s20 =	sshll.u32 s5, $0x1;
	s5 =	sadd.s32 s21, s3  }
0x9d: {  	[timem:s7], [sflag:s22] =	dma.local [hbm:s5], s20  }
0x9e: {  	_ =	swait.ge [sflag:s22], s20  }
0x9f: {  	s4 =	ssub.s32 $0x0, s20;
	[sflag:s22] =	ssyncset.done $0x0  }
0xa0: {  	[sflag:s22] =	ssyncadd.s32 s4;
	_ =	sdelay $0x1  }
0xa1: {  	s23 =	simm.s32 $0x1B8B  }
0xa2: {  	_ =	swait.ge [sflag:s23], $0x1  }
0xa3: {  	[sflag:s23] =	ssyncset.done $0x0  }
0xa4: {  	s25 =	simm.s32 $0x1B8E;
	s24 =	sld [smem:$0x3FFE];
	[sflag:s23] =	ssyncadd.s32 $0xFFFFFFFF  }
0xa5: {  	s26 =	simm.s32 $execute0_lowered;
	[smem:$0x3FD2] =	sst s25  }
0xa6: {  	s5 =	sshll.u32 s26, $0x1;
	_ =	strace $0x80000046;
	[dreg:$0x1] =	wrdreg $0xFFFFFFFF  }
0xa7: {  	s28 =	simm.s32 $_size_execute0_lowered;
	s3 =	sadd.s32 s3, s5;
	[dreg:$0x0] =	wrdreg $0x0  }
0xa8: {  	s5 =	sshll.u32 s28, $0x1;
	[dreg:$0x2] =	wrdreg s3  }
0xa9: {  	[dreg:$0x3] =	wrdreg s5  }
0xaa: {  	[dreg:$0x4] =	wrdreg $0xC0  }
0xab: {  	_ =	task [dreg:s7], $0x5FFFF  }
0xac: {  	[dreg:$0x1] =	wrdreg $0xFFFFFFFF  }
0xad: {  	[dreg:$0x0] =	wrdreg $0x60  }
0xae: {  	[dreg:$0x2] =	wrdreg s24  }
0xaf: {  	[dreg:$0x3] =	wrdreg s2  }
0xb0: {  	[dreg:$0x4] =	wrdreg $0x0  }
0xb1: {  	[dreg:$0x5] =	wrdreg $0x140000  }
0xb2: {  	[dreg:$0x6] =	wrdreg $0x9  }
0xb3: {  	_ =	task.clear_ibuf [dreg:s7], $0x7FFFF;
	_ =	strace $0x90000046  }
0xb4: {  	s29 =	simm.s32 $0x9;
	_ =	strace $0x80000048  }
0xb5: {  	_ =	swait.ge [sflag:s29], $0x1  }
0xb6: {  	[sflag:s29] =	ssyncadd.s32 $0xFFFFFFFF  }
0xb7: {  	_ =	strace $0x90000048  }
0xb8: {  	_ =	sfence  }
0xb9: {  	s30 =	sld [smem:$0x0];
	_ =	sdelay $0x2  }
0xba: {  	s31 =	sshll.u32 s1, $0xD;
	s1 =	sshrl.u32 s1, $0x2  }
0xbb: {  	s3 =	sand.u32 $0x4000, s31;
	s1 =	sadd.s32 s1, s30  }
0xbc: {  	s0 =	sor.u32 s3, s0;
	s1 =	sshll.u32 s1, $0x11  }
0xbd: {  	s0 =	sor.u32 s1, s0  }
0xbe: {  	s0 =	sadd.s32 $0x8F2B, s0  }
0xbf: {  	[sflag:s0] =	ssyncadd.remote.s32 $0x1  }
0xc0: {  	_ =	sfence.sel $0xFFFF  }
0xc1: {  	[dreg:$0x0] =	wrdreg $0xFFFFFFFF;
	(pc) =	sbr.abs _section_cstart, $3  }
0xc2: {  	[dreg:$0x1] =	wrdreg $0xFFFFFFFF  }
0xc3: {  	_ =	task.clear_ibuf [dreg:s7], $0x2FFFF;
	_ =	strace $0x9FFFFFFF  }
0xc4: {  	(tm) =	ssettm $0x7FFFFFFF  }
0xc5: {  	_ =	shalt  }
tec
execute0_lowered:
.L_overlay_start_1:
0x0: {  	(tag) =	ssettag $0x1  }
0x1: {  	s0 =	rddreg [dreg:$0x0]  }
0x2: {  	s1 =	rddreg [dreg:$0x1]  }
0x3: {  	s2 =	rddreg [dreg:$0x2]  }
0x4: {  	s4 =	rddreg [dreg:$0x3]  }
0x5: {  	s5 =	simm.s32 $0x0;
	s3 =	srdreg.scid;
	s22 =	stileid.u32  }
0x6: {  	s30 =	simm.s32 $0x15400;
	s31 =	simm.s32 $0x3;
	s8 =	smul.u32 $0x1400, s22  }
0x7: {  	[smem:$0x7FF] =	sst s5;
	s3 =	sand.u32 $0x1, s3;
	s13 =	smul.u32 $0x14000, s22  }
0x8: {  	s6 =	sadd.s32 $0xCA00, s0;
	s7 =	sadd.s32 $0x2C00, s0;
	s26 =	smul.u32 $0x4E20, s22  }
0x9: {  	s10 =	sadd.s32 $0x3A800, s0;
	s19 =	sshll.u32 s22, $0x1;
	s9 =	smul.u32 $0x14000, s3  }
0xa: {  	_ =	strace $0x80000047;
	s11 =	ssub.s32 $0x2, s3;
	s14 =	smul.u32 $0x140000, s3  }
0xb: {  	s12 =	sshrl.u32 s11, $0x1;
	s15 =	sadd.s32 $0x4000, s13;
	s16 =	sadd.s32 $0x8000, s13  }
0xc: {  	s17 =	sadd.s32 $0xC000, s13;
	s18 =	sadd.s32 $0x10000, s13;
	s9 =	sadd.s32 s8, s9  }
0xd: {  	s11 =	ssub.s32 s11, s12;
	s12 =	sor.u32 s3, s19;
	s19 =	sadd.s32 s13, s14  }
0xe: {  	s20 =	sadd.s32 s14, s15;
	s21 =	sadd.s32 s14, s16;
	s25 =	sadd.s32 s14, s17  }
0xf: {  	s14 =	sadd.s32 s14, s18;
	s3 =	smul.u32 $0x2710, s3;
	s17 =	sadd.s32 s17, s2  }
0x10: {  	s18 =	sadd.s32 s18, s2;
	s19 =	sshrl.u32 s19, $0x3;
	s20 =	sshrl.u32 s20, $0x3  }
0x11: {  	s23 =	sshrl.u32 s21, $0x3;
	s14 =	sshrl.u32 s14, $0x3;
	s9 =	sshrl.u32 s9, $0x3  }
0x12: {  	s21 =	smul.u32 $0x2710, s12;
	s12 =	simm.s32 $0x1FAD0;
	[dreg:$0xd] =	wrdreg s17  }
0x13: {  	[dreg:$0xe] =	wrdreg s18;
	s19 =	sadd.s32 s10, s19;
	s24 =	sadd.s32 s10, s23  }
0x14: {  	s3 =	sadd.s32 s3, s26;
	s9 =	sadd.s32 s9, s0;
	[dreg:$0x5] =	wrdreg s19  }
0x15: {  	s26 =	smax.u32 s11, $0x1;
	s11 =	simm.s32 $0x1AA80;
	[dreg:$0x7] =	wrdreg s24  }
0x16: {  	s19 =	sadd.s32 s10, s20;
	s20 =	sadd.s32 $0x34C00, s0;
	[dreg:$0x14] =	wrdreg s26  }
0x17: {  	s23 =	sadd.s32 $0x50, s3;
	s24 =	sadd.s32 $0x35800, s9;
	[dreg:$0x6] =	wrdreg s19  }
0x18: {  	s3 =	sadd.s32 $0xA0, s3;
	s9 =	simm.s32 $0x1FB20;
	[dreg:$0xb] =	wrdreg s20  }
0x19: {  	s26 =	simm.s32 $0x19400;
	s19 =	sshrl.u32 s25, $0x3;
	[dreg:$0x13] =	wrdreg s24  }
0x1a: {  	s25 =	sadd.s32 s16, s2;
	s16 =	sadd.s32 s8, s4;
	[dreg:$0x15] =	wrdreg s3  }
0x1b: {  	s20 =	sadd.s32 s15, s2;
	s3 =	simm.s32 $0x1A800;
	[dreg:$0xf] =	wrdreg s16  }
0x1c: {  	s8 =	simm.s32 $0x1FA80;
	s15 =	simm.s32 $0x1D280;
	[dreg:$0x10] =	wrdreg s25  }
0x1d: {  	s24 =	simm.s32 $0x0;
	s19 =	sadd.s32 s10, s19;
	[dreg:$0x16] =	wrdreg s20  }
0x1e: {  	s10 =	sadd.s32 s10, s14;
	s14 =	simm.s32 $0x1FB70;
	[dreg:$0x8] =	wrdreg s19  }
0x1f: {  	[dreg:$0x9] =	wrdreg s10;
	s19 =	sadd.s32 $0x35000, s0;
	s0 =	sadd.s32 $0x34A00, s0  }
0x20: {  	s10 =	simm.s32 $0x50;
	[dreg:$0xc] =	wrdreg s0;
	s0 =	sshrl.u32 s21, $0x3  }
0x21: {  	[dreg:$0xa] =	wrdreg s19;
	s19 =	sadd.s32 s13, s2;
	s22 =	sadd.s32 s7, s0  }
0x22: {  	s13 =	simm.s32 $0x4;
	s0 =	sadd.s32 s1, s0;
	[dreg:$0x11] =	wrdreg s22  }
0x23: {  	[dreg:$0x12] =	wrdreg s0;
	s0 =	sshrl.u32 s23, $0x3;
	s22 =	simm.s32 $0x1  }
0x24: {  	s23 =	simm.s32 $0x2;
	s28 =	sadd.s32 s0, s1;
	s29 =	sadd.s32 s0, s7  }
.LBB2_1:
0x25: {  	s21 =	rddreg [dreg:$0xa]  }
0x26: {  	[tilespmem:s30], [sflag:$0x3] =	stream.linear.gather [hbm4b:s21+s5], $0x4000, $0x38;
	[tilespmem:$0x1FBC0] =	vst v63  }
0x27: {  	_ =	swait.ge [sflag:s31], $0x4000  }
0x28: {  	[sflag:s31] =	ssyncset.done $0x0  }
0x29: {  	[sflag:s31] =	ssyncadd.s32 $0xFFFFC000  }
0x2a: {  	[spmem:s19] =	stream.linear.scatter [tilespmem:s30], [sflag:$0x3], $0x4000, $0x38;
	[tilespmem:$0x1FBC0] =	vst v63  }
0x2b: {  	_ =	swait.ge [sflag:s31], $0x4000  }
0x2c: {  	[sflag:s31] =	ssyncset.done $0x0  }
0x2d: {  	[sflag:s31] =	ssyncadd.s32 $0xFFFFC000  }
0x2e: {  	[spmem:s20] =	stream.linear.scatter [tilespmem:s30], [sflag:$0x3], $0x4000, $0x38;
	[tilespmem:$0x1FBC0] =	vst v63  }
0x2f: {  	_ =	swait.ge [sflag:s31], $0x4000  }
0x30: {  	[sflag:s31] =	ssyncset.done $0x0  }
0x31: {  	[sflag:s31] =	ssyncadd.s32 $0xFFFFC000  }
0x32: {  	[spmem:s25] =	stream.linear.scatter [tilespmem:s30], [sflag:$0x3], $0x4000, $0x38;
	[tilespmem:$0x1FBC0] =	vst v63  }
0x33: {  	_ =	swait.ge [sflag:s31], $0x4000  }
0x34: {  	[sflag:s31] =	ssyncset.done $0x0  }
0x35: {  	[sflag:s31] =	ssyncadd.s32 $0xFFFFC000  }
0x36: {  	[spmem:s17] =	stream.linear.scatter [tilespmem:s30], [sflag:$0x3], $0x4000, $0x38;
	[tilespmem:$0x1FBC0] =	vst v63  }
0x37: {  	_ =	swait.ge [sflag:s31], $0x4000  }
0x38: {  	[sflag:s31] =	ssyncset.done $0x0  }
0x39: {  	[sflag:s31] =	ssyncadd.s32 $0xFFFFC000  }
0x3a: {  	[spmem:s18] =	stream.linear.scatter [tilespmem:s30], [sflag:$0x3], $0x4000, $0x38;
	[tilespmem:$0x1FBC0] =	vst v63  }
0x3b: {  	_ =	swait.ge [sflag:s31], $0x4000  }
0x3c: {  	[sflag:s31] =	ssyncset.done $0x0  }
0x3d: {  	s21 =	smov.u32 s19;
	s19 =	rddreg [dreg:$0xb];
	[sflag:s31] =	ssyncadd.s32 $0xFFFFC000  }
0x3e: {  	[tilespmem:s26], [sflag:$0x3] =	stream.linear.gather [hbm4b:s19+s5], $0x1400, $0x38;
	[tilespmem:$0x1FBC0] =	vst v63  }
0x3f: {  	_ =	swait.ge [sflag:s31], $0x1400  }
0x40: {  	[sflag:s31] =	ssyncset.done $0x0  }
0x41: {  	s20 =	rddreg [dreg:$0xc];
	[sflag:s31] =	ssyncadd.s32 $0xFFFFEC00  }
0x42: {  	[tilespmem:s3], [sflag:$0x3] =	stream.linear.gather [hbm4b:s20+s5], $0x280, $0x38;
	[tilespmem:$0x1FBC0] =	vst v63  }
0x43: {  	_ =	swait.ge [sflag:s31], $0x280  }
0x44: {  	[sflag:s31] =	ssyncset.done $0x0  }
0x45: {  	s0 =	smov.u32 s16;
	[sflag:s31] =	ssyncadd.s32 $0xFFFFFD80  }
0x46: {  	[spmem:s0] =	stream.linear.scatter [tilespmem:s26], [sflag:$0x3], $0x1400, $0x38;
	[tilespmem:$0x1FBC0] =	vst v63  }
0x47: {  	_ =	swait.ge [sflag:s31], $0x1400  }
0x48: {  	[sflag:s31] =	ssyncset.done $0x0  }
0x49: {  	[sflag:s31] =	ssyncadd.s32 $0xFFFFEC00  }
0x4a: {  	[bflag:$0x0] =	sbarrier.arrive $0xFFFF  }
0x4b: {  	s25 =	rddreg [dreg:$0x11]  }
0x4c: {  	[tilespmem:s8], [sflag:$0x3] =	stream.linear.gather [hbm4b:s25+s5], $0x50, $0x38;
	[tilespmem:$0x1FBC0] =	vst v63  }
0x4d: {  	_ =	swait.ge [sflag:s31], $0x50  }
0x4e: {  	[sflag:s31] =	ssyncset.done $0x0  }
0x4f: {  	s16 =	rddreg [dreg:$0x12];
	[sflag:s31] =	ssyncadd.s32 $0xFFFFFFB0  }
0x50: {  	[tilespmem:s9], [sflag:$0x3] =	stream.linear.gather [hbm4b:s16+s5], $0x50, $0x38;
	[tilespmem:$0x1FBC0] =	vst v63  }
0x51: {  	_ =	swait.ge [sflag:s31], $0x50  }
0x52: {  	[sflag:s31] =	ssyncset.done $0x0  }
0x53: {  	[sflag:s31] =	ssyncadd.s32 $0xFFFFFFB0  }
0x54: {  	[tilespmem:s11], [sflag:$0x1] =	stream.indirect.gather [hbm4b:s6+s10], $0x80, s8, s10, $0xb8;
	[tilespmem:$0x1FBC0] =	vst v63  }
0x55: {  	s17 =	sadd.s32 $0x0, s29  }
0x56: {  	[tilespmem:s12], [sflag:$0x4] =	stream.linear.gather [hbm4b:s17+s5], $0x50, $0x38;
	[tilespmem:$0x1FBC0] =	vst v63  }
0x57: {  	_ =	swait.ge [sflag:s13], $0x50  }
0x58: {  	[sflag:s13] =	ssyncset.done $0x0  }
0x59: {  	s18 =	sadd.s32 $0x0, s28;
	[sflag:s13] =	ssyncadd.s32 $0xFFFFFFB0  }
0x5a: {  	[tilespmem:s14], [sflag:$0x4] =	stream.linear.gather [hbm4b:s18+s5], $0x50, $0x38;
	[tilespmem:$0x1FBC0] =	vst v63  }
0x5b: {  	_ =	swait.ge [sflag:s13], $0x50  }
0x5c: {  	[sflag:s13] =	ssyncset.done $0x0  }
0x5d: {  	[sflag:s13] =	ssyncadd.s32 $0xFFFFFFB0  }
0x5e: {  	[tilespmem:s15], [sflag:$0x2] =	stream.indirect.gather [hbm4b:s6+s10], $0x80, s12, s10, $0xb8;
	[tilespmem:$0x1FBC0] =	vst v63  }
0x5f: {  	_ =	swait.ge [sflag:s22], $0x2800  }
0x60: {  	[sflag:s22] =	ssyncset.done $0x0  }
0x61: {  	[sflag:s22] =	ssyncadd.s32 $0xFFFFD800  }
0x62: {  	[spmem:s2] =	stream.indirect.scatter.add.f32 [tilespmem:s11], [sflag:$0x4], $0x80, s9, s10, $0xb8;
	[tilespmem:$0x1FBC0] =	vst v63  }
0x63: {  	_ =	swait.ge [sflag:s13], $0x2800  }
0x64: {  	[sflag:s13] =	ssyncset.done $0x0  }
0x65: {  	[sflag:s13] =	ssyncadd.s32 $0xFFFFD800  }
0x66: {  	[spmem:s4] =	stream.indirect.scatter.add.f32 [tilespmem:s3], [sflag:$0x4], $0x8, s9, s10, $0xb8;
	[tilespmem:$0x1FBC0] =	vst v63  }
0x67: {  	_ =	swait.ge [sflag:s13], $0x280  }
0x68: {  	s19 =	rddreg [dreg:$0x15]  }
0x69: {  	[sflag:s13] =	ssyncset.done $0x0;
	s20 =	sshrl.u32 s19, $0x3  }
0x6a: {  	[sflag:s13] =	ssyncadd.s32 $0xFFFFFD80;
	s25 =	sadd.s32 s7, s20  }
0x6b: {  	[tilespmem:s8], [sflag:$0x4] =	stream.linear.gather [hbm4b:s25+s5], $0x50, $0x38;
	[tilespmem:$0x1FBC0] =	vst v63  }
0x6c: {  	_ =	swait.ge [sflag:s13], $0x50  }
0x6d: {  	[sflag:s13] =	ssyncset.done $0x0  }
0x6e: {  	s16 =	sadd.s32 s1, s20;
	[sflag:s13] =	ssyncadd.s32 $0xFFFFFFB0  }
0x6f: {  	[tilespmem:s9], [sflag:$0x4] =	stream.linear.gather [hbm4b:s16+s5], $0x50, $0x38;
	[tilespmem:$0x1FBC0] =	vst v63  }
0x70: {  	_ =	swait.ge [sflag:s13], $0x50  }
0x71: {  	[sflag:s13] =	ssyncset.done $0x0  }
0x72: {  	[sflag:s13] =	ssyncadd.s32 $0xFFFFFFB0  }
0x73: {  	[tilespmem:s11], [sflag:$0x1] =	stream.indirect.gather [hbm4b:s6+s10], $0x80, s8, s10, $0xb8;
	[tilespmem:$0x1FBC0] =	vst v63  }
0x74: {  	_ =	swait.ge [sflag:s23], $0x2800  }
0x75: {  	[sflag:s23] =	ssyncset.done $0x0  }
0x76: {  	[sflag:s23] =	ssyncadd.s32 $0xFFFFD800  }
0x77: {  	[spmem:s2] =	stream.indirect.scatter.add.f32 [tilespmem:s15], [sflag:$0x4], $0x80, s14, s10, $0xb8;
	[tilespmem:$0x1FBC0] =	vst v63  }
0x78: {  	_ =	swait.ge [sflag:s13], $0x2800  }
0x79: {  	[sflag:s13] =	ssyncset.done $0x0  }
0x7a: {  	[sflag:s13] =	ssyncadd.s32 $0xFFFFD800  }
0x7b: {  	[spmem:s4] =	stream.indirect.scatter.add.f32 [tilespmem:s3], [sflag:$0x3], $0x8, s14, s10, $0xb8;
	[tilespmem:$0x1FBC0] =	vst v63  }
0x7c: {  	s17 =	simm.s32 $0x28;
	_ =	swait.ge [sflag:s31], $0x280  }
0x7d: {  	s25 =	sadd.s32 $0xA0, s19;
	s16 =	simm.s32 $0x14;
	[sflag:s31] =	ssyncset.done $0x0  }
.LBB2_2:
0x7e: {  	s19 =	sadd.s32 s16, s29  }
0x7f: {  	[sflag:s31] =	ssyncadd.s32 $0xFFFFFD80;
	s20 =	smov.u32 s17;
	s18 =	sadd.s32 $0x14, s17  }
0x80: {  	[tilespmem:s12], [sflag:$0x4] =	stream.linear.gather [hbm4b:s19+s5], $0x50, $0x38;
	[tilespmem:$0x1FBC0] =	vst v63  }
0x81: {  	p0 =	sne.s32 s17, $0x4C4;
	_ =	swait.ge [sflag:s13], $0x50  }
0x82: {  	[sflag:s13] =	ssyncset.done $0x0  }
0x83: {  	s17 =	sadd.s32 s16, s28;
	s16 =	smov.u32 s20;
	[sflag:s13] =	ssyncadd.s32 $0xFFFFFFB0  }
0x84: {  	[tilespmem:s14], [sflag:$0x4] =	stream.linear.gather [hbm4b:s17+s5], $0x50, $0x38;
	[tilespmem:$0x1FBC0] =	vst v63  }
0x85: {  	_ =	swait.ge [sflag:s13], $0x50  }
0x86: {  	[sflag:s13] =	ssyncset.done $0x0  }
0x87: {  	[sflag:s13] =	ssyncadd.s32 $0xFFFFFFB0  }
0x88: {  	[tilespmem:s15], [sflag:$0x2] =	stream.indirect.gather [hbm4b:s6+s10], $0x80, s12, s10, $0xb8;
	[tilespmem:$0x1FBC0] =	vst v63  }
0x89: {  	_ =	swait.ge [sflag:s22], $0x2800  }
0x8a: {  	[sflag:s22] =	ssyncset.done $0x0  }
0x8b: {  	[sflag:s22] =	ssyncadd.s32 $0xFFFFD800  }
0x8c: {  	[spmem:s2] =	stream.indirect.scatter.add.f32 [tilespmem:s11], [sflag:$0x4], $0x80, s9, s10, $0xb8;
	[tilespmem:$0x1FBC0] =	vst v63  }
0x8d: {  	_ =	swait.ge [sflag:s13], $0x2800  }
0x8e: {  	[sflag:s13] =	ssyncset.done $0x0  }
0x8f: {  	[sflag:s13] =	ssyncadd.s32 $0xFFFFD800  }
0x90: {  	[spmem:s4] =	stream.indirect.scatter.add.f32 [tilespmem:s3], [sflag:$0x4], $0x8, s9, s10, $0xb8;
	[tilespmem:$0x1FBC0] =	vst v63  }
0x91: {  	_ =	swait.ge [sflag:s13], $0x280  }
0x92: {  	s17 =	sshrl.u32 s25, $0x3;
	[sflag:s13] =	ssyncset.done $0x0  }
0x93: {  	s19 =	sadd.s32 s7, s17;
	[sflag:s13] =	ssyncadd.s32 $0xFFFFFD80  }
0x94: {  	[tilespmem:s8], [sflag:$0x4] =	stream.linear.gather [hbm4b:s19+s5], $0x50, $0x38;
	[tilespmem:$0x1FBC0] =	vst v63  }
0x95: {  	_ =	swait.ge [sflag:s13], $0x50  }
0x96: {  	[sflag:s13] =	ssyncset.done $0x0  }
0x97: {  	s17 =	sadd.s32 s1, s17;
	[sflag:s13] =	ssyncadd.s32 $0xFFFFFFB0  }
0x98: {  	[tilespmem:s9], [sflag:$0x4] =	stream.linear.gather [hbm4b:s17+s5], $0x50, $0x38;
	[tilespmem:$0x1FBC0] =	vst v63  }
0x99: {  	_ =	swait.ge [sflag:s13], $0x50  }
0x9a: {  	[sflag:s13] =	ssyncset.done $0x0  }
0x9b: {  	[sflag:s13] =	ssyncadd.s32 $0xFFFFFFB0  }
0x9c: {  	[tilespmem:s11], [sflag:$0x1] =	stream.indirect.gather [hbm4b:s6+s10], $0x80, s8, s10, $0xb8;
	[tilespmem:$0x1FBC0] =	vst v63  }
0x9d: {  	_ =	swait.ge [sflag:s23], $0x2800  }
0x9e: {  	[sflag:s23] =	ssyncset.done $0x0  }
0x9f: {  	[sflag:s23] =	ssyncadd.s32 $0xFFFFD800  }
0xa0: {  	[spmem:s2] =	stream.indirect.scatter.add.f32 [tilespmem:s15], [sflag:$0x4], $0x80, s14, s10, $0xb8;
	[tilespmem:$0x1FBC0] =	vst v63  }
0xa1: {  	_ =	swait.ge [sflag:s13], $0x2800  }
.Ltmp0:
0xa2: {  	[sflag:s13] =	ssyncset.done $0x0;
	(pc) =	sbr.rel @p0 .LBB2_2-.Ltmp0, $4  }
0xa3: {  	[sflag:s13] =	ssyncadd.s32 $0xFFFFD800  }
0xa4: {  	[spmem:s4] =	stream.indirect.scatter.add.f32 [tilespmem:s3], [sflag:$0x3], $0x8, s14, s10, $0xb8;
	[tilespmem:$0x1FBC0] =	vst v63  }
0xa5: {  	_ =	swait.ge [sflag:s31], $0x280  }
0xa6: {  	s25 =	sadd.s32 $0xA0, s25;
	s17 =	smov.u32 s18;
	[sflag:s31] =	ssyncset.done $0x0  }
0xa7: {  	s17 =	sadd.s32 s16, s29;
	[sflag:s31] =	ssyncadd.s32 $0xFFFFFD80  }
0xa8: {  	[tilespmem:s12], [sflag:$0x4] =	stream.linear.gather [hbm4b:s17+s5], $0x50, $0x38;
	[tilespmem:$0x1FBC0] =	vst v63  }
0xa9: {  	_ =	swait.ge [sflag:s13], $0x50  }
0xaa: {  	[sflag:s13] =	ssyncset.done $0x0  }
0xab: {  	s19 =	sadd.s32 s16, s28;
	[sflag:s13] =	ssyncadd.s32 $0xFFFFFFB0  }
0xac: {  	[tilespmem:s14], [sflag:$0x4] =	stream.linear.gather [hbm4b:s19+s5], $0x50, $0x38;
	[tilespmem:$0x1FBC0] =	vst v63  }
0xad: {  	_ =	swait.ge [sflag:s13], $0x50  }
0xae: {  	[sflag:s13] =	ssyncset.done $0x0  }
0xaf: {  	[sflag:s13] =	ssyncadd.s32 $0xFFFFFFB0  }
0xb0: {  	[tilespmem:s15], [sflag:$0x2] =	stream.indirect.gather [hbm4b:s6+s10], $0x80, s12, s10, $0xb8;
	[tilespmem:$0x1FBC0] =	vst v63  }
0xb1: {  	_ =	swait.ge [sflag:s22], $0x2800  }
0xb2: {  	[sflag:s22] =	ssyncset.done $0x0  }
0xb3: {  	[sflag:s22] =	ssyncadd.s32 $0xFFFFD800  }
0xb4: {  	[spmem:s2] =	stream.indirect.scatter.add.f32 [tilespmem:s11], [sflag:$0x4], $0x80, s9, s10, $0xb8;
	[tilespmem:$0x1FBC0] =	vst v63  }
0xb5: {  	_ =	swait.ge [sflag:s13], $0x2800  }
0xb6: {  	[sflag:s13] =	ssyncset.done $0x0  }
0xb7: {  	[sflag:s13] =	ssyncadd.s32 $0xFFFFD800  }
0xb8: {  	[spmem:s4] =	stream.indirect.scatter.add.f32 [tilespmem:s3], [sflag:$0x4], $0x8, s9, s10, $0xb8;
	[tilespmem:$0x1FBC0] =	vst v63  }
0xb9: {  	_ =	swait.ge [sflag:s13], $0x280  }
0xba: {  	s20 =	sshrl.u32 s25, $0x3;
	[sflag:s13] =	ssyncset.done $0x0  }
0xbb: {  	s25 =	sadd.s32 s7, s20;
	[sflag:s13] =	ssyncadd.s32 $0xFFFFFD80  }
0xbc: {  	[tilespmem:s8], [sflag:$0x4] =	stream.linear.gather [hbm4b:s25+s5], $0x50, $0x38;
	[tilespmem:$0x1FBC0] =	vst v63  }
0xbd: {  	_ =	swait.ge [sflag:s13], $0x50  }
0xbe: {  	[sflag:s13] =	ssyncset.done $0x0  }
0xbf: {  	s16 =	sadd.s32 s1, s20;
	[sflag:s13] =	ssyncadd.s32 $0xFFFFFFB0  }
0xc0: {  	[tilespmem:s9], [sflag:$0x4] =	stream.linear.gather [hbm4b:s16+s5], $0x50, $0x38;
	[tilespmem:$0x1FBC0] =	vst v63  }
0xc1: {  	_ =	swait.ge [sflag:s13], $0x50  }
0xc2: {  	[sflag:s13] =	ssyncset.done $0x0  }
0xc3: {  	[sflag:s13] =	ssyncadd.s32 $0xFFFFFFB0  }
0xc4: {  	[tilespmem:s11], [sflag:$0x1] =	stream.indirect.gather [hbm4b:s6+s10], $0x80, s8, s10, $0xb8;
	[tilespmem:$0x1FBC0] =	vst v63  }
0xc5: {  	_ =	swait.ge [sflag:s23], $0x2800  }
0xc6: {  	[sflag:s23] =	ssyncset.done $0x0  }
0xc7: {  	[sflag:s23] =	ssyncadd.s32 $0xFFFFD800  }
0xc8: {  	[spmem:s2] =	stream.indirect.scatter.add.f32 [tilespmem:s15], [sflag:$0x4], $0x80, s14, s10, $0xb8;
	[tilespmem:$0x1FBC0] =	vst v63  }
0xc9: {  	_ =	swait.ge [sflag:s13], $0x2800  }
0xca: {  	[sflag:s13] =	ssyncset.done $0x0  }
0xcb: {  	[sflag:s13] =	ssyncadd.s32 $0xFFFFD800  }
0xcc: {  	[spmem:s4] =	stream.indirect.scatter.add.f32 [tilespmem:s3], [sflag:$0x3], $0x8, s14, s10, $0xb8;
	[tilespmem:$0x1FBC0] =	vst v63  }
0xcd: {  	_ =	swait.ge [sflag:s31], $0x280  }
0xce: {  	[sflag:s31] =	ssyncset.done $0x0  }
0xcf: {  	[sflag:s31] =	ssyncadd.s32 $0xFFFFFD80  }
0xd0: {  	_ =	swait.ge [sflag:s22], $0x2800  }
0xd1: {  	[sflag:s22] =	ssyncset.done $0x0  }
0xd2: {  	[sflag:s22] =	ssyncadd.s32 $0xFFFFD800  }
0xd3: {  	[spmem:s2] =	stream.indirect.scatter.add.f32 [tilespmem:s11], [sflag:$0x4], $0x80, s9, s10, $0xb8;
	[tilespmem:$0x1FBC0] =	vst v63  }
0xd4: {  	_ =	swait.ge [sflag:s13], $0x2800  }
0xd5: {  	[sflag:s13] =	ssyncset.done $0x0  }
0xd6: {  	[sflag:s13] =	ssyncadd.s32 $0xFFFFD800  }
0xd7: {  	[spmem:s4] =	stream.indirect.scatter.add.f32 [tilespmem:s3], [sflag:$0x4], $0x8, s9, s10, $0xb8;
	[tilespmem:$0x1FBC0] =	vst v63  }
0xd8: {  	_ =	swait.ge [sflag:s13], $0x280  }
0xd9: {  	[sflag:s13] =	ssyncset.done $0x0  }
0xda: {  	[sflag:s13] =	ssyncadd.s32 $0xFFFFFD80  }
0xdb: {  	[bflag:$0x0] =	sbarrier.arrive $0xFFFF  }
0xdc: {  	[tilespmem:s30], [sflag:$0x3] =	stream.linear.gather [spmem:s21], $0x4000, $0x38;
	[tilespmem:$0x1FBC0] =	vst v63  }
0xdd: {  	_ =	swait.ge [sflag:s31], $0x4000  }
0xde: {  	[sflag:s31] =	ssyncset.done $0x0  }
0xdf: {  	s0 =	rddreg [dreg:$0x5];
	[sflag:s31] =	ssyncadd.s32 $0xFFFFC000  }
0xe0: {  	[hbm4b:s0+s5] =	stream.linear.scatter [tilespmem:s30], [sflag:$0x3], $0x4000, $0x38;
	[tilespmem:$0x1FBC0] =	vst v63  }
0xe1: {  	_ =	swait.ge [sflag:s31], $0x4000  }
0xe2: {  	[sflag:s31] =	ssyncset.done $0x0  }
0xe3: {  	s20 =	rddreg [dreg:$0x16];
	[sflag:s31] =	ssyncadd.s32 $0xFFFFC000  }
0xe4: {  	[tilespmem:s30], [sflag:$0x3] =	stream.linear.gather [spmem:s20], $0x4000, $0x38;
	[tilespmem:$0x1FBC0] =	vst v63  }
0xe5: {  	_ =	swait.ge [sflag:s31], $0x4000  }
0xe6: {  	[sflag:s31] =	ssyncset.done $0x0  }
0xe7: {  	s17 =	rddreg [dreg:$0x6];
	[sflag:s31] =	ssyncadd.s32 $0xFFFFC000  }
0xe8: {  	[hbm4b:s17+s5] =	stream.linear.scatter [tilespmem:s30], [sflag:$0x3], $0x4000, $0x38;
	[tilespmem:$0x1FBC0] =	vst v63  }
0xe9: {  	_ =	swait.ge [sflag:s31], $0x4000  }
0xea: {  	[sflag:s31] =	ssyncset.done $0x0  }
0xeb: {  	s25 =	rddreg [dreg:$0x10];
	[sflag:s31] =	ssyncadd.s32 $0xFFFFC000  }
0xec: {  	[tilespmem:s30], [sflag:$0x3] =	stream.linear.gather [spmem:s25], $0x4000, $0x38;
	[tilespmem:$0x1FBC0] =	vst v63  }
0xed: {  	_ =	swait.ge [sflag:s31], $0x4000  }
0xee: {  	[sflag:s31] =	ssyncset.done $0x0  }
0xef: {  	s18 =	rddreg [dreg:$0x7];
	[sflag:s31] =	ssyncadd.s32 $0xFFFFC000  }
0xf0: {  	[hbm4b:s18+s5] =	stream.linear.scatter [tilespmem:s30], [sflag:$0x3], $0x4000, $0x38;
	[tilespmem:$0x1FBC0] =	vst v63  }
0xf1: {  	_ =	swait.ge [sflag:s31], $0x4000  }
0xf2: {  	[sflag:s31] =	ssyncset.done $0x0  }
0xf3: {  	s17 =	rddreg [dreg:$0xd];
	[sflag:s31] =	ssyncadd.s32 $0xFFFFC000  }
0xf4: {  	[tilespmem:s30], [sflag:$0x3] =	stream.linear.gather [spmem:s17], $0x4000, $0x38;
	[tilespmem:$0x1FBC0] =	vst v63  }
0xf5: {  	_ =	swait.ge [sflag:s31], $0x4000  }
0xf6: {  	[sflag:s31] =	ssyncset.done $0x0  }
0xf7: {  	s19 =	smov.u32 s21;
	s21 =	rddreg [dreg:$0x8];
	[sflag:s31] =	ssyncadd.s32 $0xFFFFC000  }
0xf8: {  	[hbm4b:s21+s5] =	stream.linear.scatter [tilespmem:s30], [sflag:$0x3], $0x4000, $0x38;
	[tilespmem:$0x1FBC0] =	vst v63  }
0xf9: {  	_ =	swait.ge [sflag:s31], $0x4000  }
0xfa: {  	[sflag:s31] =	ssyncset.done $0x0  }
0xfb: {  	s18 =	rddreg [dreg:$0xe];
	[sflag:s31] =	ssyncadd.s32 $0xFFFFC000  }
0xfc: {  	[tilespmem:s30], [sflag:$0x3] =	stream.linear.gather [spmem:s18], $0x4000, $0x38;
	[tilespmem:$0x1FBC0] =	vst v63  }
0xfd: {  	_ =	swait.ge [sflag:s31], $0x4000  }
0xfe: {  	[sflag:s31] =	ssyncset.done $0x0  }
0xff: {  	s0 =	rddreg [dreg:$0x9];
	[sflag:s31] =	ssyncadd.s32 $0xFFFFC000  }
0x100: {  	[hbm4b:s0+s5] =	stream.linear.scatter [tilespmem:s30], [sflag:$0x3], $0x4000, $0x38;
	[tilespmem:$0x1FBC0] =	vst v63  }
0x101: {  	_ =	swait.ge [sflag:s31], $0x4000  }
0x102: {  	[sflag:s31] =	ssyncset.done $0x0  }
0x103: {  	s21 =	simm.s32 $0x19400;
	s16 =	rddreg [dreg:$0xf];
	[sflag:s31] =	ssyncadd.s32 $0xFFFFC000  }
0x104: {  	[tilespmem:s21], [sflag:$0x3] =	stream.linear.gather [spmem:s16], $0x1400, $0x38;
	[tilespmem:$0x1FBC0] =	vst v63  }
0x105: {  	_ =	swait.ge [sflag:s31], $0x1400  }
0x106: {  	[sflag:s31] =	ssyncset.done $0x0  }
0x107: {  	s0 =	rddreg [dreg:$0x13];
	[sflag:s31] =	ssyncadd.s32 $0xFFFFEC00  }
0x108: {  	[hbm4b:s0+s5] =	stream.linear.scatter [tilespmem:s21], [sflag:$0x3], $0x1400, $0x38;
	[tilespmem:$0x1FBC0] =	vst v63  }
0x109: {  	_ =	swait.ge [sflag:s31], $0x1400  }
0x10a: {  	s24 =	sadd.s32 $0x1, s24;
	s21 =	rddreg [dreg:$0x14]  }
0x10b: {  	p0 =	sne.s32 s24, s21  }
.Ltmp1:
0x10c: {  	_ = 	snop;
	(pc) =	sbr.rel @p0 .LBB2_1-.Ltmp1, $3  }
0x10d: {  	_ =	sdelay $0x1  }
0x10e: {  	[sflag:s31] =	ssyncset.done $0x0  }
0x10f: {  	[sflag:s31] =	ssyncadd.s32 $0xFFFFEC00  }
0x110: {  	_ =	sfence.sel $0x180000  }
0x111: {  	[bflag:$0x0] =	sbarrier.arrive $0xFFFF  }
0x112: {  	_ =	strace $0x90000047  }
0x113: {  	s0 =	stileid.u32;
	[bflag:$0x2] =	sbarrier.arrive $0xFFFF  }
0x114: {  	p0 =	sne.s32 s0, $0x0;
	s0 =	rddreg [dreg:$0x4]  }
0x115: {  	s0 =	sadd.s32 @!p0 $0x100000, s0  }
0x116: {  	[sflag:s0] =	ssyncadd.tile.s32 @!p0 $0x1;
	_ =	shalt  }
.Lfunc_end2:
_tile_overlayer_lowered:
.L_overlay_start_2:
0x117: {  	(tag) =	ssettag $0x2  }
0x118: {  	s0 =	rddreg [dreg:$0x0];
	s2 =	stileid.u32  }
0x119: {  	s1 =	rddreg [dreg:$0x1];
	p0 =	sne.s32 s2, $0x0  }
0x11a: {  	s3 =	rddreg [dreg:$0x2];
	[bflag:$0x3] =	sbarrier.arrive $0xFFFF;
	s2 =	simm.s32 @!p0 $0x1C03  }
0x11b: {  	[timem:s3], [sflag:s2] =	dma.local @!p0 [hbm:s0], s1  }
0x11c: {  	s0 =	simm.s32 @!p0 $0x3  }
0x11d: {  	_ =	swait.ge @!p0 [sflag:s0], s1  }
0x11e: {  	s1 =	ssub.s32 @!p0 $0x0, s1;
	[sflag:s0] =	ssyncset.done @!p0 $0x0  }
0x11f: {  	[sflag:s0] =	ssyncadd.s32 @!p0 s1  }
0x120: {  	[bflag:$0x3] =	sbarrier.arrive $0xFFFF  }
0x121: {  	_ =	shalt  }

</sc_bundles>
